<compile_context>
chip_gen: v7x
topology: tpu7x:2x2x1
jax: 0.10.2.dev20260603
libtpu: 0.0.44.dev20260713+nightly
codegen_flags: <defaults>
</compile_context>

<pallas_src>
import functools

import jax
import jax.numpy as jnp
from jax import lax
from jax.experimental import pallas as pl
from jax.experimental.pallas import tpu as pltpu
from jax.experimental.pallas import tpu_sc as plsc

_NC = 2
_NS = 16
_NW = _NC * _NS
_L = 16

_CHUNK = 1024
_FCHUNK = 2000


def _rsqrt(x):
    bits = lax.bitcast_convert_type(x, jnp.int32)
    y = lax.bitcast_convert_type(
        jnp.int32(0x5F3759DF) - lax.shift_right_logical(bits, 1), jnp.float32
    )
    for _ in range(3):
        t = x * y
        y = y * (1.5 - 0.5 * t * y)
    return y


def _acos(x):
    ax = jnp.abs(x)
    omx = 1.0 - ax
    s = omx * _rsqrt(omx)
    p = ((-0.0187293 * ax + 0.0742610) * ax - 0.2121144) * ax + 1.5707288
    pos = s * p
    return jnp.where(x >= 0.0, pos, 3.14159265358979 - pos)


def _body(xs_hbm, ys_hbm, zs_hbm, ti_hbm, tj_hbm, tk_hbm, tl_hbm, out_hbm,
          scr_hbm,
          ids0_a, ids0_b, ids0_c, ids0_d,
          ids1_a, ids1_b, ids1_c, ids1_d,
          rows0_a, rows0_b, rows0_c, rows0_d,
          rows1_a, rows1_b, rows1_c, rows1_d,
          fx, fy, fz, fi, out_v,
          sem, sem_ids0, sem_ids1, sem_rows0, sem_rows1,
          *, n_tors, n_atoms):
    cid_c = lax.axis_index("c")
    cid_s = lax.axis_index("s")
    w = cid_s * _NC + cid_c

    iota = lax.iota(jnp.int32, _L)
    col = [jnp.full((_L,), c, jnp.int32) for c in range(3)]
    tcols = (ti_hbm, tj_hbm, tk_hbm, tl_hbm)
    comps = (xs_hbm, ys_hbm, zs_hbm)
    fbufs = (fx, fy, fz)
    ids_bufs = ((ids0_a, ids0_b, ids0_c, ids0_d),
                (ids1_a, ids1_b, ids1_c, ids1_d))
    row_bufs = ((rows0_a, rows0_b, rows0_c, rows0_d),
                (rows1_a, rows1_b, rows1_c, rows1_d))
    sem_ids = (sem_ids0, sem_ids1)
    sem_rows = (sem_rows0, sem_rows1)

    assert n_atoms % _FCHUNK == 0 and _FCHUNK % _L == 0
    n_fill = n_atoms // _FCHUNK
    fgrp = _FCHUNK // _L

    def fill_chunk(t, carry):
        cid = cid_s + _NS * t

        @pl.when(cid < n_fill)
        def _():
            fb = pl.multiple_of(cid * _FCHUNK, _FCHUNK)
            h = [pltpu.async_copy(comps[c].at[pl.ds(fb, _FCHUNK)], fbufs[c],
                                  sem) for c in range(3)]
            for hh in h:
                hh.wait()

            def interleave(g, carry2):
                rb = g * _L
                ridx = rb + iota
                for c in range(3):
                    v = fbufs[c][pl.ds(rb, _L)]
                    plsc.store_scatter(fi, [ridx, col[c]], v)
                return carry2

            lax.fori_loop(0, fgrp, interleave, 0)
            pltpu.sync_copy(fi, scr_hbm.at[pl.ds(fb, _FCHUNK)])

        return carry

    lax.fori_loop(0, (n_fill + _NS - 1) // _NS, fill_chunk, 0)
    plsc.subcore_barrier()

    n_full = n_tors // _CHUNK
    tail = n_tors - n_full * _CHUNK
    assert tail % _L == 0 and tail % 8 == 0

    def start_ids(cid, p):
        base = pl.multiple_of(cid * _CHUNK, _CHUNK)
        for a in range(4):
            pltpu.make_async_copy(tcols[a].at[pl.ds(base, _CHUNK)],
                                  ids_bufs[p][a], sem_ids[p]).start()

    def wait_ids(p):
        for a in range(4):
            pltpu.make_async_copy(tcols[a].at[pl.ds(0, _CHUNK)],
                                  ids_bufs[p][a], sem_ids[p]).wait()

    def start_rows(p):
        for a in range(4):
            pltpu.make_async_copy(scr_hbm.at[ids_bufs[p][a]],
                                  row_bufs[p][a], sem_rows[p]).start()

    def wait_rows(p):
        for a in range(4):
            pltpu.make_async_copy(scr_hbm.at[ids_bufs[p][a]],
                                  row_bufs[p][a], sem_rows[p]).wait()

    def compute_chunk(p, base, length):
        ngrp = length // _L

        def compute(g, carry):
            rb = g * _L
            ridx = rb + iota
            r = [[plsc.load_gather(buf, [ridx, col[c]]) for c in range(3)]
                 for buf in row_bufs[p]]
            ri, rj, rk, rl = r
            b1 = [rj[c] - ri[c] for c in range(3)]
            b2 = [rk[c] - rj[c] for c in range(3)]
            b3 = [rl[c] - rk[c] for c in range(3)]

            def cross(u, v):
                return [u[1] * v[2] - u[2] * v[1],
                        u[2] * v[0] - u[0] * v[2],
                        u[0] * v[1] - u[1] * v[0]]

            n1 = cross(b1, b2)
            n2 = cross(b2, b3)
            d12 = n1[0] * n2[0] + n1[1] * n2[1] + n1[2] * n2[2]
            q1 = n1[0] * n1[0] + n1[1] * n1[1] + n1[2] * n1[2]
            q2 = n2[0] * n2[0] + n2[1] * n2[1] + n2[2] * n2[2]
            d3 = n1[0] * b3[0] + n1[1] * b3[1] + n1[2] * b3[2]
            cosv = d12 * _rsqrt(q1 * q2)
            cosv = jnp.clip(cosv, -1.0, 1.0)
            phi = _acos(cosv)
            phi = jnp.where(d3 > 0.0, phi, -phi)
            out_v[pl.ds(rb, _L)] = phi
            return carry

        lax.fori_loop(0, ngrp, compute, 0)
        pltpu.sync_copy(out_v.at[pl.ds(0, length)],
                        out_hbm.at[pl.ds(base, length)])

    max_t = (n_full + _NW - 1) // _NW

    @pl.when(w < n_full)
    def _():
        start_ids(w, 0)
        wait_ids(0)
        start_rows(0)

        @pl.when(w + _NW < n_full)
        def _():
            start_ids(w + _NW, 1)

    def chunk_loop(t, carry):
        cid = w + _NW * t
        p = lax.rem(t, 2)

        @pl.when(cid < n_full)
        def _():
            def on_parity(p):
                wait_rows(p)

                @pl.when(cid + _NW < n_full)
                def _():
                    wait_ids(1 - p)
                    start_rows(1 - p)

                    @pl.when(cid + 2 * _NW < n_full)
                    def _():
                        start_ids(cid + 2 * _NW, p)

                compute_chunk(p, pl.multiple_of(cid * _CHUNK, _CHUNK), _CHUNK)

            lax.cond(p == 0, lambda: on_parity(0), lambda: on_parity(1))

        return carry

    lax.fori_loop(0, max_t, chunk_loop, 0)

    if tail:
        @pl.when(w == _NW - 1)
        def _():
            base = n_full * _CHUNK
            for a in range(4):
                pltpu.make_async_copy(tcols[a].at[pl.ds(base, tail)],
                                      ids_bufs[0][a].at[pl.ds(0, tail)],
                                      sem_ids[0]).start()
            for a in range(4):
                pltpu.make_async_copy(tcols[a].at[pl.ds(base, tail)],
                                      ids_bufs[0][a].at[pl.ds(0, tail)],
                                      sem_ids[0]).wait()
            for a in range(4):
                pltpu.make_async_copy(
                    scr_hbm.at[ids_bufs[0][a].at[pl.ds(0, tail)]],
                    row_bufs[0][a].at[pl.ds(0, tail)], sem_rows[0]).start()
            for a in range(4):
                pltpu.make_async_copy(
                    scr_hbm.at[ids_bufs[0][a].at[pl.ds(0, tail)]],
                    row_bufs[0][a].at[pl.ds(0, tail)], sem_rows[0]).wait()
            compute_chunk(0, base, tail)


@jax.jit
def _torsion_sc(coords, torsions):
    n_tors = torsions.shape[0]
    n_atoms = coords.shape[0]
    xs = coords[:, 0]
    ys = coords[:, 1]
    zs = coords[:, 2]
    ti = torsions[:, 0]
    tj = torsions[:, 1]
    tk = torsions[:, 2]
    tl = torsions[:, 3]
    mesh = plsc.VectorSubcoreMesh(core_axis_name="c", subcore_axis_name="s")
    ids_t = pltpu.VMEM((_CHUNK,), jnp.int32)
    rows_t = pltpu.VMEM((_CHUNK, 8), jnp.float32)
    kern = pl.kernel(
        functools.partial(_body, n_tors=n_tors, n_atoms=n_atoms),
        out_type=jax.ShapeDtypeStruct((n_tors,), jnp.float32),
        mesh=mesh,
        scratch_types=[
            pltpu.HBM((n_atoms, 8), jnp.float32),
            ids_t, ids_t, ids_t, ids_t,
            ids_t, ids_t, ids_t, ids_t,
            rows_t, rows_t, rows_t, rows_t,
            rows_t, rows_t, rows_t, rows_t,
            pltpu.VMEM((_FCHUNK,), jnp.float32),
            pltpu.VMEM((_FCHUNK,), jnp.float32),
            pltpu.VMEM((_FCHUNK,), jnp.float32),
            pltpu.VMEM((_FCHUNK, 8), jnp.float32),
            pltpu.VMEM((_CHUNK,), jnp.float32),
            pltpu.SemaphoreType.DMA,
            pltpu.SemaphoreType.DMA,
            pltpu.SemaphoreType.DMA,
            pltpu.SemaphoreType.DMA,
            pltpu.SemaphoreType.DMA,
        ],
        compiler_params=pltpu.CompilerParams(
            needs_layout_passes=False, use_tc_tiling_on_sc=False),
    )
    return kern(xs, ys, zs, ti, tj, tk, tl)


def kernel(coords, torsions):
    return _torsion_sc(coords, torsions)

# --- scband reference (transcript-rebuilt; emitter-appended) ---
"""Pipeline reference for scband-torsion-5454608466123 (READ-ONLY COPY).

The authoritative reference and input builder live on the scoring server;
editing this copy changes nothing except your own understanding.
"""

import jax, jax.numpy as jnp
import numpy as np

N_ATOMS = 500000
N_TORSIONS = 2000000


def setup_inputs(seed: int = 0) -> dict:
    key = jax.random.key(seed)
    k1, k2 = jax.random.split(key)
    coords = jax.random.normal(k1, (N_ATOMS, 3), dtype=jnp.float32) * 10.0
    torsions = jax.random.randint(k2, (N_TORSIONS, 4), 0, N_ATOMS, dtype=jnp.int32)
    return {"coords": coords, "torsions": torsions}


def reference(coords, torsions):
    i = torsions[:, 0]
    j = torsions[:, 1]
    k = torsions[:, 2]
    l = torsions[:, 3]
    r_i = jnp.take(coords, i, axis=0)
    r_j = jnp.take(coords, j, axis=0)
    r_k = jnp.take(coords, k, axis=0)
    r_l = jnp.take(coords, l, axis=0)
    b1 = r_j - r_i
    b2 = r_k - r_j
    b3 = r_l - r_k
    n1 = jnp.cross(b1, b2)
    n2 = jnp.cross(b2, b3)
    n1_norm = jnp.linalg.norm(n1, axis=1)
    n2_norm = jnp.linalg.norm(n2, axis=1)
    cosval = jnp.sum(n1 * n2, axis=1) / (n1_norm * n2_norm)
    cosval = jnp.clip(cosval, -0.999999999, 0.99999999)
    phi = jnp.arccos(cosval)
    sign = jnp.sign(jnp.sum(n1 * b3, axis=1))
    phi = jnp.where(sign > 0, phi, -phi)
    return phi

if __name__ == "__main__":
    import jax
    _d = setup_inputs()
    print(jax.jit(kernel)(*tuple(_d.values())))

</pallas_src>

<mosaic_0001>
#map = affine_map<(d0, d1) -> (0)>
module attributes {stable_mosaic.version = 14 : i64} {
  func.func @_body(%arg0: i32, %arg1: i32, %arg2: memref<500000xf32, #tpu.memory_space<hbm>>, %arg3: memref<500000xf32, #tpu.memory_space<hbm>>, %arg4: memref<500000xf32, #tpu.memory_space<hbm>>, %arg5: memref<2000000xi32, #tpu.memory_space<hbm>>, %arg6: memref<2000000xi32, #tpu.memory_space<hbm>>, %arg7: memref<2000000xi32, #tpu.memory_space<hbm>>, %arg8: memref<2000000xi32, #tpu.memory_space<hbm>>, %arg9: memref<2000000xf32, #tpu.memory_space<hbm>>, %arg10: memref<500000x8xf32, #tpu.memory_space<hbm>>, %arg11: memref<1024xi32, #tpu.memory_space<vmem>>, %arg12: memref<1024xi32, #tpu.memory_space<vmem>>, %arg13: memref<1024xi32, #tpu.memory_space<vmem>>, %arg14: memref<1024xi32, #tpu.memory_space<vmem>>, %arg15: memref<1024xi32, #tpu.memory_space<vmem>>, %arg16: memref<1024xi32, #tpu.memory_space<vmem>>, %arg17: memref<1024xi32, #tpu.memory_space<vmem>>, %arg18: memref<1024xi32, #tpu.memory_space<vmem>>, %arg19: memref<1024x8xf32, #tpu.memory_space<vmem>>, %arg20: memref<1024x8xf32, #tpu.memory_space<vmem>>, %arg21: memref<1024x8xf32, #tpu.memory_space<vmem>>, %arg22: memref<1024x8xf32, #tpu.memory_space<vmem>>, %arg23: memref<1024x8xf32, #tpu.memory_space<vmem>>, %arg24: memref<1024x8xf32, #tpu.memory_space<vmem>>, %arg25: memref<1024x8xf32, #tpu.memory_space<vmem>>, %arg26: memref<1024x8xf32, #tpu.memory_space<vmem>>, %arg27: memref<2000xf32, #tpu.memory_space<vmem>>, %arg28: memref<2000xf32, #tpu.memory_space<vmem>>, %arg29: memref<2000xf32, #tpu.memory_space<vmem>>, %arg30: memref<2000x8xf32, #tpu.memory_space<vmem>>, %arg31: memref<1024xf32, #tpu.memory_space<vmem>>, %arg32: memref<!tpu.dma_semaphore, #tpu.memory_space<semaphore_mem>>, %arg33: memref<!tpu.dma_semaphore, #tpu.memory_space<semaphore_mem>>, %arg34: memref<!tpu.dma_semaphore, #tpu.memory_space<semaphore_mem>>, %arg35: memref<!tpu.dma_semaphore, #tpu.memory_space<semaphore_mem>>, %arg36: memref<!tpu.dma_semaphore, #tpu.memory_space<semaphore_mem>>) attributes {dimension_semantics = [#tpu.dimension_semantics<core_parallel>, #tpu.dimension_semantics<subcore_parallel>], iteration_bounds = array<i64: 2, 16>, scalar_prefetch = 0 : i64, scratch_operands = 27 : i64, tpu.core_type = #tpu.core_type<sc_vector_subcore>, window_params = [{transform_indices = #map}, {transform_indices = #map}, {transform_indices = #map}, {transform_indices = #map}, {transform_indices = #map}, {transform_indices = #map}, {transform_indices = #map}, {transform_indices = #map}]} {
    %mul3A = arith.constant 2 : i32
    %mul3A_0 = arith.muli %arg1, %mul3A : i32
    %add3A = arith.addi %mul3A_0, %arg0 : i32
    %iota3A = tpu.iota {dimensions = array<i32: 0>} : vector<16xi32>
    %broadcast_in_dim3A = arith.constant 0 : i32
    %broadcast_in_dim3A_1 = vector.broadcast %broadcast_in_dim3A : i32 to vector<16xi32>
    %broadcast_in_dim3A_2 = arith.constant 1 : i32
    %broadcast_in_dim3A_3 = vector.broadcast %broadcast_in_dim3A_2 : i32 to vector<16xi32>
    %broadcast_in_dim3A_4 = arith.constant 2 : i32
    %broadcast_in_dim3A_5 = vector.broadcast %broadcast_in_dim3A_4 : i32 to vector<16xi32>
    %scan3A = arith.constant 0 : i32
    %scan3A_6 = arith.constant 0 : i32
    %scan3A_7 = arith.constant 16 : i32
    %scan3A_8 = arith.addi %scan3A_6, %scan3A_7 : i32
    %scan3A_9 = arith.constant 1 : i32
    scf.for %scan3A_23 = %scan3A_6 to %scan3A_8 step %scan3A_9  : i32 {
      %mul3A_24 = arith.constant 16 : i32
      %mul3A_25 = arith.muli %mul3A_24, %scan3A_23 : i32
      %add3A_26 = arith.addi %arg1, %mul3A_25 : i32
      %lt3A_27 = arith.constant 250 : i32
      %lt3A_28 = arith.cmpi slt, %add3A_26, %lt3A_27 : i32
      %convert_element_type3A_29 = arith.extui %lt3A_28 : i1 to i32
      %cond3A_30 = arith.constant 0 : i32
      %cond3A_31 = arith.cmpi ne, %convert_element_type3A_29, %cond3A_30 : i32
      scf.if %cond3A_31 {
        %mul3A_32 = arith.constant 2000 : i32
        %mul3A_33 = arith.muli %add3A_26, %mul3A_32 : i32
        %multiple_of3A = tpu.assume_multiple %mul3A_33, 2000 : i32
        %dma_start3A = tpu.memref_slice %arg2[%multiple_of3A] : memref<500000xf32, #tpu.memory_space<hbm>> -> memref<2000xf32, #tpu.memory_space<hbm>>
        %dma_start3A_34 = tpu.memref_slice %arg2[%multiple_of3A] : memref<500000xf32, #tpu.memory_space<hbm>> -> memref<2000xf32, #tpu.memory_space<hbm>>
        tpu.enqueue_dma source(%dma_start3A_34 : memref<2000xf32, #tpu.memory_space<hbm>>) target(%arg27 : memref<2000xf32, #tpu.memory_space<vmem>>) target_semaphore(%arg32 : memref<!tpu.dma_semaphore, #tpu.memory_space<semaphore_mem>>)
        %dma_start3A_35 = tpu.memref_slice %arg3[%multiple_of3A] : memref<500000xf32, #tpu.memory_space<hbm>> -> memref<2000xf32, #tpu.memory_space<hbm>>
        %dma_start3A_36 = tpu.memref_slice %arg3[%multiple_of3A] : memref<500000xf32, #tpu.memory_space<hbm>> -> memref<2000xf32, #tpu.memory_space<hbm>>
        tpu.enqueue_dma source(%dma_start3A_36 : memref<2000xf32, #tpu.memory_space<hbm>>) target(%arg28 : memref<2000xf32, #tpu.memory_space<vmem>>) target_semaphore(%arg32 : memref<!tpu.dma_semaphore, #tpu.memory_space<semaphore_mem>>)
        %dma_start3A_37 = tpu.memref_slice %arg4[%multiple_of3A] : memref<500000xf32, #tpu.memory_space<hbm>> -> memref<2000xf32, #tpu.memory_space<hbm>>
        %dma_start3A_38 = tpu.memref_slice %arg4[%multiple_of3A] : memref<500000xf32, #tpu.memory_space<hbm>> -> memref<2000xf32, #tpu.memory_space<hbm>>
        tpu.enqueue_dma source(%dma_start3A_38 : memref<2000xf32, #tpu.memory_space<hbm>>) target(%arg29 : memref<2000xf32, #tpu.memory_space<vmem>>) target_semaphore(%arg32 : memref<!tpu.dma_semaphore, #tpu.memory_space<semaphore_mem>>)
        %dma_wait3A = tpu.memref_slice %arg2[%multiple_of3A] : memref<500000xf32, #tpu.memory_space<hbm>> -> memref<2000xf32, #tpu.memory_space<hbm>>
        %dma_wait3A_39 = tpu.memref_slice %arg2[%multiple_of3A] : memref<500000xf32, #tpu.memory_space<hbm>> -> memref<2000xf32, #tpu.memory_space<hbm>>
        tpu.wait_dma2 semaphore(%arg32 : memref<!tpu.dma_semaphore, #tpu.memory_space<semaphore_mem>>) src(%dma_wait3A_39 : memref<2000xf32, #tpu.memory_space<hbm>>) dst(%arg27 : memref<2000xf32, #tpu.memory_space<vmem>>)
        %dma_wait3A_40 = tpu.memref_slice %arg3[%multiple_of3A] : memref<500000xf32, #tpu.memory_space<hbm>> -> memref<2000xf32, #tpu.memory_space<hbm>>
        %dma_wait3A_41 = tpu.memref_slice %arg3[%multiple_of3A] : memref<500000xf32, #tpu.memory_space<hbm>> -> memref<2000xf32, #tpu.memory_space<hbm>>
        tpu.wait_dma2 semaphore(%arg32 : memref<!tpu.dma_semaphore, #tpu.memory_space<semaphore_mem>>) src(%dma_wait3A_41 : memref<2000xf32, #tpu.memory_space<hbm>>) dst(%arg28 : memref<2000xf32, #tpu.memory_space<vmem>>)
        %dma_wait3A_42 = tpu.memref_slice %arg4[%multiple_of3A] : memref<500000xf32, #tpu.memory_space<hbm>> -> memref<2000xf32, #tpu.memory_space<hbm>>
        %dma_wait3A_43 = tpu.memref_slice %arg4[%multiple_of3A] : memref<500000xf32, #tpu.memory_space<hbm>> -> memref<2000xf32, #tpu.memory_space<hbm>>
        tpu.wait_dma2 semaphore(%arg32 : memref<!tpu.dma_semaphore, #tpu.memory_space<semaphore_mem>>) src(%dma_wait3A_43 : memref<2000xf32, #tpu.memory_space<hbm>>) dst(%arg29 : memref<2000xf32, #tpu.memory_space<vmem>>)
        %scan3A_44 = arith.constant 0 : i32
        %scan3A_45 = arith.constant 0 : i32
        %scan3A_46 = arith.constant 125 : i32
        %scan3A_47 = arith.addi %scan3A_45, %scan3A_46 : i32
        %scan3A_48 = arith.constant 1 : i32
        scf.for %scan3A_50 = %scan3A_45 to %scan3A_47 step %scan3A_48  : i32 {
          %mul3A_51 = arith.constant 16 : i32
          %mul3A_52 = arith.muli %scan3A_50, %mul3A_51 : i32
          %add3A_53 = vector.broadcast %mul3A_52 : i32 to vector<16xi32>
          %add3A_54 = arith.addi %add3A_53, %iota3A : vector<16xi32>
          %get3A = arith.index_cast %mul3A_52 : i32 to index
          %get3A_55 = tpu.vector_load %arg27[%get3A] {strides = array<i32>} : memref<2000xf32, #tpu.memory_space<vmem>>, vector<16xf32>,
          tpu.vector_store_idx %arg30[%add3A_54, %broadcast_in_dim3A_1], %get3A_55 : memref<2000x8xf32, #tpu.memory_space<vmem>>[vector<16xi32>, vector<16xi32>], vector<16xf32>,
          %get3A_56 = arith.index_cast %mul3A_52 : i32 to index
          %get3A_57 = tpu.vector_load %arg28[%get3A_56] {strides = array<i32>} : memref<2000xf32, #tpu.memory_space<vmem>>, vector<16xf32>,
          tpu.vector_store_idx %arg30[%add3A_54, %broadcast_in_dim3A_3], %get3A_57 : memref<2000x8xf32, #tpu.memory_space<vmem>>[vector<16xi32>, vector<16xi32>], vector<16xf32>,
          %get3A_58 = arith.index_cast %mul3A_52 : i32 to index
          %get3A_59 = tpu.vector_load %arg29[%get3A_58] {strides = array<i32>} : memref<2000xf32, #tpu.memory_space<vmem>>, vector<16xf32>,
          tpu.vector_store_idx %arg30[%add3A_54, %broadcast_in_dim3A_5], %get3A_59 : memref<2000x8xf32, #tpu.memory_space<vmem>>[vector<16xi32>, vector<16xi32>], vector<16xf32>,
        }
        %scan3A_49 = arith.constant 125 : i32
        "tpu.region"() ({
          %run_scoped3A = tpu.sem_alloc : memref<!tpu.dma_semaphore, #tpu.memory_space<semaphore_mem>>
          %dma_start3A_50 = arith.constant 0 : i32
          %dma_start3A_51 = tpu.memref_slice %arg10[%multiple_of3A, %dma_start3A_50] : memref<500000x8xf32, #tpu.memory_space<hbm>> -> memref<2000x8xf32, #tpu.memory_space<hbm>>
          %dma_start3A_52 = arith.constant 0 : i32
          %dma_start3A_53 = tpu.memref_slice %arg10[%multiple_of3A, %dma_start3A_52] : memref<500000x8xf32, #tpu.memory_space<hbm>> -> memref<2000x8xf32, #tpu.memory_space<hbm>>
          tpu.enqueue_dma source(%arg30 : memref<2000x8xf32, #tpu.memory_space<vmem>>) target(%dma_start3A_53 : memref<2000x8xf32, #tpu.memory_space<hbm>>) target_semaphore(%run_scoped3A : memref<!tpu.dma_semaphore, #tpu.memory_space<semaphore_mem>>)
          %dma_wait3A_54 = arith.constant 0 : i32
          %dma_wait3A_55 = tpu.memref_slice %arg10[%multiple_of3A, %dma_wait3A_54] : memref<500000x8xf32, #tpu.memory_space<hbm>> -> memref<2000x8xf32, #tpu.memory_space<hbm>>
          %dma_wait3A_56 = arith.constant 0 : i32
          %dma_wait3A_57 = tpu.memref_slice %arg10[%multiple_of3A, %dma_wait3A_56] : memref<500000x8xf32, #tpu.memory_space<hbm>> -> memref<2000x8xf32, #tpu.memory_space<hbm>>
          tpu.wait_dma2 semaphore(%run_scoped3A : memref<!tpu.dma_semaphore, #tpu.memory_space<semaphore_mem>>) src(%arg30 : memref<2000x8xf32, #tpu.memory_space<vmem>>) dst(%dma_wait3A_57 : memref<2000x8xf32, #tpu.memory_space<hbm>>)
          tpu.yield
        }) : () -> ()
      } else {
      }
    }
    %scan3A_10 = arith.constant 16 : i32
    %barrier3A = arith.constant 0 : index
    tpu.barrier barrier_id(%barrier3A)
    %lt3A = arith.constant 1953 : i32
    %lt3A_11 = arith.cmpi slt, %add3A, %lt3A : i32
    %convert_element_type3A = arith.extui %lt3A_11 : i1 to i32
    %cond3A = arith.constant 0 : i32
    %cond3A_12 = arith.cmpi ne, %convert_element_type3A, %cond3A : i32
    scf.if %cond3A_12 {
      %mul3A_23 = arith.constant 1024 : i32
      %mul3A_24 = arith.muli %add3A, %mul3A_23 : i32
      %multiple_of3A = tpu.assume_multiple %mul3A_24, 1024 : i32
      %dma_start3A = tpu.memref_slice %arg5[%multiple_of3A] : memref<2000000xi32, #tpu.memory_space<hbm>> -> memref<1024xi32, #tpu.memory_space<hbm>>
      %dma_start3A_25 = tpu.memref_slice %arg5[%multiple_of3A] : memref<2000000xi32, #tpu.memory_space<hbm>> -> memref<1024xi32, #tpu.memory_space<hbm>>
      tpu.enqueue_dma source(%dma_start3A_25 : memref<1024xi32, #tpu.memory_space<hbm>>) target(%arg11 : memref<1024xi32, #tpu.memory_space<vmem>>) target_semaphore(%arg33 : memref<!tpu.dma_semaphore, #tpu.memory_space<semaphore_mem>>)
      %dma_start3A_26 = tpu.memref_slice %arg6[%multiple_of3A] : memref<2000000xi32, #tpu.memory_space<hbm>> -> memref<1024xi32, #tpu.memory_space<hbm>>
      %dma_start3A_27 = tpu.memref_slice %arg6[%multiple_of3A] : memref<2000000xi32, #tpu.memory_space<hbm>> -> memref<1024xi32, #tpu.memory_space<hbm>>
      tpu.enqueue_dma source(%dma_start3A_27 : memref<1024xi32, #tpu.memory_space<hbm>>) target(%arg12 : memref<1024xi32, #tpu.memory_space<vmem>>) target_semaphore(%arg33 : memref<!tpu.dma_semaphore, #tpu.memory_space<semaphore_mem>>)
      %dma_start3A_28 = tpu.memref_slice %arg7[%multiple_of3A] : memref<2000000xi32, #tpu.memory_space<hbm>> -> memref<1024xi32, #tpu.memory_space<hbm>>
      %dma_start3A_29 = tpu.memref_slice %arg7[%multiple_of3A] : memref<2000000xi32, #tpu.memory_space<hbm>> -> memref<1024xi32, #tpu.memory_space<hbm>>
      tpu.enqueue_dma source(%dma_start3A_29 : memref<1024xi32, #tpu.memory_space<hbm>>) target(%arg13 : memref<1024xi32, #tpu.memory_space<vmem>>) target_semaphore(%arg33 : memref<!tpu.dma_semaphore, #tpu.memory_space<semaphore_mem>>)
      %dma_start3A_30 = tpu.memref_slice %arg8[%multiple_of3A] : memref<2000000xi32, #tpu.memory_space<hbm>> -> memref<1024xi32, #tpu.memory_space<hbm>>
      %dma_start3A_31 = tpu.memref_slice %arg8[%multiple_of3A] : memref<2000000xi32, #tpu.memory_space<hbm>> -> memref<1024xi32, #tpu.memory_space<hbm>>
      tpu.enqueue_dma source(%dma_start3A_31 : memref<1024xi32, #tpu.memory_space<hbm>>) target(%arg14 : memref<1024xi32, #tpu.memory_space<vmem>>) target_semaphore(%arg33 : memref<!tpu.dma_semaphore, #tpu.memory_space<semaphore_mem>>)
      %dma_wait3A = arith.constant 0 : i32
      %dma_wait3A_32 = tpu.memref_slice %arg5[%dma_wait3A] : memref<2000000xi32, #tpu.memory_space<hbm>> -> memref<1024xi32, #tpu.memory_space<hbm>>
      %dma_wait3A_33 = arith.constant 0 : i32
      %dma_wait3A_34 = tpu.memref_slice %arg5[%dma_wait3A_33] : memref<2000000xi32, #tpu.memory_space<hbm>> -> memref<1024xi32, #tpu.memory_space<hbm>>
      tpu.wait_dma2 semaphore(%arg33 : memref<!tpu.dma_semaphore, #tpu.memory_space<semaphore_mem>>) src(%dma_wait3A_34 : memref<1024xi32, #tpu.memory_space<hbm>>) dst(%arg11 : memref<1024xi32, #tpu.memory_space<vmem>>)
      %dma_wait3A_35 = arith.constant 0 : i32
      %dma_wait3A_36 = tpu.memref_slice %arg6[%dma_wait3A_35] : memref<2000000xi32, #tpu.memory_space<hbm>> -> memref<1024xi32, #tpu.memory_space<hbm>>
      %dma_wait3A_37 = arith.constant 0 : i32
      %dma_wait3A_38 = tpu.memref_slice %arg6[%dma_wait3A_37] : memref<2000000xi32, #tpu.memory_space<hbm>> -> memref<1024xi32, #tpu.memory_space<hbm>>
      tpu.wait_dma2 semaphore(%arg33 : memref<!tpu.dma_semaphore, #tpu.memory_space<semaphore_mem>>) src(%dma_wait3A_38 : memref<1024xi32, #tpu.memory_space<hbm>>) dst(%arg12 : memref<1024xi32, #tpu.memory_space<vmem>>)
      %dma_wait3A_39 = arith.constant 0 : i32
      %dma_wait3A_40 = tpu.memref_slice %arg7[%dma_wait3A_39] : memref<2000000xi32, #tpu.memory_space<hbm>> -> memref<1024xi32, #tpu.memory_space<hbm>>
      %dma_wait3A_41 = arith.constant 0 : i32
      %dma_wait3A_42 = tpu.memref_slice %arg7[%dma_wait3A_41] : memref<2000000xi32, #tpu.memory_space<hbm>> -> memref<1024xi32, #tpu.memory_space<hbm>>
      tpu.wait_dma2 semaphore(%arg33 : memref<!tpu.dma_semaphore, #tpu.memory_space<semaphore_mem>>) src(%dma_wait3A_42 : memref<1024xi32, #tpu.memory_space<hbm>>) dst(%arg13 : memref<1024xi32, #tpu.memory_space<vmem>>)
      %dma_wait3A_43 = arith.constant 0 : i32
      %dma_wait3A_44 = tpu.memref_slice %arg8[%dma_wait3A_43] : memref<2000000xi32, #tpu.memory_space<hbm>> -> memref<1024xi32, #tpu.memory_space<hbm>>
      %dma_wait3A_45 = arith.constant 0 : i32
      %dma_wait3A_46 = tpu.memref_slice %arg8[%dma_wait3A_45] : memref<2000000xi32, #tpu.memory_space<hbm>> -> memref<1024xi32, #tpu.memory_space<hbm>>
      tpu.wait_dma2 semaphore(%arg33 : memref<!tpu.dma_semaphore, #tpu.memory_space<semaphore_mem>>) src(%dma_wait3A_46 : memref<1024xi32, #tpu.memory_space<hbm>>) dst(%arg14 : memref<1024xi32, #tpu.memory_space<vmem>>)
      %dma_start3A_47 = arith.constant 0 : i32
      %dma_start3A_48 = arith.constant 0 : i32
      %dma_start3A_49 = tpu.memref_slice %arg10[%dma_start3A_47, %dma_start3A_48] : memref<500000x8xf32, #tpu.memory_space<hbm>> -> memref<500000x8xf32, #tpu.memory_space<hbm>>
      tpu.enqueue_indirect_dma source(%dma_start3A_49 : memref<500000x8xf32, #tpu.memory_space<hbm>>) target(%arg19 : memref<1024x8xf32, #tpu.memory_space<vmem>>) offsets(%arg11 : memref<1024xi32, #tpu.memory_space<vmem>>) semaphore(%arg35 : memref<!tpu.dma_semaphore, #tpu.memory_space<semaphore_mem>>)
      %dma_start3A_50 = arith.constant 0 : i32
      %dma_start3A_51 = arith.constant 0 : i32
      %dma_start3A_52 = tpu.memref_slice %arg10[%dma_start3A_50, %dma_start3A_51] : memref<500000x8xf32, #tpu.memory_space<hbm>> -> memref<500000x8xf32, #tpu.memory_space<hbm>>
      tpu.enqueue_indirect_dma source(%dma_start3A_52 : memref<500000x8xf32, #tpu.memory_space<hbm>>) target(%arg20 : memref<1024x8xf32, #tpu.memory_space<vmem>>) offsets(%arg12 : memref<1024xi32, #tpu.memory_space<vmem>>) semaphore(%arg35 : memref<!tpu.dma_semaphore, #tpu.memory_space<semaphore_mem>>)
      %dma_start3A_53 = arith.constant 0 : i32
      %dma_start3A_54 = arith.constant 0 : i32
      %dma_start3A_55 = tpu.memref_slice %arg10[%dma_start3A_53, %dma_start3A_54] : memref<500000x8xf32, #tpu.memory_space<hbm>> -> memref<500000x8xf32, #tpu.memory_space<hbm>>
      tpu.enqueue_indirect_dma source(%dma_start3A_55 : memref<500000x8xf32, #tpu.memory_space<hbm>>) target(%arg21 : memref<1024x8xf32, #tpu.memory_space<vmem>>) offsets(%arg13 : memref<1024xi32, #tpu.memory_space<vmem>>) semaphore(%arg35 : memref<!tpu.dma_semaphore, #tpu.memory_space<semaphore_mem>>)
      %dma_start3A_56 = arith.constant 0 : i32
      %dma_start3A_57 = arith.constant 0 : i32
      %dma_start3A_58 = tpu.memref_slice %arg10[%dma_start3A_56, %dma_start3A_57] : memref<500000x8xf32, #tpu.memory_space<hbm>> -> memref<500000x8xf32, #tpu.memory_space<hbm>>
      tpu.enqueue_indirect_dma source(%dma_start3A_58 : memref<500000x8xf32, #tpu.memory_space<hbm>>) target(%arg22 : memref<1024x8xf32, #tpu.memory_space<vmem>>) offsets(%arg14 : memref<1024xi32, #tpu.memory_space<vmem>>) semaphore(%arg35 : memref<!tpu.dma_semaphore, #tpu.memory_space<semaphore_mem>>)
      %add3A_59 = arith.constant 32 : i32
      %add3A_60 = arith.addi %add3A, %add3A_59 : i32
      %lt3A_61 = arith.constant 1953 : i32
      %lt3A_62 = arith.cmpi slt, %add3A_60, %lt3A_61 : i32
      %convert_element_type3A_63 = arith.extui %lt3A_62 : i1 to i32
      %cond3A_64 = arith.constant 0 : i32
      %cond3A_65 = arith.cmpi ne, %convert_element_type3A_63, %cond3A_64 : i32
      scf.if %cond3A_65 {
        %add3A_66 = arith.constant 32 : i32
        %add3A_67 = arith.addi %add3A, %add3A_66 : i32
        %mul3A_68 = arith.constant 1024 : i32
        %mul3A_69 = arith.muli %add3A_67, %mul3A_68 : i32
        %multiple_of3A_70 = tpu.assume_multiple %mul3A_69, 1024 : i32
        %dma_start3A_71 = tpu.memref_slice %arg5[%multiple_of3A_70] : memref<2000000xi32, #tpu.memory_space<hbm>> -> memref<1024xi32, #tpu.memory_space<hbm>>
        %dma_start3A_72 = tpu.memref_slice %arg5[%multiple_of3A_70] : memref<2000000xi32, #tpu.memory_space<hbm>> -> memref<1024xi32, #tpu.memory_space<hbm>>
        tpu.enqueue_dma source(%dma_start3A_72 : memref<1024xi32, #tpu.memory_space<hbm>>) target(%arg15 : memref<1024xi32, #tpu.memory_space<vmem>>) target_semaphore(%arg34 : memref<!tpu.dma_semaphore, #tpu.memory_space<semaphore_mem>>)
        %dma_start3A_73 = tpu.memref_slice %arg6[%multiple_of3A_70] : memref<2000000xi32, #tpu.memory_space<hbm>> -> memref<1024xi32, #tpu.memory_space<hbm>>
        %dma_start3A_74 = tpu.memref_slice %arg6[%multiple_of3A_70] : memref<2000000xi32, #tpu.memory_space<hbm>> -> memref<1024xi32, #tpu.memory_space<hbm>>
        tpu.enqueue_dma source(%dma_start3A_74 : memref<1024xi32, #tpu.memory_space<hbm>>) target(%arg16 : memref<1024xi32, #tpu.memory_space<vmem>>) target_semaphore(%arg34 : memref<!tpu.dma_semaphore, #tpu.memory_space<semaphore_mem>>)
        %dma_start3A_75 = tpu.memref_slice %arg7[%multiple_of3A_70] : memref<2000000xi32, #tpu.memory_space<hbm>> -> memref<1024xi32, #tpu.memory_space<hbm>>
        %dma_start3A_76 = tpu.memref_slice %arg7[%multiple_of3A_70] : memref<2000000xi32, #tpu.memory_space<hbm>> -> memref<1024xi32, #tpu.memory_space<hbm>>
        tpu.enqueue_dma source(%dma_start3A_76 : memref<1024xi32, #tpu.memory_space<hbm>>) target(%arg17 : memref<1024xi32, #tpu.memory_space<vmem>>) target_semaphore(%arg34 : memref<!tpu.dma_semaphore, #tpu.memory_space<semaphore_mem>>)
        %dma_start3A_77 = tpu.memref_slice %arg8[%multiple_of3A_70] : memref<2000000xi32, #tpu.memory_space<hbm>> -> memref<1024xi32, #tpu.memory_space<hbm>>
        %dma_start3A_78 = tpu.memref_slice %arg8[%multiple_of3A_70] : memref<2000000xi32, #tpu.memory_space<hbm>> -> memref<1024xi32, #tpu.memory_space<hbm>>
        tpu.enqueue_dma source(%dma_start3A_78 : memref<1024xi32, #tpu.memory_space<hbm>>) target(%arg18 : memref<1024xi32, #tpu.memory_space<vmem>>) target_semaphore(%arg34 : memref<!tpu.dma_semaphore, #tpu.memory_space<semaphore_mem>>)
      } else {
      }
    } else {
    }
    %scan3A_13 = arith.constant 0 : i32
    %scan3A_14 = arith.constant 0 : i32
    %scan3A_15 = arith.constant 62 : i32
    %scan3A_16 = arith.addi %scan3A_14, %scan3A_15 : i32
    %scan3A_17 = arith.constant 1 : i32
    scf.for %scan3A_23 = %scan3A_14 to %scan3A_16 step %scan3A_17  : i32 {
      %mul3A_24 = arith.constant 32 : i32
      %mul3A_25 = arith.muli %mul3A_24, %scan3A_23 : i32
      %add3A_26 = arith.addi %add3A, %mul3A_25 : i32
      %rem3A = arith.constant 2 : i32
      %rem3A_27 = arith.remsi %scan3A_23, %rem3A : i32
      %lt3A_28 = arith.constant 1953 : i32
      %lt3A_29 = arith.cmpi slt, %add3A_26, %lt3A_28 : i32
      %convert_element_type3A_30 = arith.extui %lt3A_29 : i1 to i32
      %cond3A_31 = arith.constant 0 : i32
      %cond3A_32 = arith.cmpi ne, %convert_element_type3A_30, %cond3A_31 : i32
      scf.if %cond3A_32 {
        %eq3A_33 = arith.constant 0 : i32
        %eq3A_34 = arith.cmpi eq, %rem3A_27, %eq3A_33 : i32
        %convert_element_type3A_35 = arith.extui %eq3A_34 : i1 to i32
        %cond3A_36 = arith.constant 0 : i32
        %cond3A_37 = arith.cmpi ne, %convert_element_type3A_35, %cond3A_36 : i32
        scf.if %cond3A_37 {
          %dma_wait3A = arith.constant 0 : i32
          %dma_wait3A_38 = arith.constant 0 : i32
          %dma_wait3A_39 = tpu.memref_slice %arg10[%dma_wait3A, %dma_wait3A_38] : memref<500000x8xf32, #tpu.memory_space<hbm>> -> memref<500000x8xf32, #tpu.memory_space<hbm>>
          tpu.wait_indirect_dma semaphore(%arg35 : memref<!tpu.dma_semaphore, #tpu.memory_space<semaphore_mem>>) src(%dma_wait3A_39 : memref<500000x8xf32, #tpu.memory_space<hbm>>) dst(%arg19 : memref<1024x8xf32, #tpu.memory_space<vmem>>)
          %dma_wait3A_40 = arith.constant 0 : i32
          %dma_wait3A_41 = arith.constant 0 : i32
          %dma_wait3A_42 = tpu.memref_slice %arg10[%dma_wait3A_40, %dma_wait3A_41] : memref<500000x8xf32, #tpu.memory_space<hbm>> -> memref<500000x8xf32, #tpu.memory_space<hbm>>
          tpu.wait_indirect_dma semaphore(%arg35 : memref<!tpu.dma_semaphore, #tpu.memory_space<semaphore_mem>>) src(%dma_wait3A_42 : memref<500000x8xf32, #tpu.memory_space<hbm>>) dst(%arg20 : memref<1024x8xf32, #tpu.memory_space<vmem>>)
          %dma_wait3A_43 = arith.constant 0 : i32
          %dma_wait3A_44 = arith.constant 0 : i32
          %dma_wait3A_45 = tpu.memref_slice %arg10[%dma_wait3A_43, %dma_wait3A_44] : memref<500000x8xf32, #tpu.memory_space<hbm>> -> memref<500000x8xf32, #tpu.memory_space<hbm>>
          tpu.wait_indirect_dma semaphore(%arg35 : memref<!tpu.dma_semaphore, #tpu.memory_space<semaphore_mem>>) src(%dma_wait3A_45 : memref<500000x8xf32, #tpu.memory_space<hbm>>) dst(%arg21 : memref<1024x8xf32, #tpu.memory_space<vmem>>)
          %dma_wait3A_46 = arith.constant 0 : i32
          %dma_wait3A_47 = arith.constant 0 : i32
          %dma_wait3A_48 = tpu.memref_slice %arg10[%dma_wait3A_46, %dma_wait3A_47] : memref<500000x8xf32, #tpu.memory_space<hbm>> -> memref<500000x8xf32, #tpu.memory_space<hbm>>
          tpu.wait_indirect_dma semaphore(%arg35 : memref<!tpu.dma_semaphore, #tpu.memory_space<semaphore_mem>>) src(%dma_wait3A_48 : memref<500000x8xf32, #tpu.memory_space<hbm>>) dst(%arg22 : memref<1024x8xf32, #tpu.memory_space<vmem>>)
          %add3A_49 = arith.constant 32 : i32
          %add3A_50 = arith.addi %add3A_26, %add3A_49 : i32
          %lt3A_51 = arith.constant 1953 : i32
          %lt3A_52 = arith.cmpi slt, %add3A_50, %lt3A_51 : i32
          %convert_element_type3A_53 = arith.extui %lt3A_52 : i1 to i32
          %cond3A_54 = arith.constant 0 : i32
          %cond3A_55 = arith.cmpi ne, %convert_element_type3A_53, %cond3A_54 : i32
          scf.if %cond3A_55 {
            %dma_wait3A_64 = arith.constant 0 : i32
            %dma_wait3A_65 = tpu.memref_slice %arg5[%dma_wait3A_64] : memref<2000000xi32, #tpu.memory_space<hbm>> -> memref<1024xi32, #tpu.memory_space<hbm>>
            %dma_wait3A_66 = arith.constant 0 : i32
            %dma_wait3A_67 = tpu.memref_slice %arg5[%dma_wait3A_66] : memref<2000000xi32, #tpu.memory_space<hbm>> -> memref<1024xi32, #tpu.memory_space<hbm>>
            tpu.wait_dma2 semaphore(%arg34 : memref<!tpu.dma_semaphore, #tpu.memory_space<semaphore_mem>>) src(%dma_wait3A_67 : memref<1024xi32, #tpu.memory_space<hbm>>) dst(%arg15 : memref<1024xi32, #tpu.memory_space<vmem>>)
            %dma_wait3A_68 = arith.constant 0 : i32
            %dma_wait3A_69 = tpu.memref_slice %arg6[%dma_wait3A_68] : memref<2000000xi32, #tpu.memory_space<hbm>> -> memref<1024xi32, #tpu.memory_space<hbm>>
            %dma_wait3A_70 = arith.constant 0 : i32
            %dma_wait3A_71 = tpu.memref_slice %arg6[%dma_wait3A_70] : memref<2000000xi32, #tpu.memory_space<hbm>> -> memref<1024xi32, #tpu.memory_space<hbm>>
            tpu.wait_dma2 semaphore(%arg34 : memref<!tpu.dma_semaphore, #tpu.memory_space<semaphore_mem>>) src(%dma_wait3A_71 : memref<1024xi32, #tpu.memory_space<hbm>>) dst(%arg16 : memref<1024xi32, #tpu.memory_space<vmem>>)
            %dma_wait3A_72 = arith.constant 0 : i32
            %dma_wait3A_73 = tpu.memref_slice %arg7[%dma_wait3A_72] : memref<2000000xi32, #tpu.memory_space<hbm>> -> memref<1024xi32, #tpu.memory_space<hbm>>
            %dma_wait3A_74 = arith.constant 0 : i32
            %dma_wait3A_75 = tpu.memref_slice %arg7[%dma_wait3A_74] : memref<2000000xi32, #tpu.memory_space<hbm>> -> memref<1024xi32, #tpu.memory_space<hbm>>
            tpu.wait_dma2 semaphore(%arg34 : memref<!tpu.dma_semaphore, #tpu.memory_space<semaphore_mem>>) src(%dma_wait3A_75 : memref<1024xi32, #tpu.memory_space<hbm>>) dst(%arg17 : memref<1024xi32, #tpu.memory_space<vmem>>)
            %dma_wait3A_76 = arith.constant 0 : i32
            %dma_wait3A_77 = tpu.memref_slice %arg8[%dma_wait3A_76] : memref<2000000xi32, #tpu.memory_space<hbm>> -> memref<1024xi32, #tpu.memory_space<hbm>>
            %dma_wait3A_78 = arith.constant 0 : i32
            %dma_wait3A_79 = tpu.memref_slice %arg8[%dma_wait3A_78] : memref<2000000xi32, #tpu.memory_space<hbm>> -> memref<1024xi32, #tpu.memory_space<hbm>>
            tpu.wait_dma2 semaphore(%arg34 : memref<!tpu.dma_semaphore, #tpu.memory_space<semaphore_mem>>) src(%dma_wait3A_79 : memref<1024xi32, #tpu.memory_space<hbm>>) dst(%arg18 : memref<1024xi32, #tpu.memory_space<vmem>>)
            %dma_start3A = arith.constant 0 : i32
            %dma_start3A_80 = arith.constant 0 : i32
            %dma_start3A_81 = tpu.memref_slice %arg10[%dma_start3A, %dma_start3A_80] : memref<500000x8xf32, #tpu.memory_space<hbm>> -> memref<500000x8xf32, #tpu.memory_space<hbm>>
            tpu.enqueue_indirect_dma source(%dma_start3A_81 : memref<500000x8xf32, #tpu.memory_space<hbm>>) target(%arg23 : memref<1024x8xf32, #tpu.memory_space<vmem>>) offsets(%arg15 : memref<1024xi32, #tpu.memory_space<vmem>>) semaphore(%arg36 : memref<!tpu.dma_semaphore, #tpu.memory_space<semaphore_mem>>)
            %dma_start3A_82 = arith.constant 0 : i32
            %dma_start3A_83 = arith.constant 0 : i32
            %dma_start3A_84 = tpu.memref_slice %arg10[%dma_start3A_82, %dma_start3A_83] : memref<500000x8xf32, #tpu.memory_space<hbm>> -> memref<500000x8xf32, #tpu.memory_space<hbm>>
            tpu.enqueue_indirect_dma source(%dma_start3A_84 : memref<500000x8xf32, #tpu.memory_space<hbm>>) target(%arg24 : memref<1024x8xf32, #tpu.memory_space<vmem>>) offsets(%arg16 : memref<1024xi32, #tpu.memory_space<vmem>>) semaphore(%arg36 : memref<!tpu.dma_semaphore, #tpu.memory_space<semaphore_mem>>)
            %dma_start3A_85 = arith.constant 0 : i32
            %dma_start3A_86 = arith.constant 0 : i32
            %dma_start3A_87 = tpu.memref_slice %arg10[%dma_start3A_85, %dma_start3A_86] : memref<500000x8xf32, #tpu.memory_space<hbm>> -> memref<500000x8xf32, #tpu.memory_space<hbm>>
            tpu.enqueue_indirect_dma source(%dma_start3A_87 : memref<500000x8xf32, #tpu.memory_space<hbm>>) target(%arg25 : memref<1024x8xf32, #tpu.memory_space<vmem>>) offsets(%arg17 : memref<1024xi32, #tpu.memory_space<vmem>>) semaphore(%arg36 : memref<!tpu.dma_semaphore, #tpu.memory_space<semaphore_mem>>)
            %dma_start3A_88 = arith.constant 0 : i32
            %dma_start3A_89 = arith.constant 0 : i32
            %dma_start3A_90 = tpu.memref_slice %arg10[%dma_start3A_88, %dma_start3A_89] : memref<500000x8xf32, #tpu.memory_space<hbm>> -> memref<500000x8xf32, #tpu.memory_space<hbm>>
            tpu.enqueue_indirect_dma source(%dma_start3A_90 : memref<500000x8xf32, #tpu.memory_space<hbm>>) target(%arg26 : memref<1024x8xf32, #tpu.memory_space<vmem>>) offsets(%arg18 : memref<1024xi32, #tpu.memory_space<vmem>>) semaphore(%arg36 : memref<!tpu.dma_semaphore, #tpu.memory_space<semaphore_mem>>)
            %add3A_91 = arith.constant 64 : i32
            %add3A_92 = arith.addi %add3A_26, %add3A_91 : i32
            %lt3A_93 = arith.constant 1953 : i32
            %lt3A_94 = arith.cmpi slt, %add3A_92, %lt3A_93 : i32
            %convert_element_type3A_95 = arith.extui %lt3A_94 : i1 to i32
            %cond3A_96 = arith.constant 0 : i32
            %cond3A_97 = arith.cmpi ne, %convert_element_type3A_95, %cond3A_96 : i32
            scf.if %cond3A_97 {
              %add3A_98 = arith.constant 64 : i32
              %add3A_99 = arith.addi %add3A_26, %add3A_98 : i32
              %mul3A_100 = arith.constant 1024 : i32
              %mul3A_101 = arith.muli %add3A_99, %mul3A_100 : i32
              %multiple_of3A_102 = tpu.assume_multiple %mul3A_101, 1024 : i32
              %dma_start3A_103 = tpu.memref_slice %arg5[%multiple_of3A_102] : memref<2000000xi32, #tpu.memory_space<hbm>> -> memref<1024xi32, #tpu.memory_space<hbm>>
              %dma_start3A_104 = tpu.memref_slice %arg5[%multiple_of3A_102] : memref<2000000xi32, #tpu.memory_space<hbm>> -> memref<1024xi32, #tpu.memory_space<hbm>>
              tpu.enqueue_dma source(%dma_start3A_104 : memref<1024xi32, #tpu.memory_space<hbm>>) target(%arg11 : memref<1024xi32, #tpu.memory_space<vmem>>) target_semaphore(%arg33 : memref<!tpu.dma_semaphore, #tpu.memory_space<semaphore_mem>>)
              %dma_start3A_105 = tpu.memref_slice %arg6[%multiple_of3A_102] : memref<2000000xi32, #tpu.memory_space<hbm>> -> memref<1024xi32, #tpu.memory_space<hbm>>
              %dma_start3A_106 = tpu.memref_slice %arg6[%multiple_of3A_102] : memref<2000000xi32, #tpu.memory_space<hbm>> -> memref<1024xi32, #tpu.memory_space<hbm>>
              tpu.enqueue_dma source(%dma_start3A_106 : memref<1024xi32, #tpu.memory_space<hbm>>) target(%arg12 : memref<1024xi32, #tpu.memory_space<vmem>>) target_semaphore(%arg33 : memref<!tpu.dma_semaphore, #tpu.memory_space<semaphore_mem>>)
              %dma_start3A_107 = tpu.memref_slice %arg7[%multiple_of3A_102] : memref<2000000xi32, #tpu.memory_space<hbm>> -> memref<1024xi32, #tpu.memory_space<hbm>>
              %dma_start3A_108 = tpu.memref_slice %arg7[%multiple_of3A_102] : memref<2000000xi32, #tpu.memory_space<hbm>> -> memref<1024xi32, #tpu.memory_space<hbm>>
              tpu.enqueue_dma source(%dma_start3A_108 : memref<1024xi32, #tpu.memory_space<hbm>>) target(%arg13 : memref<1024xi32, #tpu.memory_space<vmem>>) target_semaphore(%arg33 : memref<!tpu.dma_semaphore, #tpu.memory_space<semaphore_mem>>)
              %dma_start3A_109 = tpu.memref_slice %arg8[%multiple_of3A_102] : memref<2000000xi32, #tpu.memory_space<hbm>> -> memref<1024xi32, #tpu.memory_space<hbm>>
              %dma_start3A_110 = tpu.memref_slice %arg8[%multiple_of3A_102] : memref<2000000xi32, #tpu.memory_space<hbm>> -> memref<1024xi32, #tpu.memory_space<hbm>>
              tpu.enqueue_dma source(%dma_start3A_110 : memref<1024xi32, #tpu.memory_space<hbm>>) target(%arg14 : memref<1024xi32, #tpu.memory_space<vmem>>) target_semaphore(%arg33 : memref<!tpu.dma_semaphore, #tpu.memory_space<semaphore_mem>>)
            } else {
            }
          } else {
          }
          %mul3A_56 = arith.constant 1024 : i32
          %mul3A_57 = arith.muli %add3A_26, %mul3A_56 : i32
          %multiple_of3A = tpu.assume_multiple %mul3A_57, 1024 : i32
          %scan3A_58 = arith.constant 0 : i32
          %scan3A_59 = arith.constant 0 : i32
          %scan3A_60 = arith.constant 64 : i32
          %scan3A_61 = arith.addi %scan3A_59, %scan3A_60 : i32
          %scan3A_62 = arith.constant 1 : i32
          scf.for %scan3A_64 = %scan3A_59 to %scan3A_61 step %scan3A_62  : i32 {
            %mul3A_65 = arith.constant 16 : i32
            %mul3A_66 = arith.muli %scan3A_64, %mul3A_65 : i32
            %add3A_67 = vector.broadcast %mul3A_66 : i32 to vector<16xi32>
            %add3A_68 = arith.addi %add3A_67, %iota3A : vector<16xi32>
            %gather3A = tpu.vector_load_idx %arg19[%add3A_68, %broadcast_in_dim3A_1] : memref<1024x8xf32, #tpu.memory_space<vmem>>[vector<16xi32>, vector<16xi32>], vector<16xf32>,
            %gather3A_69 = tpu.vector_load_idx %arg19[%add3A_68, %broadcast_in_dim3A_3] : memref<1024x8xf32, #tpu.memory_space<vmem>>[vector<16xi32>, vector<16xi32>], vector<16xf32>,
            %gather3A_70 = tpu.vector_load_idx %arg19[%add3A_68, %broadcast_in_dim3A_5] : memref<1024x8xf32, #tpu.memory_space<vmem>>[vector<16xi32>, vector<16xi32>], vector<16xf32>,
            %gather3A_71 = tpu.vector_load_idx %arg20[%add3A_68, %broadcast_in_dim3A_1] : memref<1024x8xf32, #tpu.memory_space<vmem>>[vector<16xi32>, vector<16xi32>], vector<16xf32>,
            %gather3A_72 = tpu.vector_load_idx %arg20[%add3A_68, %broadcast_in_dim3A_3] : memref<1024x8xf32, #tpu.memory_space<vmem>>[vector<16xi32>, vector<16xi32>], vector<16xf32>,
            %gather3A_73 = tpu.vector_load_idx %arg20[%add3A_68, %broadcast_in_dim3A_5] : memref<1024x8xf32, #tpu.memory_space<vmem>>[vector<16xi32>, vector<16xi32>], vector<16xf32>,
            %gather3A_74 = tpu.vector_load_idx %arg21[%add3A_68, %broadcast_in_dim3A_1] : memref<1024x8xf32, #tpu.memory_space<vmem>>[vector<16xi32>, vector<16xi32>], vector<16xf32>,
            %gather3A_75 = tpu.vector_load_idx %arg21[%add3A_68, %broadcast_in_dim3A_3] : memref<1024x8xf32, #tpu.memory_space<vmem>>[vector<16xi32>, vector<16xi32>], vector<16xf32>,
            %gather3A_76 = tpu.vector_load_idx %arg21[%add3A_68, %broadcast_in_dim3A_5] : memref<1024x8xf32, #tpu.memory_space<vmem>>[vector<16xi32>, vector<16xi32>], vector<16xf32>,
            %gather3A_77 = tpu.vector_load_idx %arg22[%add3A_68, %broadcast_in_dim3A_1] : memref<1024x8xf32, #tpu.memory_space<vmem>>[vector<16xi32>, vector<16xi32>], vector<16xf32>,
            %gather3A_78 = tpu.vector_load_idx %arg22[%add3A_68, %broadcast_in_dim3A_3] : memref<1024x8xf32, #tpu.memory_space<vmem>>[vector<16xi32>, vector<16xi32>], vector<16xf32>,
            %gather3A_79 = tpu.vector_load_idx %arg22[%add3A_68, %broadcast_in_dim3A_5] : memref<1024x8xf32, #tpu.memory_space<vmem>>[vector<16xi32>, vector<16xi32>], vector<16xf32>,
            %sub3A = arith.subf %gather3A_71, %gather3A : vector<16xf32>
            %sub3A_80 = arith.subf %gather3A_72, %gather3A_69 : vector<16xf32>
            %sub3A_81 = arith.subf %gather3A_73, %gather3A_70 : vector<16xf32>
            %sub3A_82 = arith.subf %gather3A_74, %gather3A_71 : vector<16xf32>
            %sub3A_83 = arith.subf %gather3A_75, %gather3A_72 : vector<16xf32>
            %sub3A_84 = arith.subf %gather3A_76, %gather3A_73 : vector<16xf32>
            %sub3A_85 = arith.subf %gather3A_77, %gather3A_74 : vector<16xf32>
            %sub3A_86 = arith.subf %gather3A_78, %gather3A_75 : vector<16xf32>
            %sub3A_87 = arith.subf %gather3A_79, %gather3A_76 : vector<16xf32>
            %mul3A_88 = arith.mulf %sub3A_80, %sub3A_84 : vector<16xf32>
            %mul3A_89 = arith.mulf %sub3A_81, %sub3A_83 : vector<16xf32>
            %sub3A_90 = arith.subf %mul3A_88, %mul3A_89 : vector<16xf32>
            %mul3A_91 = arith.mulf %sub3A_81, %sub3A_82 : vector<16xf32>
            %mul3A_92 = arith.mulf %sub3A, %sub3A_84 : vector<16xf32>
            %sub3A_93 = arith.subf %mul3A_91, %mul3A_92 : vector<16xf32>
            %mul3A_94 = arith.mulf %sub3A, %sub3A_83 : vector<16xf32>
            %mul3A_95 = arith.mulf %sub3A_80, %sub3A_82 : vector<16xf32>
            %sub3A_96 = arith.subf %mul3A_94, %mul3A_95 : vector<16xf32>
            %mul3A_97 = arith.mulf %sub3A_83, %sub3A_87 : vector<16xf32>
            %mul3A_98 = arith.mulf %sub3A_84, %sub3A_86 : vector<16xf32>
            %sub3A_99 = arith.subf %mul3A_97, %mul3A_98 : vector<16xf32>
            %mul3A_100 = arith.mulf %sub3A_84, %sub3A_85 : vector<16xf32>
            %mul3A_101 = arith.mulf %sub3A_82, %sub3A_87 : vector<16xf32>
            %sub3A_102 = arith.subf %mul3A_100, %mul3A_101 : vector<16xf32>
            %mul3A_103 = arith.mulf %sub3A_82, %sub3A_86 : vector<16xf32>
            %mul3A_104 = arith.mulf %sub3A_83, %sub3A_85 : vector<16xf32>
            %sub3A_105 = arith.subf %mul3A_103, %mul3A_104 : vector<16xf32>
            %mul3A_106 = arith.mulf %sub3A_90, %sub3A_99 : vector<16xf32>
            %mul3A_107 = arith.mulf %sub3A_93, %sub3A_102 : vector<16xf32>
            %add3A_108 = arith.addf %mul3A_106, %mul3A_107 : vector<16xf32>
            %mul3A_109 = arith.mulf %sub3A_96, %sub3A_105 : vector<16xf32>
            %add3A_110 = arith.addf %add3A_108, %mul3A_109 : vector<16xf32>
            %mul3A_111 = arith.mulf %sub3A_90, %sub3A_90 : vector<16xf32>
            %mul3A_112 = arith.mulf %sub3A_93, %sub3A_93 : vector<16xf32>
            %add3A_113 = arith.addf %mul3A_111, %mul3A_112 : vector<16xf32>
            %mul3A_114 = arith.mulf %sub3A_96, %sub3A_96 : vector<16xf32>
            %add3A_115 = arith.addf %add3A_113, %mul3A_114 : vector<16xf32>
            %mul3A_116 = arith.mulf %sub3A_99, %sub3A_99 : vector<16xf32>
            %mul3A_117 = arith.mulf %sub3A_102, %sub3A_102 : vector<16xf32>
            %add3A_118 = arith.addf %mul3A_116, %mul3A_117 : vector<16xf32>
            %mul3A_119 = arith.mulf %sub3A_105, %sub3A_105 : vector<16xf32>
            %add3A_120 = arith.addf %add3A_118, %mul3A_119 : vector<16xf32>
            %mul3A_121 = arith.mulf %sub3A_90, %sub3A_85 : vector<16xf32>
            %mul3A_122 = arith.mulf %sub3A_93, %sub3A_86 : vector<16xf32>
            %add3A_123 = arith.addf %mul3A_121, %mul3A_122 : vector<16xf32>
            %mul3A_124 = arith.mulf %sub3A_96, %sub3A_87 : vector<16xf32>
            %add3A_125 = arith.addf %add3A_123, %mul3A_124 : vector<16xf32>
            %mul3A_126 = arith.mulf %add3A_115, %add3A_120 : vector<16xf32>
            %bitcast_convert_type3A = tpu.bitcast %mul3A_126 : vector<16xf32> -> vector<16xi32>
            %shift_right_logical3A = arith.constant 1 : i32
            %shift_right_logical3A_127 = vector.broadcast %shift_right_logical3A : i32 to vector<16xi32>
            %shift_right_logical3A_128 = arith.shrui %bitcast_convert_type3A, %shift_right_logical3A_127 : vector<16xi32>
            %sub3A_129 = arith.constant 1597463007 : i32
            %sub3A_130 = vector.broadcast %sub3A_129 : i32 to vector<16xi32>
            %sub3A_131 = arith.subi %sub3A_130, %shift_right_logical3A_128 : vector<16xi32>
            %bitcast_convert_type3A_132 = tpu.bitcast %sub3A_131 : vector<16xi32> -> vector<16xf32>
            %mul3A_133 = arith.mulf %mul3A_126, %bitcast_convert_type3A_132 : vector<16xf32>
            %mul3A_134 = arith.constant 5.000000e-01 : f32
            %mul3A_135 = vector.broadcast %mul3A_134 : f32 to vector<16xf32>
            %mul3A_136 = arith.mulf %mul3A_135, %mul3A_133 : vector<16xf32>
            %mul3A_137 = arith.mulf %mul3A_136, %bitcast_convert_type3A_132 : vector<16xf32>
            %sub3A_138 = arith.constant 1.500000e+00 : f32
            %sub3A_139 = vector.broadcast %sub3A_138 : f32 to vector<16xf32>
            %sub3A_140 = arith.subf %sub3A_139, %mul3A_137 : vector<16xf32>
            %mul3A_141 = arith.mulf %bitcast_convert_type3A_132, %sub3A_140 : vector<16xf32>
            %mul3A_142 = arith.mulf %mul3A_126, %mul3A_141 : vector<16xf32>
            %mul3A_143 = arith.constant 5.000000e-01 : f32
            %mul3A_144 = vector.broadcast %mul3A_143 : f32 to vector<16xf32>
            %mul3A_145 = arith.mulf %mul3A_144, %mul3A_142 : vector<16xf32>
            %mul3A_146 = arith.mulf %mul3A_145, %mul3A_141 : vector<16xf32>
            %sub3A_147 = arith.constant 1.500000e+00 : f32
            %sub3A_148 = vector.broadcast %sub3A_147 : f32 to vector<16xf32>
            %sub3A_149 = arith.subf %sub3A_148, %mul3A_146 : vector<16xf32>
            %mul3A_150 = arith.mulf %mul3A_141, %sub3A_149 : vector<16xf32>
            %mul3A_151 = arith.mulf %mul3A_126, %mul3A_150 : vector<16xf32>
            %mul3A_152 = arith.constant 5.000000e-01 : f32
            %mul3A_153 = vector.broadcast %mul3A_152 : f32 to vector<16xf32>
            %mul3A_154 = arith.mulf %mul3A_153, %mul3A_151 : vector<16xf32>
            %mul3A_155 = arith.mulf %mul3A_154, %mul3A_150 : vector<16xf32>
            %sub3A_156 = arith.constant 1.500000e+00 : f32
            %sub3A_157 = vector.broadcast %sub3A_156 : f32 to vector<16xf32>
            %sub3A_158 = arith.subf %sub3A_157, %mul3A_155 : vector<16xf32>
            %mul3A_159 = arith.mulf %mul3A_150, %sub3A_158 : vector<16xf32>
            %mul3A_160 = arith.mulf %add3A_110, %mul3A_159 : vector<16xf32>
            %jit3A = arith.constant -1.000000e+00 : f32
            %jit3A_161 = arith.constant 1.000000e+00 : f32
            %max3A = vector.broadcast %jit3A : f32 to vector<16xf32>
            %max3A_162 = arith.maximumf %max3A, %mul3A_160 : vector<16xf32>
            %min3A = vector.broadcast %jit3A_161 : f32 to vector<16xf32>
            %min3A_163 = arith.minimumf %min3A, %max3A_162 : vector<16xf32>
            %abs3A = math.absf %min3A_163 : vector<16xf32>
            %sub3A_164 = arith.constant 1.000000e+00 : f32
            %sub3A_165 = vector.broadcast %sub3A_164 : f32 to vector<16xf32>
            %sub3A_166 = arith.subf %sub3A_165, %abs3A : vector<16xf32>
            %bitcast_convert_type3A_167 = tpu.bitcast %sub3A_166 : vector<16xf32> -> vector<16xi32>
            %shift_right_logical3A_168 = arith.constant 1 : i32
            %shift_right_logical3A_169 = vector.broadcast %shift_right_logical3A_168 : i32 to vector<16xi32>
            %shift_right_logical3A_170 = arith.shrui %bitcast_convert_type3A_167, %shift_right_logical3A_169 : vector<16xi32>
            %sub3A_171 = arith.constant 1597463007 : i32
            %sub3A_172 = vector.broadcast %sub3A_171 : i32 to vector<16xi32>
            %sub3A_173 = arith.subi %sub3A_172, %shift_right_logical3A_170 : vector<16xi32>
            %bitcast_convert_type3A_174 = tpu.bitcast %sub3A_173 : vector<16xi32> -> vector<16xf32>
            %mul3A_175 = arith.mulf %sub3A_166, %bitcast_convert_type3A_174 : vector<16xf32>
            %mul3A_176 = arith.constant 5.000000e-01 : f32
            %mul3A_177 = vector.broadcast %mul3A_176 : f32 to vector<16xf32>
            %mul3A_178 = arith.mulf %mul3A_177, %mul3A_175 : vector<16xf32>
            %mul3A_179 = arith.mulf %mul3A_178, %bitcast_convert_type3A_174 : vector<16xf32>
            %sub3A_180 = arith.constant 1.500000e+00 : f32
            %sub3A_181 = vector.broadcast %sub3A_180 : f32 to vector<16xf32>
            %sub3A_182 = arith.subf %sub3A_181, %mul3A_179 : vector<16xf32>
            %mul3A_183 = arith.mulf %bitcast_convert_type3A_174, %sub3A_182 : vector<16xf32>
            %mul3A_184 = arith.mulf %sub3A_166, %mul3A_183 : vector<16xf32>
            %mul3A_185 = arith.constant 5.000000e-01 : f32
            %mul3A_186 = vector.broadcast %mul3A_185 : f32 to vector<16xf32>
            %mul3A_187 = arith.mulf %mul3A_186, %mul3A_184 : vector<16xf32>
            %mul3A_188 = arith.mulf %mul3A_187, %mul3A_183 : vector<16xf32>
            %sub3A_189 = arith.constant 1.500000e+00 : f32
            %sub3A_190 = vector.broadcast %sub3A_189 : f32 to vector<16xf32>
            %sub3A_191 = arith.subf %sub3A_190, %mul3A_188 : vector<16xf32>
            %mul3A_192 = arith.mulf %mul3A_183, %sub3A_191 : vector<16xf32>
            %mul3A_193 = arith.mulf %sub3A_166, %mul3A_192 : vector<16xf32>
            %mul3A_194 = arith.constant 5.000000e-01 : f32
            %mul3A_195 = vector.broadcast %mul3A_194 : f32 to vector<16xf32>
            %mul3A_196 = arith.mulf %mul3A_195, %mul3A_193 : vector<16xf32>
            %mul3A_197 = arith.mulf %mul3A_196, %mul3A_192 : vector<16xf32>
            %sub3A_198 = arith.constant 1.500000e+00 : f32
            %sub3A_199 = vector.broadcast %sub3A_198 : f32 to vector<16xf32>
            %sub3A_200 = arith.subf %sub3A_199, %mul3A_197 : vector<16xf32>
            %mul3A_201 = arith.mulf %mul3A_192, %sub3A_200 : vector<16xf32>
            %mul3A_202 = arith.mulf %sub3A_166, %mul3A_201 : vector<16xf32>
            %mul3A_203 = arith.constant -1.872930e-02 : f32
            %mul3A_204 = vector.broadcast %mul3A_203 : f32 to vector<16xf32>
            %mul3A_205 = arith.mulf %mul3A_204, %abs3A : vector<16xf32>
            %add3A_206 = arith.constant 7.426100e-02 : f32
            %add3A_207 = vector.broadcast %add3A_206 : f32 to vector<16xf32>
            %add3A_208 = arith.addf %mul3A_205, %add3A_207 : vector<16xf32>
            %mul3A_209 = arith.mulf %add3A_208, %abs3A : vector<16xf32>
            %sub3A_210 = arith.constant 0.212114394 : f32
            %sub3A_211 = vector.broadcast %sub3A_210 : f32 to vector<16xf32>
            %sub3A_212 = arith.subf %mul3A_209, %sub3A_211 : vector<16xf32>
            %mul3A_213 = arith.mulf %sub3A_212, %abs3A : vector<16xf32>
            %add3A_214 = arith.constant 1.57072878 : f32
            %add3A_215 = vector.broadcast %add3A_214 : f32 to vector<16xf32>
            %add3A_216 = arith.addf %mul3A_213, %add3A_215 : vector<16xf32>
            %mul3A_217 = arith.mulf %mul3A_202, %add3A_216 : vector<16xf32>
            %ge3A = arith.constant 0.000000e+00 : f32
            %ge3A_218 = vector.broadcast %ge3A : f32 to vector<16xf32>
            %ge3A_219 = arith.cmpf oge, %min3A_163, %ge3A_218 : vector<16xf32>
            %sub3A_220 = arith.constant 3.14159274 : f32
            %sub3A_221 = vector.broadcast %sub3A_220 : f32 to vector<16xf32>
            %sub3A_222 = arith.subf %sub3A_221, %mul3A_217 : vector<16xf32>
            %select_n3A = arith.select %ge3A_219, %mul3A_217, %sub3A_222 : vector<16xi1>, vector<16xf32>
            %gt3A = arith.constant 0.000000e+00 : f32
            %gt3A_223 = vector.broadcast %gt3A : f32 to vector<16xf32>
            %gt3A_224 = arith.cmpf ogt, %add3A_125, %gt3A_223 : vector<16xf32>
            %neg3A = arith.constant 0.000000e+00 : f32
            %neg3A_225 = vector.broadcast %neg3A : f32 to vector<16xf32>
            %neg3A_226 = arith.subf %neg3A_225, %select_n3A : vector<16xf32>
            %select_n3A_227 = arith.select %gt3A_224, %select_n3A, %neg3A_226 : vector<16xi1>, vector<16xf32>
            %swap3A = arith.index_cast %mul3A_66 : i32 to index
            %swap3A_228 = tpu.vector_load %arg31[%swap3A] {strides = array<i32>} : memref<1024xf32, #tpu.memory_space<vmem>>, vector<16xf32>,
            tpu.vector_store %arg31[%swap3A], %select_n3A_227 {strides = array<i32>} : memref<1024xf32, #tpu.memory_space<vmem>>, vector<16xf32>,
          }
          %scan3A_63 = arith.constant 64 : i32
          "tpu.region"() ({
            %run_scoped3A = tpu.sem_alloc : memref<!tpu.dma_semaphore, #tpu.memory_space<semaphore_mem>>
            %dma_start3A = arith.constant 0 : i32
            %dma_start3A_64 = tpu.memref_slice %arg31[%dma_start3A] : memref<1024xf32, #tpu.memory_space<vmem>> -> memref<1024xf32, #tpu.memory_space<vmem>>
            %dma_start3A_65 = tpu.memref_slice %arg9[%multiple_of3A] : memref<2000000xf32, #tpu.memory_space<hbm>> -> memref<1024xf32, #tpu.memory_space<hbm>>
            %dma_start3A_66 = tpu.memref_slice %arg9[%multiple_of3A] : memref<2000000xf32, #tpu.memory_space<hbm>> -> memref<1024xf32, #tpu.memory_space<hbm>>
            %dma_start3A_67 = arith.constant 0 : i32
            %dma_start3A_68 = tpu.memref_slice %arg31[%dma_start3A_67] : memref<1024xf32, #tpu.memory_space<vmem>> -> memref<1024xf32, #tpu.memory_space<vmem>>
            tpu.enqueue_dma source(%dma_start3A_68 : memref<1024xf32, #tpu.memory_space<vmem>>) target(%dma_start3A_66 : memref<1024xf32, #tpu.memory_space<hbm>>) target_semaphore(%run_scoped3A : memref<!tpu.dma_semaphore, #tpu.memory_space<semaphore_mem>>)
            %dma_wait3A_69 = arith.constant 0 : i32
            %dma_wait3A_70 = tpu.memref_slice %arg31[%dma_wait3A_69] : memref<1024xf32, #tpu.memory_space<vmem>> -> memref<1024xf32, #tpu.memory_space<vmem>>
            %dma_wait3A_71 = tpu.memref_slice %arg9[%multiple_of3A] : memref<2000000xf32, #tpu.memory_space<hbm>> -> memref<1024xf32, #tpu.memory_space<hbm>>
            %dma_wait3A_72 = tpu.memref_slice %arg9[%multiple_of3A] : memref<2000000xf32, #tpu.memory_space<hbm>> -> memref<1024xf32, #tpu.memory_space<hbm>>
            %dma_wait3A_73 = arith.constant 0 : i32
            %dma_wait3A_74 = tpu.memref_slice %arg31[%dma_wait3A_73] : memref<1024xf32, #tpu.memory_space<vmem>> -> memref<1024xf32, #tpu.memory_space<vmem>>
            tpu.wait_dma2 semaphore(%run_scoped3A : memref<!tpu.dma_semaphore, #tpu.memory_space<semaphore_mem>>) src(%dma_wait3A_74 : memref<1024xf32, #tpu.memory_space<vmem>>) dst(%dma_wait3A_72 : memref<1024xf32, #tpu.memory_space<hbm>>)
            tpu.yield
          }) : () -> ()
        } else {
          %dma_wait3A = arith.constant 0 : i32
          %dma_wait3A_38 = arith.constant 0 : i32
          %dma_wait3A_39 = tpu.memref_slice %arg10[%dma_wait3A, %dma_wait3A_38] : memref<500000x8xf32, #tpu.memory_space<hbm>> -> memref<500000x8xf32, #tpu.memory_space<hbm>>
          tpu.wait_indirect_dma semaphore(%arg36 : memref<!tpu.dma_semaphore, #tpu.memory_space<semaphore_mem>>) src(%dma_wait3A_39 : memref<500000x8xf32, #tpu.memory_space<hbm>>) dst(%arg23 : memref<1024x8xf32, #tpu.memory_space<vmem>>)
          %dma_wait3A_40 = arith.constant 0 : i32
          %dma_wait3A_41 = arith.constant 0 : i32
          %dma_wait3A_42 = tpu.memref_slice %arg10[%dma_wait3A_40, %dma_wait3A_41] : memref<500000x8xf32, #tpu.memory_space<hbm>> -> memref<500000x8xf32, #tpu.memory_space<hbm>>
          tpu.wait_indirect_dma semaphore(%arg36 : memref<!tpu.dma_semaphore, #tpu.memory_space<semaphore_mem>>) src(%dma_wait3A_42 : memref<500000x8xf32, #tpu.memory_space<hbm>>) dst(%arg24 : memref<1024x8xf32, #tpu.memory_space<vmem>>)
          %dma_wait3A_43 = arith.constant 0 : i32
          %dma_wait3A_44 = arith.constant 0 : i32
          %dma_wait3A_45 = tpu.memref_slice %arg10[%dma_wait3A_43, %dma_wait3A_44] : memref<500000x8xf32, #tpu.memory_space<hbm>> -> memref<500000x8xf32, #tpu.memory_space<hbm>>
          tpu.wait_indirect_dma semaphore(%arg36 : memref<!tpu.dma_semaphore, #tpu.memory_space<semaphore_mem>>) src(%dma_wait3A_45 : memref<500000x8xf32, #tpu.memory_space<hbm>>) dst(%arg25 : memref<1024x8xf32, #tpu.memory_space<vmem>>)
          %dma_wait3A_46 = arith.constant 0 : i32
          %dma_wait3A_47 = arith.constant 0 : i32
          %dma_wait3A_48 = tpu.memref_slice %arg10[%dma_wait3A_46, %dma_wait3A_47] : memref<500000x8xf32, #tpu.memory_space<hbm>> -> memref<500000x8xf32, #tpu.memory_space<hbm>>
          tpu.wait_indirect_dma semaphore(%arg36 : memref<!tpu.dma_semaphore, #tpu.memory_space<semaphore_mem>>) src(%dma_wait3A_48 : memref<500000x8xf32, #tpu.memory_space<hbm>>) dst(%arg26 : memref<1024x8xf32, #tpu.memory_space<vmem>>)
          %add3A_49 = arith.constant 32 : i32
          %add3A_50 = arith.addi %add3A_26, %add3A_49 : i32
          %lt3A_51 = arith.constant 1953 : i32
          %lt3A_52 = arith.cmpi slt, %add3A_50, %lt3A_51 : i32
          %convert_element_type3A_53 = arith.extui %lt3A_52 : i1 to i32
          %cond3A_54 = arith.constant 0 : i32
          %cond3A_55 = arith.cmpi ne, %convert_element_type3A_53, %cond3A_54 : i32
          scf.if %cond3A_55 {
            %dma_wait3A_64 = arith.constant 0 : i32
            %dma_wait3A_65 = tpu.memref_slice %arg5[%dma_wait3A_64] : memref<2000000xi32, #tpu.memory_space<hbm>> -> memref<1024xi32, #tpu.memory_space<hbm>>
            %dma_wait3A_66 = arith.constant 0 : i32
            %dma_wait3A_67 = tpu.memref_slice %arg5[%dma_wait3A_66] : memref<2000000xi32, #tpu.memory_space<hbm>> -> memref<1024xi32, #tpu.memory_space<hbm>>
            tpu.wait_dma2 semaphore(%arg33 : memref<!tpu.dma_semaphore, #tpu.memory_space<semaphore_mem>>) src(%dma_wait3A_67 : memref<1024xi32, #tpu.memory_space<hbm>>) dst(%arg11 : memref<1024xi32, #tpu.memory_space<vmem>>)
            %dma_wait3A_68 = arith.constant 0 : i32
            %dma_wait3A_69 = tpu.memref_slice %arg6[%dma_wait3A_68] : memref<2000000xi32, #tpu.memory_space<hbm>> -> memref<1024xi32, #tpu.memory_space<hbm>>
            %dma_wait3A_70 = arith.constant 0 : i32
            %dma_wait3A_71 = tpu.memref_slice %arg6[%dma_wait3A_70] : memref<2000000xi32, #tpu.memory_space<hbm>> -> memref<1024xi32, #tpu.memory_space<hbm>>
            tpu.wait_dma2 semaphore(%arg33 : memref<!tpu.dma_semaphore, #tpu.memory_space<semaphore_mem>>) src(%dma_wait3A_71 : memref<1024xi32, #tpu.memory_space<hbm>>) dst(%arg12 : memref<1024xi32, #tpu.memory_space<vmem>>)
            %dma_wait3A_72 = arith.constant 0 : i32
            %dma_wait3A_73 = tpu.memref_slice %arg7[%dma_wait3A_72] : memref<2000000xi32, #tpu.memory_space<hbm>> -> memref<1024xi32, #tpu.memory_space<hbm>>
            %dma_wait3A_74 = arith.constant 0 : i32
            %dma_wait3A_75 = tpu.memref_slice %arg7[%dma_wait3A_74] : memref<2000000xi32, #tpu.memory_space<hbm>> -> memref<1024xi32, #tpu.memory_space<hbm>>
            tpu.wait_dma2 semaphore(%arg33 : memref<!tpu.dma_semaphore, #tpu.memory_space<semaphore_mem>>) src(%dma_wait3A_75 : memref<1024xi32, #tpu.memory_space<hbm>>) dst(%arg13 : memref<1024xi32, #tpu.memory_space<vmem>>)
            %dma_wait3A_76 = arith.constant 0 : i32
            %dma_wait3A_77 = tpu.memref_slice %arg8[%dma_wait3A_76] : memref<2000000xi32, #tpu.memory_space<hbm>> -> memref<1024xi32, #tpu.memory_space<hbm>>
            %dma_wait3A_78 = arith.constant 0 : i32
            %dma_wait3A_79 = tpu.memref_slice %arg8[%dma_wait3A_78] : memref<2000000xi32, #tpu.memory_space<hbm>> -> memref<1024xi32, #tpu.memory_space<hbm>>
            tpu.wait_dma2 semaphore(%arg33 : memref<!tpu.dma_semaphore, #tpu.memory_space<semaphore_mem>>) src(%dma_wait3A_79 : memref<1024xi32, #tpu.memory_space<hbm>>) dst(%arg14 : memref<1024xi32, #tpu.memory_space<vmem>>)
            %dma_start3A = arith.constant 0 : i32
            %dma_start3A_80 = arith.constant 0 : i32
            %dma_start3A_81 = tpu.memref_slice %arg10[%dma_start3A, %dma_start3A_80] : memref<500000x8xf32, #tpu.memory_space<hbm>> -> memref<500000x8xf32, #tpu.memory_space<hbm>>
            tpu.enqueue_indirect_dma source(%dma_start3A_81 : memref<500000x8xf32, #tpu.memory_space<hbm>>) target(%arg19 : memref<1024x8xf32, #tpu.memory_space<vmem>>) offsets(%arg11 : memref<1024xi32, #tpu.memory_space<vmem>>) semaphore(%arg35 : memref<!tpu.dma_semaphore, #tpu.memory_space<semaphore_mem>>)
            %dma_start3A_82 = arith.constant 0 : i32
            %dma_start3A_83 = arith.constant 0 : i32
            %dma_start3A_84 = tpu.memref_slice %arg10[%dma_start3A_82, %dma_start3A_83] : memref<500000x8xf32, #tpu.memory_space<hbm>> -> memref<500000x8xf32, #tpu.memory_space<hbm>>
            tpu.enqueue_indirect_dma source(%dma_start3A_84 : memref<500000x8xf32, #tpu.memory_space<hbm>>) target(%arg20 : memref<1024x8xf32, #tpu.memory_space<vmem>>) offsets(%arg12 : memref<1024xi32, #tpu.memory_space<vmem>>) semaphore(%arg35 : memref<!tpu.dma_semaphore, #tpu.memory_space<semaphore_mem>>)
            %dma_start3A_85 = arith.constant 0 : i32
            %dma_start3A_86 = arith.constant 0 : i32
            %dma_start3A_87 = tpu.memref_slice %arg10[%dma_start3A_85, %dma_start3A_86] : memref<500000x8xf32, #tpu.memory_space<hbm>> -> memref<500000x8xf32, #tpu.memory_space<hbm>>
            tpu.enqueue_indirect_dma source(%dma_start3A_87 : memref<500000x8xf32, #tpu.memory_space<hbm>>) target(%arg21 : memref<1024x8xf32, #tpu.memory_space<vmem>>) offsets(%arg13 : memref<1024xi32, #tpu.memory_space<vmem>>) semaphore(%arg35 : memref<!tpu.dma_semaphore, #tpu.memory_space<semaphore_mem>>)
            %dma_start3A_88 = arith.constant 0 : i32
            %dma_start3A_89 = arith.constant 0 : i32
            %dma_start3A_90 = tpu.memref_slice %arg10[%dma_start3A_88, %dma_start3A_89] : memref<500000x8xf32, #tpu.memory_space<hbm>> -> memref<500000x8xf32, #tpu.memory_space<hbm>>
            tpu.enqueue_indirect_dma source(%dma_start3A_90 : memref<500000x8xf32, #tpu.memory_space<hbm>>) target(%arg22 : memref<1024x8xf32, #tpu.memory_space<vmem>>) offsets(%arg14 : memref<1024xi32, #tpu.memory_space<vmem>>) semaphore(%arg35 : memref<!tpu.dma_semaphore, #tpu.memory_space<semaphore_mem>>)
            %add3A_91 = arith.constant 64 : i32
            %add3A_92 = arith.addi %add3A_26, %add3A_91 : i32
            %lt3A_93 = arith.constant 1953 : i32
            %lt3A_94 = arith.cmpi slt, %add3A_92, %lt3A_93 : i32
            %convert_element_type3A_95 = arith.extui %lt3A_94 : i1 to i32
            %cond3A_96 = arith.constant 0 : i32
            %cond3A_97 = arith.cmpi ne, %convert_element_type3A_95, %cond3A_96 : i32
            scf.if %cond3A_97 {
              %add3A_98 = arith.constant 64 : i32
              %add3A_99 = arith.addi %add3A_26, %add3A_98 : i32
              %mul3A_100 = arith.constant 1024 : i32
              %mul3A_101 = arith.muli %add3A_99, %mul3A_100 : i32
              %multiple_of3A_102 = tpu.assume_multiple %mul3A_101, 1024 : i32
              %dma_start3A_103 = tpu.memref_slice %arg5[%multiple_of3A_102] : memref<2000000xi32, #tpu.memory_space<hbm>> -> memref<1024xi32, #tpu.memory_space<hbm>>
              %dma_start3A_104 = tpu.memref_slice %arg5[%multiple_of3A_102] : memref<2000000xi32, #tpu.memory_space<hbm>> -> memref<1024xi32, #tpu.memory_space<hbm>>
              tpu.enqueue_dma source(%dma_start3A_104 : memref<1024xi32, #tpu.memory_space<hbm>>) target(%arg15 : memref<1024xi32, #tpu.memory_space<vmem>>) target_semaphore(%arg34 : memref<!tpu.dma_semaphore, #tpu.memory_space<semaphore_mem>>)
              %dma_start3A_105 = tpu.memref_slice %arg6[%multiple_of3A_102] : memref<2000000xi32, #tpu.memory_space<hbm>> -> memref<1024xi32, #tpu.memory_space<hbm>>
              %dma_start3A_106 = tpu.memref_slice %arg6[%multiple_of3A_102] : memref<2000000xi32, #tpu.memory_space<hbm>> -> memref<1024xi32, #tpu.memory_space<hbm>>
              tpu.enqueue_dma source(%dma_start3A_106 : memref<1024xi32, #tpu.memory_space<hbm>>) target(%arg16 : memref<1024xi32, #tpu.memory_space<vmem>>) target_semaphore(%arg34 : memref<!tpu.dma_semaphore, #tpu.memory_space<semaphore_mem>>)
              %dma_start3A_107 = tpu.memref_slice %arg7[%multiple_of3A_102] : memref<2000000xi32, #tpu.memory_space<hbm>> -> memref<1024xi32, #tpu.memory_space<hbm>>
              %dma_start3A_108 = tpu.memref_slice %arg7[%multiple_of3A_102] : memref<2000000xi32, #tpu.memory_space<hbm>> -> memref<1024xi32, #tpu.memory_space<hbm>>
              tpu.enqueue_dma source(%dma_start3A_108 : memref<1024xi32, #tpu.memory_space<hbm>>) target(%arg17 : memref<1024xi32, #tpu.memory_space<vmem>>) target_semaphore(%arg34 : memref<!tpu.dma_semaphore, #tpu.memory_space<semaphore_mem>>)
              %dma_start3A_109 = tpu.memref_slice %arg8[%multiple_of3A_102] : memref<2000000xi32, #tpu.memory_space<hbm>> -> memref<1024xi32, #tpu.memory_space<hbm>>
              %dma_start3A_110 = tpu.memref_slice %arg8[%multiple_of3A_102] : memref<2000000xi32, #tpu.memory_space<hbm>> -> memref<1024xi32, #tpu.memory_space<hbm>>
              tpu.enqueue_dma source(%dma_start3A_110 : memref<1024xi32, #tpu.memory_space<hbm>>) target(%arg18 : memref<1024xi32, #tpu.memory_space<vmem>>) target_semaphore(%arg34 : memref<!tpu.dma_semaphore, #tpu.memory_space<semaphore_mem>>)
            } else {
            }
          } else {
          }
          %mul3A_56 = arith.constant 1024 : i32
          %mul3A_57 = arith.muli %add3A_26, %mul3A_56 : i32
          %multiple_of3A = tpu.assume_multiple %mul3A_57, 1024 : i32
          %scan3A_58 = arith.constant 0 : i32
          %scan3A_59 = arith.constant 0 : i32
          %scan3A_60 = arith.constant 64 : i32
          %scan3A_61 = arith.addi %scan3A_59, %scan3A_60 : i32
          %scan3A_62 = arith.constant 1 : i32
          scf.for %scan3A_64 = %scan3A_59 to %scan3A_61 step %scan3A_62  : i32 {
            %mul3A_65 = arith.constant 16 : i32
            %mul3A_66 = arith.muli %scan3A_64, %mul3A_65 : i32
            %add3A_67 = vector.broadcast %mul3A_66 : i32 to vector<16xi32>
            %add3A_68 = arith.addi %add3A_67, %iota3A : vector<16xi32>
            %gather3A = tpu.vector_load_idx %arg23[%add3A_68, %broadcast_in_dim3A_1] : memref<1024x8xf32, #tpu.memory_space<vmem>>[vector<16xi32>, vector<16xi32>], vector<16xf32>,
            %gather3A_69 = tpu.vector_load_idx %arg23[%add3A_68, %broadcast_in_dim3A_3] : memref<1024x8xf32, #tpu.memory_space<vmem>>[vector<16xi32>, vector<16xi32>], vector<16xf32>,
            %gather3A_70 = tpu.vector_load_idx %arg23[%add3A_68, %broadcast_in_dim3A_5] : memref<1024x8xf32, #tpu.memory_space<vmem>>[vector<16xi32>, vector<16xi32>], vector<16xf32>,
            %gather3A_71 = tpu.vector_load_idx %arg24[%add3A_68, %broadcast_in_dim3A_1] : memref<1024x8xf32, #tpu.memory_space<vmem>>[vector<16xi32>, vector<16xi32>], vector<16xf32>,
            %gather3A_72 = tpu.vector_load_idx %arg24[%add3A_68, %broadcast_in_dim3A_3] : memref<1024x8xf32, #tpu.memory_space<vmem>>[vector<16xi32>, vector<16xi32>], vector<16xf32>,
            %gather3A_73 = tpu.vector_load_idx %arg24[%add3A_68, %broadcast_in_dim3A_5] : memref<1024x8xf32, #tpu.memory_space<vmem>>[vector<16xi32>, vector<16xi32>], vector<16xf32>,
            %gather3A_74 = tpu.vector_load_idx %arg25[%add3A_68, %broadcast_in_dim3A_1] : memref<1024x8xf32, #tpu.memory_space<vmem>>[vector<16xi32>, vector<16xi32>], vector<16xf32>,
            %gather3A_75 = tpu.vector_load_idx %arg25[%add3A_68, %broadcast_in_dim3A_3] : memref<1024x8xf32, #tpu.memory_space<vmem>>[vector<16xi32>, vector<16xi32>], vector<16xf32>,
            %gather3A_76 = tpu.vector_load_idx %arg25[%add3A_68, %broadcast_in_dim3A_5] : memref<1024x8xf32, #tpu.memory_space<vmem>>[vector<16xi32>, vector<16xi32>], vector<16xf32>,
            %gather3A_77 = tpu.vector_load_idx %arg26[%add3A_68, %broadcast_in_dim3A_1] : memref<1024x8xf32, #tpu.memory_space<vmem>>[vector<16xi32>, vector<16xi32>], vector<16xf32>,
            %gather3A_78 = tpu.vector_load_idx %arg26[%add3A_68, %broadcast_in_dim3A_3] : memref<1024x8xf32, #tpu.memory_space<vmem>>[vector<16xi32>, vector<16xi32>], vector<16xf32>,
            %gather3A_79 = tpu.vector_load_idx %arg26[%add3A_68, %broadcast_in_dim3A_5] : memref<1024x8xf32, #tpu.memory_space<vmem>>[vector<16xi32>, vector<16xi32>], vector<16xf32>,
            %sub3A = arith.subf %gather3A_71, %gather3A : vector<16xf32>
            %sub3A_80 = arith.subf %gather3A_72, %gather3A_69 : vector<16xf32>
            %sub3A_81 = arith.subf %gather3A_73, %gather3A_70 : vector<16xf32>
            %sub3A_82 = arith.subf %gather3A_74, %gather3A_71 : vector<16xf32>
            %sub3A_83 = arith.subf %gather3A_75, %gather3A_72 : vector<16xf32>
            %sub3A_84 = arith.subf %gather3A_76, %gather3A_73 : vector<16xf32>
            %sub3A_85 = arith.subf %gather3A_77, %gather3A_74 : vector<16xf32>
            %sub3A_86 = arith.subf %gather3A_78, %gather3A_75 : vector<16xf32>
            %sub3A_87 = arith.subf %gather3A_79, %gather3A_76 : vector<16xf32>
            %mul3A_88 = arith.mulf %sub3A_80, %sub3A_84 : vector<16xf32>
            %mul3A_89 = arith.mulf %sub3A_81, %sub3A_83 : vector<16xf32>
            %sub3A_90 = arith.subf %mul3A_88, %mul3A_89 : vector<16xf32>
            %mul3A_91 = arith.mulf %sub3A_81, %sub3A_82 : vector<16xf32>
            %mul3A_92 = arith.mulf %sub3A, %sub3A_84 : vector<16xf32>
            %sub3A_93 = arith.subf %mul3A_91, %mul3A_92 : vector<16xf32>
            %mul3A_94 = arith.mulf %sub3A, %sub3A_83 : vector<16xf32>
            %mul3A_95 = arith.mulf %sub3A_80, %sub3A_82 : vector<16xf32>
            %sub3A_96 = arith.subf %mul3A_94, %mul3A_95 : vector<16xf32>
            %mul3A_97 = arith.mulf %sub3A_83, %sub3A_87 : vector<16xf32>
            %mul3A_98 = arith.mulf %sub3A_84, %sub3A_86 : vector<16xf32>
            %sub3A_99 = arith.subf %mul3A_97, %mul3A_98 : vector<16xf32>
            %mul3A_100 = arith.mulf %sub3A_84, %sub3A_85 : vector<16xf32>
            %mul3A_101 = arith.mulf %sub3A_82, %sub3A_87 : vector<16xf32>
            %sub3A_102 = arith.subf %mul3A_100, %mul3A_101 : vector<16xf32>
            %mul3A_103 = arith.mulf %sub3A_82, %sub3A_86 : vector<16xf32>
            %mul3A_104 = arith.mulf %sub3A_83, %sub3A_85 : vector<16xf32>
            %sub3A_105 = arith.subf %mul3A_103, %mul3A_104 : vector<16xf32>
            %mul3A_106 = arith.mulf %sub3A_90, %sub3A_99 : vector<16xf32>
            %mul3A_107 = arith.mulf %sub3A_93, %sub3A_102 : vector<16xf32>
            %add3A_108 = arith.addf %mul3A_106, %mul3A_107 : vector<16xf32>
            %mul3A_109 = arith.mulf %sub3A_96, %sub3A_105 : vector<16xf32>
            %add3A_110 = arith.addf %add3A_108, %mul3A_109 : vector<16xf32>
            %mul3A_111 = arith.mulf %sub3A_90, %sub3A_90 : vector<16xf32>
            %mul3A_112 = arith.mulf %sub3A_93, %sub3A_93 : vector<16xf32>
            %add3A_113 = arith.addf %mul3A_111, %mul3A_112 : vector<16xf32>
            %mul3A_114 = arith.mulf %sub3A_96, %sub3A_96 : vector<16xf32>
            %add3A_115 = arith.addf %add3A_113, %mul3A_114 : vector<16xf32>
            %mul3A_116 = arith.mulf %sub3A_99, %sub3A_99 : vector<16xf32>
            %mul3A_117 = arith.mulf %sub3A_102, %sub3A_102 : vector<16xf32>
            %add3A_118 = arith.addf %mul3A_116, %mul3A_117 : vector<16xf32>
            %mul3A_119 = arith.mulf %sub3A_105, %sub3A_105 : vector<16xf32>
            %add3A_120 = arith.addf %add3A_118, %mul3A_119 : vector<16xf32>
            %mul3A_121 = arith.mulf %sub3A_90, %sub3A_85 : vector<16xf32>
            %mul3A_122 = arith.mulf %sub3A_93, %sub3A_86 : vector<16xf32>
            %add3A_123 = arith.addf %mul3A_121, %mul3A_122 : vector<16xf32>
            %mul3A_124 = arith.mulf %sub3A_96, %sub3A_87 : vector<16xf32>
            %add3A_125 = arith.addf %add3A_123, %mul3A_124 : vector<16xf32>
            %mul3A_126 = arith.mulf %add3A_115, %add3A_120 : vector<16xf32>
            %bitcast_convert_type3A = tpu.bitcast %mul3A_126 : vector<16xf32> -> vector<16xi32>
            %shift_right_logical3A = arith.constant 1 : i32
            %shift_right_logical3A_127 = vector.broadcast %shift_right_logical3A : i32 to vector<16xi32>
            %shift_right_logical3A_128 = arith.shrui %bitcast_convert_type3A, %shift_right_logical3A_127 : vector<16xi32>
            %sub3A_129 = arith.constant 1597463007 : i32
            %sub3A_130 = vector.broadcast %sub3A_129 : i32 to vector<16xi32>
            %sub3A_131 = arith.subi %sub3A_130, %shift_right_logical3A_128 : vector<16xi32>
            %bitcast_convert_type3A_132 = tpu.bitcast %sub3A_131 : vector<16xi32> -> vector<16xf32>
            %mul3A_133 = arith.mulf %mul3A_126, %bitcast_convert_type3A_132 : vector<16xf32>
            %mul3A_134 = arith.constant 5.000000e-01 : f32
            %mul3A_135 = vector.broadcast %mul3A_134 : f32 to vector<16xf32>
            %mul3A_136 = arith.mulf %mul3A_135, %mul3A_133 : vector<16xf32>
            %mul3A_137 = arith.mulf %mul3A_136, %bitcast_convert_type3A_132 : vector<16xf32>
            %sub3A_138 = arith.constant 1.500000e+00 : f32
            %sub3A_139 = vector.broadcast %sub3A_138 : f32 to vector<16xf32>
            %sub3A_140 = arith.subf %sub3A_139, %mul3A_137 : vector<16xf32>
            %mul3A_141 = arith.mulf %bitcast_convert_type3A_132, %sub3A_140 : vector<16xf32>
            %mul3A_142 = arith.mulf %mul3A_126, %mul3A_141 : vector<16xf32>
            %mul3A_143 = arith.constant 5.000000e-01 : f32
            %mul3A_144 = vector.broadcast %mul3A_143 : f32 to vector<16xf32>
            %mul3A_145 = arith.mulf %mul3A_144, %mul3A_142 : vector<16xf32>
            %mul3A_146 = arith.mulf %mul3A_145, %mul3A_141 : vector<16xf32>
            %sub3A_147 = arith.constant 1.500000e+00 : f32
            %sub3A_148 = vector.broadcast %sub3A_147 : f32 to vector<16xf32>
            %sub3A_149 = arith.subf %sub3A_148, %mul3A_146 : vector<16xf32>
            %mul3A_150 = arith.mulf %mul3A_141, %sub3A_149 : vector<16xf32>
            %mul3A_151 = arith.mulf %mul3A_126, %mul3A_150 : vector<16xf32>
            %mul3A_152 = arith.constant 5.000000e-01 : f32
            %mul3A_153 = vector.broadcast %mul3A_152 : f32 to vector<16xf32>
            %mul3A_154 = arith.mulf %mul3A_153, %mul3A_151 : vector<16xf32>
            %mul3A_155 = arith.mulf %mul3A_154, %mul3A_150 : vector<16xf32>
            %sub3A_156 = arith.constant 1.500000e+00 : f32
            %sub3A_157 = vector.broadcast %sub3A_156 : f32 to vector<16xf32>
            %sub3A_158 = arith.subf %sub3A_157, %mul3A_155 : vector<16xf32>
            %mul3A_159 = arith.mulf %mul3A_150, %sub3A_158 : vector<16xf32>
            %mul3A_160 = arith.mulf %add3A_110, %mul3A_159 : vector<16xf32>
            %jit3A = arith.constant -1.000000e+00 : f32
            %jit3A_161 = arith.constant 1.000000e+00 : f32
            %max3A = vector.broadcast %jit3A : f32 to vector<16xf32>
            %max3A_162 = arith.maximumf %max3A, %mul3A_160 : vector<16xf32>
            %min3A = vector.broadcast %jit3A_161 : f32 to vector<16xf32>
            %min3A_163 = arith.minimumf %min3A, %max3A_162 : vector<16xf32>
            %abs3A = math.absf %min3A_163 : vector<16xf32>
            %sub3A_164 = arith.constant 1.000000e+00 : f32
            %sub3A_165 = vector.broadcast %sub3A_164 : f32 to vector<16xf32>
            %sub3A_166 = arith.subf %sub3A_165, %abs3A : vector<16xf32>
            %bitcast_convert_type3A_167 = tpu.bitcast %sub3A_166 : vector<16xf32> -> vector<16xi32>
            %shift_right_logical3A_168 = arith.constant 1 : i32
            %shift_right_logical3A_169 = vector.broadcast %shift_right_logical3A_168 : i32 to vector<16xi32>
            %shift_right_logical3A_170 = arith.shrui %bitcast_convert_type3A_167, %shift_right_logical3A_169 : vector<16xi32>
            %sub3A_171 = arith.constant 1597463007 : i32
            %sub3A_172 = vector.broadcast %sub3A_171 : i32 to vector<16xi32>
            %sub3A_173 = arith.subi %sub3A_172, %shift_right_logical3A_170 : vector<16xi32>
            %bitcast_convert_type3A_174 = tpu.bitcast %sub3A_173 : vector<16xi32> -> vector<16xf32>
            %mul3A_175 = arith.mulf %sub3A_166, %bitcast_convert_type3A_174 : vector<16xf32>
            %mul3A_176 = arith.constant 5.000000e-01 : f32
            %mul3A_177 = vector.broadcast %mul3A_176 : f32 to vector<16xf32>
            %mul3A_178 = arith.mulf %mul3A_177, %mul3A_175 : vector<16xf32>
            %mul3A_179 = arith.mulf %mul3A_178, %bitcast_convert_type3A_174 : vector<16xf32>
            %sub3A_180 = arith.constant 1.500000e+00 : f32
            %sub3A_181 = vector.broadcast %sub3A_180 : f32 to vector<16xf32>
            %sub3A_182 = arith.subf %sub3A_181, %mul3A_179 : vector<16xf32>
            %mul3A_183 = arith.mulf %bitcast_convert_type3A_174, %sub3A_182 : vector<16xf32>
            %mul3A_184 = arith.mulf %sub3A_166, %mul3A_183 : vector<16xf32>
            %mul3A_185 = arith.constant 5.000000e-01 : f32
            %mul3A_186 = vector.broadcast %mul3A_185 : f32 to vector<16xf32>
            %mul3A_187 = arith.mulf %mul3A_186, %mul3A_184 : vector<16xf32>
            %mul3A_188 = arith.mulf %mul3A_187, %mul3A_183 : vector<16xf32>
            %sub3A_189 = arith.constant 1.500000e+00 : f32
            %sub3A_190 = vector.broadcast %sub3A_189 : f32 to vector<16xf32>
            %sub3A_191 = arith.subf %sub3A_190, %mul3A_188 : vector<16xf32>
            %mul3A_192 = arith.mulf %mul3A_183, %sub3A_191 : vector<16xf32>
            %mul3A_193 = arith.mulf %sub3A_166, %mul3A_192 : vector<16xf32>
            %mul3A_194 = arith.constant 5.000000e-01 : f32
            %mul3A_195 = vector.broadcast %mul3A_194 : f32 to vector<16xf32>
            %mul3A_196 = arith.mulf %mul3A_195, %mul3A_193 : vector<16xf32>
            %mul3A_197 = arith.mulf %mul3A_196, %mul3A_192 : vector<16xf32>
            %sub3A_198 = arith.constant 1.500000e+00 : f32
            %sub3A_199 = vector.broadcast %sub3A_198 : f32 to vector<16xf32>
            %sub3A_200 = arith.subf %sub3A_199, %mul3A_197 : vector<16xf32>
            %mul3A_201 = arith.mulf %mul3A_192, %sub3A_200 : vector<16xf32>
            %mul3A_202 = arith.mulf %sub3A_166, %mul3A_201 : vector<16xf32>
            %mul3A_203 = arith.constant -1.872930e-02 : f32
            %mul3A_204 = vector.broadcast %mul3A_203 : f32 to vector<16xf32>
            %mul3A_205 = arith.mulf %mul3A_204, %abs3A : vector<16xf32>
            %add3A_206 = arith.constant 7.426100e-02 : f32
            %add3A_207 = vector.broadcast %add3A_206 : f32 to vector<16xf32>
            %add3A_208 = arith.addf %mul3A_205, %add3A_207 : vector<16xf32>
            %mul3A_209 = arith.mulf %add3A_208, %abs3A : vector<16xf32>
            %sub3A_210 = arith.constant 0.212114394 : f32
            %sub3A_211 = vector.broadcast %sub3A_210 : f32 to vector<16xf32>
            %sub3A_212 = arith.subf %mul3A_209, %sub3A_211 : vector<16xf32>
            %mul3A_213 = arith.mulf %sub3A_212, %abs3A : vector<16xf32>
            %add3A_214 = arith.constant 1.57072878 : f32
            %add3A_215 = vector.broadcast %add3A_214 : f32 to vector<16xf32>
            %add3A_216 = arith.addf %mul3A_213, %add3A_215 : vector<16xf32>
            %mul3A_217 = arith.mulf %mul3A_202, %add3A_216 : vector<16xf32>
            %ge3A = arith.constant 0.000000e+00 : f32
            %ge3A_218 = vector.broadcast %ge3A : f32 to vector<16xf32>
            %ge3A_219 = arith.cmpf oge, %min3A_163, %ge3A_218 : vector<16xf32>
            %sub3A_220 = arith.constant 3.14159274 : f32
            %sub3A_221 = vector.broadcast %sub3A_220 : f32 to vector<16xf32>
            %sub3A_222 = arith.subf %sub3A_221, %mul3A_217 : vector<16xf32>
            %select_n3A = arith.select %ge3A_219, %mul3A_217, %sub3A_222 : vector<16xi1>, vector<16xf32>
            %gt3A = arith.constant 0.000000e+00 : f32
            %gt3A_223 = vector.broadcast %gt3A : f32 to vector<16xf32>
            %gt3A_224 = arith.cmpf ogt, %add3A_125, %gt3A_223 : vector<16xf32>
            %neg3A = arith.constant 0.000000e+00 : f32
            %neg3A_225 = vector.broadcast %neg3A : f32 to vector<16xf32>
            %neg3A_226 = arith.subf %neg3A_225, %select_n3A : vector<16xf32>
            %select_n3A_227 = arith.select %gt3A_224, %select_n3A, %neg3A_226 : vector<16xi1>, vector<16xf32>
            %swap3A = arith.index_cast %mul3A_66 : i32 to index
            %swap3A_228 = tpu.vector_load %arg31[%swap3A] {strides = array<i32>} : memref<1024xf32, #tpu.memory_space<vmem>>, vector<16xf32>,
            tpu.vector_store %arg31[%swap3A], %select_n3A_227 {strides = array<i32>} : memref<1024xf32, #tpu.memory_space<vmem>>, vector<16xf32>,
          }
          %scan3A_63 = arith.constant 64 : i32
          "tpu.region"() ({
            %run_scoped3A = tpu.sem_alloc : memref<!tpu.dma_semaphore, #tpu.memory_space<semaphore_mem>>
            %dma_start3A = arith.constant 0 : i32
            %dma_start3A_64 = tpu.memref_slice %arg31[%dma_start3A] : memref<1024xf32, #tpu.memory_space<vmem>> -> memref<1024xf32, #tpu.memory_space<vmem>>
            %dma_start3A_65 = tpu.memref_slice %arg9[%multiple_of3A] : memref<2000000xf32, #tpu.memory_space<hbm>> -> memref<1024xf32, #tpu.memory_space<hbm>>
            %dma_start3A_66 = tpu.memref_slice %arg9[%multiple_of3A] : memref<2000000xf32, #tpu.memory_space<hbm>> -> memref<1024xf32, #tpu.memory_space<hbm>>
            %dma_start3A_67 = arith.constant 0 : i32
            %dma_start3A_68 = tpu.memref_slice %arg31[%dma_start3A_67] : memref<1024xf32, #tpu.memory_space<vmem>> -> memref<1024xf32, #tpu.memory_space<vmem>>
            tpu.enqueue_dma source(%dma_start3A_68 : memref<1024xf32, #tpu.memory_space<vmem>>) target(%dma_start3A_66 : memref<1024xf32, #tpu.memory_space<hbm>>) target_semaphore(%run_scoped3A : memref<!tpu.dma_semaphore, #tpu.memory_space<semaphore_mem>>)
            %dma_wait3A_69 = arith.constant 0 : i32
            %dma_wait3A_70 = tpu.memref_slice %arg31[%dma_wait3A_69] : memref<1024xf32, #tpu.memory_space<vmem>> -> memref<1024xf32, #tpu.memory_space<vmem>>
            %dma_wait3A_71 = tpu.memref_slice %arg9[%multiple_of3A] : memref<2000000xf32, #tpu.memory_space<hbm>> -> memref<1024xf32, #tpu.memory_space<hbm>>
            %dma_wait3A_72 = tpu.memref_slice %arg9[%multiple_of3A] : memref<2000000xf32, #tpu.memory_space<hbm>> -> memref<1024xf32, #tpu.memory_space<hbm>>
            %dma_wait3A_73 = arith.constant 0 : i32
            %dma_wait3A_74 = tpu.memref_slice %arg31[%dma_wait3A_73] : memref<1024xf32, #tpu.memory_space<vmem>> -> memref<1024xf32, #tpu.memory_space<vmem>>
            tpu.wait_dma2 semaphore(%run_scoped3A : memref<!tpu.dma_semaphore, #tpu.memory_space<semaphore_mem>>) src(%dma_wait3A_74 : memref<1024xf32, #tpu.memory_space<vmem>>) dst(%dma_wait3A_72 : memref<1024xf32, #tpu.memory_space<hbm>>)
            tpu.yield
          }) : () -> ()
        }
      } else {
      }
    }
    %scan3A_18 = arith.constant 62 : i32
    %eq3A = arith.constant 31 : i32
    %eq3A_19 = arith.cmpi eq, %add3A, %eq3A : i32
    %convert_element_type3A_20 = arith.extui %eq3A_19 : i1 to i32
    %cond3A_21 = arith.constant 0 : i32
    %cond3A_22 = arith.cmpi ne, %convert_element_type3A_20, %cond3A_21 : i32
    scf.if %cond3A_22 {
      %dma_start3A = arith.constant 0 : i32
      %dma_start3A_23 = tpu.memref_slice %arg11[%dma_start3A] : memref<1024xi32, #tpu.memory_space<vmem>> -> memref<128xi32, #tpu.memory_space<vmem>>
      %dma_start3A_24 = arith.constant 1999872 : i32
      %dma_start3A_25 = tpu.memref_slice %arg5[%dma_start3A_24] : memref<2000000xi32, #tpu.memory_space<hbm>> -> memref<128xi32, #tpu.memory_space<hbm>>
      %dma_start3A_26 = arith.constant 0 : i32
      %dma_start3A_27 = tpu.memref_slice %arg11[%dma_start3A_26] : memref<1024xi32, #tpu.memory_space<vmem>> -> memref<128xi32, #tpu.memory_space<vmem>>
      %dma_start3A_28 = arith.constant 1999872 : i32
      %dma_start3A_29 = tpu.memref_slice %arg5[%dma_start3A_28] : memref<2000000xi32, #tpu.memory_space<hbm>> -> memref<128xi32, #tpu.memory_space<hbm>>
      tpu.enqueue_dma source(%dma_start3A_29 : memref<128xi32, #tpu.memory_space<hbm>>) target(%dma_start3A_27 : memref<128xi32, #tpu.memory_space<vmem>>) target_semaphore(%arg33 : memref<!tpu.dma_semaphore, #tpu.memory_space<semaphore_mem>>)
      %dma_start3A_30 = arith.constant 0 : i32
      %dma_start3A_31 = tpu.memref_slice %arg12[%dma_start3A_30] : memref<1024xi32, #tpu.memory_space<vmem>> -> memref<128xi32, #tpu.memory_space<vmem>>
      %dma_start3A_32 = arith.constant 1999872 : i32
      %dma_start3A_33 = tpu.memref_slice %arg6[%dma_start3A_32] : memref<2000000xi32, #tpu.memory_space<hbm>> -> memref<128xi32, #tpu.memory_space<hbm>>
      %dma_start3A_34 = arith.constant 0 : i32
      %dma_start3A_35 = tpu.memref_slice %arg12[%dma_start3A_34] : memref<1024xi32, #tpu.memory_space<vmem>> -> memref<128xi32, #tpu.memory_space<vmem>>
      %dma_start3A_36 = arith.constant 1999872 : i32
      %dma_start3A_37 = tpu.memref_slice %arg6[%dma_start3A_36] : memref<2000000xi32, #tpu.memory_space<hbm>> -> memref<128xi32, #tpu.memory_space<hbm>>
      tpu.enqueue_dma source(%dma_start3A_37 : memref<128xi32, #tpu.memory_space<hbm>>) target(%dma_start3A_35 : memref<128xi32, #tpu.memory_space<vmem>>) target_semaphore(%arg33 : memref<!tpu.dma_semaphore, #tpu.memory_space<semaphore_mem>>)
      %dma_start3A_38 = arith.constant 0 : i32
      %dma_start3A_39 = tpu.memref_slice %arg13[%dma_start3A_38] : memref<1024xi32, #tpu.memory_space<vmem>> -> memref<128xi32, #tpu.memory_space<vmem>>
      %dma_start3A_40 = arith.constant 1999872 : i32
      %dma_start3A_41 = tpu.memref_slice %arg7[%dma_start3A_40] : memref<2000000xi32, #tpu.memory_space<hbm>> -> memref<128xi32, #tpu.memory_space<hbm>>
      %dma_start3A_42 = arith.constant 0 : i32
      %dma_start3A_43 = tpu.memref_slice %arg13[%dma_start3A_42] : memref<1024xi32, #tpu.memory_space<vmem>> -> memref<128xi32, #tpu.memory_space<vmem>>
      %dma_start3A_44 = arith.constant 1999872 : i32
      %dma_start3A_45 = tpu.memref_slice %arg7[%dma_start3A_44] : memref<2000000xi32, #tpu.memory_space<hbm>> -> memref<128xi32, #tpu.memory_space<hbm>>
      tpu.enqueue_dma source(%dma_start3A_45 : memref<128xi32, #tpu.memory_space<hbm>>) target(%dma_start3A_43 : memref<128xi32, #tpu.memory_space<vmem>>) target_semaphore(%arg33 : memref<!tpu.dma_semaphore, #tpu.memory_space<semaphore_mem>>)
      %dma_start3A_46 = arith.constant 0 : i32
      %dma_start3A_47 = tpu.memref_slice %arg14[%dma_start3A_46] : memref<1024xi32, #tpu.memory_space<vmem>> -> memref<128xi32, #tpu.memory_space<vmem>>
      %dma_start3A_48 = arith.constant 1999872 : i32
      %dma_start3A_49 = tpu.memref_slice %arg8[%dma_start3A_48] : memref<2000000xi32, #tpu.memory_space<hbm>> -> memref<128xi32, #tpu.memory_space<hbm>>
      %dma_start3A_50 = arith.constant 0 : i32
      %dma_start3A_51 = tpu.memref_slice %arg14[%dma_start3A_50] : memref<1024xi32, #tpu.memory_space<vmem>> -> memref<128xi32, #tpu.memory_space<vmem>>
      %dma_start3A_52 = arith.constant 1999872 : i32
      %dma_start3A_53 = tpu.memref_slice %arg8[%dma_start3A_52] : memref<2000000xi32, #tpu.memory_space<hbm>> -> memref<128xi32, #tpu.memory_space<hbm>>
      tpu.enqueue_dma source(%dma_start3A_53 : memref<128xi32, #tpu.memory_space<hbm>>) target(%dma_start3A_51 : memref<128xi32, #tpu.memory_space<vmem>>) target_semaphore(%arg33 : memref<!tpu.dma_semaphore, #tpu.memory_space<semaphore_mem>>)
      %dma_wait3A = arith.constant 0 : i32
      %dma_wait3A_54 = tpu.memref_slice %arg11[%dma_wait3A] : memref<1024xi32, #tpu.memory_space<vmem>> -> memref<128xi32, #tpu.memory_space<vmem>>
      %dma_wait3A_55 = arith.constant 1999872 : i32
      %dma_wait3A_56 = tpu.memref_slice %arg5[%dma_wait3A_55] : memref<2000000xi32, #tpu.memory_space<hbm>> -> memref<128xi32, #tpu.memory_space<hbm>>
      %dma_wait3A_57 = arith.constant 0 : i32
      %dma_wait3A_58 = tpu.memref_slice %arg11[%dma_wait3A_57] : memref<1024xi32, #tpu.memory_space<vmem>> -> memref<128xi32, #tpu.memory_space<vmem>>
      %dma_wait3A_59 = arith.constant 1999872 : i32
      %dma_wait3A_60 = tpu.memref_slice %arg5[%dma_wait3A_59] : memref<2000000xi32, #tpu.memory_space<hbm>> -> memref<128xi32, #tpu.memory_space<hbm>>
      tpu.wait_dma2 semaphore(%arg33 : memref<!tpu.dma_semaphore, #tpu.memory_space<semaphore_mem>>) src(%dma_wait3A_60 : memref<128xi32, #tpu.memory_space<hbm>>) dst(%dma_wait3A_58 : memref<128xi32, #tpu.memory_space<vmem>>)
      %dma_wait3A_61 = arith.constant 0 : i32
      %dma_wait3A_62 = tpu.memref_slice %arg12[%dma_wait3A_61] : memref<1024xi32, #tpu.memory_space<vmem>> -> memref<128xi32, #tpu.memory_space<vmem>>
      %dma_wait3A_63 = arith.constant 1999872 : i32
      %dma_wait3A_64 = tpu.memref_slice %arg6[%dma_wait3A_63] : memref<2000000xi32, #tpu.memory_space<hbm>> -> memref<128xi32, #tpu.memory_space<hbm>>
      %dma_wait3A_65 = arith.constant 0 : i32
      %dma_wait3A_66 = tpu.memref_slice %arg12[%dma_wait3A_65] : memref<1024xi32, #tpu.memory_space<vmem>> -> memref<128xi32, #tpu.memory_space<vmem>>
      %dma_wait3A_67 = arith.constant 1999872 : i32
      %dma_wait3A_68 = tpu.memref_slice %arg6[%dma_wait3A_67] : memref<2000000xi32, #tpu.memory_space<hbm>> -> memref<128xi32, #tpu.memory_space<hbm>>
      tpu.wait_dma2 semaphore(%arg33 : memref<!tpu.dma_semaphore, #tpu.memory_space<semaphore_mem>>) src(%dma_wait3A_68 : memref<128xi32, #tpu.memory_space<hbm>>) dst(%dma_wait3A_66 : memref<128xi32, #tpu.memory_space<vmem>>)
      %dma_wait3A_69 = arith.constant 0 : i32
      %dma_wait3A_70 = tpu.memref_slice %arg13[%dma_wait3A_69] : memref<1024xi32, #tpu.memory_space<vmem>> -> memref<128xi32, #tpu.memory_space<vmem>>
      %dma_wait3A_71 = arith.constant 1999872 : i32
      %dma_wait3A_72 = tpu.memref_slice %arg7[%dma_wait3A_71] : memref<2000000xi32, #tpu.memory_space<hbm>> -> memref<128xi32, #tpu.memory_space<hbm>>
      %dma_wait3A_73 = arith.constant 0 : i32
      %dma_wait3A_74 = tpu.memref_slice %arg13[%dma_wait3A_73] : memref<1024xi32, #tpu.memory_space<vmem>> -> memref<128xi32, #tpu.memory_space<vmem>>
      %dma_wait3A_75 = arith.constant 1999872 : i32
      %dma_wait3A_76 = tpu.memref_slice %arg7[%dma_wait3A_75] : memref<2000000xi32, #tpu.memory_space<hbm>> -> memref<128xi32, #tpu.memory_space<hbm>>
      tpu.wait_dma2 semaphore(%arg33 : memref<!tpu.dma_semaphore, #tpu.memory_space<semaphore_mem>>) src(%dma_wait3A_76 : memref<128xi32, #tpu.memory_space<hbm>>) dst(%dma_wait3A_74 : memref<128xi32, #tpu.memory_space<vmem>>)
      %dma_wait3A_77 = arith.constant 0 : i32
      %dma_wait3A_78 = tpu.memref_slice %arg14[%dma_wait3A_77] : memref<1024xi32, #tpu.memory_space<vmem>> -> memref<128xi32, #tpu.memory_space<vmem>>
      %dma_wait3A_79 = arith.constant 1999872 : i32
      %dma_wait3A_80 = tpu.memref_slice %arg8[%dma_wait3A_79] : memref<2000000xi32, #tpu.memory_space<hbm>> -> memref<128xi32, #tpu.memory_space<hbm>>
      %dma_wait3A_81 = arith.constant 0 : i32
      %dma_wait3A_82 = tpu.memref_slice %arg14[%dma_wait3A_81] : memref<1024xi32, #tpu.memory_space<vmem>> -> memref<128xi32, #tpu.memory_space<vmem>>
      %dma_wait3A_83 = arith.constant 1999872 : i32
      %dma_wait3A_84 = tpu.memref_slice %arg8[%dma_wait3A_83] : memref<2000000xi32, #tpu.memory_space<hbm>> -> memref<128xi32, #tpu.memory_space<hbm>>
      tpu.wait_dma2 semaphore(%arg33 : memref<!tpu.dma_semaphore, #tpu.memory_space<semaphore_mem>>) src(%dma_wait3A_84 : memref<128xi32, #tpu.memory_space<hbm>>) dst(%dma_wait3A_82 : memref<128xi32, #tpu.memory_space<vmem>>)
      %dma_start3A_85 = arith.constant 0 : i32
      %dma_start3A_86 = arith.constant 0 : i32
      %dma_start3A_87 = tpu.memref_slice %arg19[%dma_start3A_85, %dma_start3A_86] : memref<1024x8xf32, #tpu.memory_space<vmem>> -> memref<128x8xf32, #tpu.memory_space<vmem>>
      %dma_start3A_88 = arith.constant 0 : i32
      %dma_start3A_89 = tpu.memref_slice %arg11[%dma_start3A_88] : memref<1024xi32, #tpu.memory_space<vmem>> -> memref<128xi32, #tpu.memory_space<vmem>>
      %dma_start3A_90 = arith.constant 0 : i32
      %dma_start3A_91 = arith.constant 0 : i32
      %dma_start3A_92 = tpu.memref_slice %arg10[%dma_start3A_90, %dma_start3A_91] : memref<500000x8xf32, #tpu.memory_space<hbm>> -> memref<500000x8xf32, #tpu.memory_space<hbm>>
      tpu.enqueue_indirect_dma source(%dma_start3A_92 : memref<500000x8xf32, #tpu.memory_space<hbm>>) target(%dma_start3A_87 : memref<128x8xf32, #tpu.memory_space<vmem>>) offsets(%dma_start3A_89 : memref<128xi32, #tpu.memory_space<vmem>>) semaphore(%arg35 : memref<!tpu.dma_semaphore, #tpu.memory_space<semaphore_mem>>)
      %dma_start3A_93 = arith.constant 0 : i32
      %dma_start3A_94 = arith.constant 0 : i32
      %dma_start3A_95 = tpu.memref_slice %arg20[%dma_start3A_93, %dma_start3A_94] : memref<1024x8xf32, #tpu.memory_space<vmem>> -> memref<128x8xf32, #tpu.memory_space<vmem>>
      %dma_start3A_96 = arith.constant 0 : i32
      %dma_start3A_97 = tpu.memref_slice %arg12[%dma_start3A_96] : memref<1024xi32, #tpu.memory_space<vmem>> -> memref<128xi32, #tpu.memory_space<vmem>>
      %dma_start3A_98 = arith.constant 0 : i32
      %dma_start3A_99 = arith.constant 0 : i32
      %dma_start3A_100 = tpu.memref_slice %arg10[%dma_start3A_98, %dma_start3A_99] : memref<500000x8xf32, #tpu.memory_space<hbm>> -> memref<500000x8xf32, #tpu.memory_space<hbm>>
      tpu.enqueue_indirect_dma source(%dma_start3A_100 : memref<500000x8xf32, #tpu.memory_space<hbm>>) target(%dma_start3A_95 : memref<128x8xf32, #tpu.memory_space<vmem>>) offsets(%dma_start3A_97 : memref<128xi32, #tpu.memory_space<vmem>>) semaphore(%arg35 : memref<!tpu.dma_semaphore, #tpu.memory_space<semaphore_mem>>)
      %dma_start3A_101 = arith.constant 0 : i32
      %dma_start3A_102 = arith.constant 0 : i32
      %dma_start3A_103 = tpu.memref_slice %arg21[%dma_start3A_101, %dma_start3A_102] : memref<1024x8xf32, #tpu.memory_space<vmem>> -> memref<128x8xf32, #tpu.memory_space<vmem>>
      %dma_start3A_104 = arith.constant 0 : i32
      %dma_start3A_105 = tpu.memref_slice %arg13[%dma_start3A_104] : memref<1024xi32, #tpu.memory_space<vmem>> -> memref<128xi32, #tpu.memory_space<vmem>>
      %dma_start3A_106 = arith.constant 0 : i32
      %dma_start3A_107 = arith.constant 0 : i32
      %dma_start3A_108 = tpu.memref_slice %arg10[%dma_start3A_106, %dma_start3A_107] : memref<500000x8xf32, #tpu.memory_space<hbm>> -> memref<500000x8xf32, #tpu.memory_space<hbm>>
      tpu.enqueue_indirect_dma source(%dma_start3A_108 : memref<500000x8xf32, #tpu.memory_space<hbm>>) target(%dma_start3A_103 : memref<128x8xf32, #tpu.memory_space<vmem>>) offsets(%dma_start3A_105 : memref<128xi32, #tpu.memory_space<vmem>>) semaphore(%arg35 : memref<!tpu.dma_semaphore, #tpu.memory_space<semaphore_mem>>)
      %dma_start3A_109 = arith.constant 0 : i32
      %dma_start3A_110 = arith.constant 0 : i32
      %dma_start3A_111 = tpu.memref_slice %arg22[%dma_start3A_109, %dma_start3A_110] : memref<1024x8xf32, #tpu.memory_space<vmem>> -> memref<128x8xf32, #tpu.memory_space<vmem>>
      %dma_start3A_112 = arith.constant 0 : i32
      %dma_start3A_113 = tpu.memref_slice %arg14[%dma_start3A_112] : memref<1024xi32, #tpu.memory_space<vmem>> -> memref<128xi32, #tpu.memory_space<vmem>>
      %dma_start3A_114 = arith.constant 0 : i32
      %dma_start3A_115 = arith.constant 0 : i32
      %dma_start3A_116 = tpu.memref_slice %arg10[%dma_start3A_114, %dma_start3A_115] : memref<500000x8xf32, #tpu.memory_space<hbm>> -> memref<500000x8xf32, #tpu.memory_space<hbm>>
      tpu.enqueue_indirect_dma source(%dma_start3A_116 : memref<500000x8xf32, #tpu.memory_space<hbm>>) target(%dma_start3A_111 : memref<128x8xf32, #tpu.memory_space<vmem>>) offsets(%dma_start3A_113 : memref<128xi32, #tpu.memory_space<vmem>>) semaphore(%arg35 : memref<!tpu.dma_semaphore, #tpu.memory_space<semaphore_mem>>)
      %dma_wait3A_117 = arith.constant 0 : i32
      %dma_wait3A_118 = arith.constant 0 : i32
      %dma_wait3A_119 = tpu.memref_slice %arg19[%dma_wait3A_117, %dma_wait3A_118] : memref<1024x8xf32, #tpu.memory_space<vmem>> -> memref<128x8xf32, #tpu.memory_space<vmem>>
      %dma_wait3A_120 = arith.constant 0 : i32
      %dma_wait3A_121 = tpu.memref_slice %arg11[%dma_wait3A_120] : memref<1024xi32, #tpu.memory_space<vmem>> -> memref<128xi32, #tpu.memory_space<vmem>>
      %dma_wait3A_122 = arith.constant 0 : i32
      %dma_wait3A_123 = arith.constant 0 : i32
      %dma_wait3A_124 = tpu.memref_slice %arg10[%dma_wait3A_122, %dma_wait3A_123] : memref<500000x8xf32, #tpu.memory_space<hbm>> -> memref<500000x8xf32, #tpu.memory_space<hbm>>
      tpu.wait_indirect_dma semaphore(%arg35 : memref<!tpu.dma_semaphore, #tpu.memory_space<semaphore_mem>>) src(%dma_wait3A_124 : memref<500000x8xf32, #tpu.memory_space<hbm>>) dst(%dma_wait3A_119 : memref<128x8xf32, #tpu.memory_space<vmem>>)
      %dma_wait3A_125 = arith.constant 0 : i32
      %dma_wait3A_126 = arith.constant 0 : i32
      %dma_wait3A_127 = tpu.memref_slice %arg20[%dma_wait3A_125, %dma_wait3A_126] : memref<1024x8xf32, #tpu.memory_space<vmem>> -> memref<128x8xf32, #tpu.memory_space<vmem>>
      %dma_wait3A_128 = arith.constant 0 : i32
      %dma_wait3A_129 = tpu.memref_slice %arg12[%dma_wait3A_128] : memref<1024xi32, #tpu.memory_space<vmem>> -> memref<128xi32, #tpu.memory_space<vmem>>
      %dma_wait3A_130 = arith.constant 0 : i32
      %dma_wait3A_131 = arith.constant 0 : i32
      %dma_wait3A_132 = tpu.memref_slice %arg10[%dma_wait3A_130, %dma_wait3A_131] : memref<500000x8xf32, #tpu.memory_space<hbm>> -> memref<500000x8xf32, #tpu.memory_space<hbm>>
      tpu.wait_indirect_dma semaphore(%arg35 : memref<!tpu.dma_semaphore, #tpu.memory_space<semaphore_mem>>) src(%dma_wait3A_132 : memref<500000x8xf32, #tpu.memory_space<hbm>>) dst(%dma_wait3A_127 : memref<128x8xf32, #tpu.memory_space<vmem>>)
      %dma_wait3A_133 = arith.constant 0 : i32
      %dma_wait3A_134 = arith.constant 0 : i32
      %dma_wait3A_135 = tpu.memref_slice %arg21[%dma_wait3A_133, %dma_wait3A_134] : memref<1024x8xf32, #tpu.memory_space<vmem>> -> memref<128x8xf32, #tpu.memory_space<vmem>>
      %dma_wait3A_136 = arith.constant 0 : i32
      %dma_wait3A_137 = tpu.memref_slice %arg13[%dma_wait3A_136] : memref<1024xi32, #tpu.memory_space<vmem>> -> memref<128xi32, #tpu.memory_space<vmem>>
      %dma_wait3A_138 = arith.constant 0 : i32
      %dma_wait3A_139 = arith.constant 0 : i32
      %dma_wait3A_140 = tpu.memref_slice %arg10[%dma_wait3A_138, %dma_wait3A_139] : memref<500000x8xf32, #tpu.memory_space<hbm>> -> memref<500000x8xf32, #tpu.memory_space<hbm>>
      tpu.wait_indirect_dma semaphore(%arg35 : memref<!tpu.dma_semaphore, #tpu.memory_space<semaphore_mem>>) src(%dma_wait3A_140 : memref<500000x8xf32, #tpu.memory_space<hbm>>) dst(%dma_wait3A_135 : memref<128x8xf32, #tpu.memory_space<vmem>>)
      %dma_wait3A_141 = arith.constant 0 : i32
      %dma_wait3A_142 = arith.constant 0 : i32
      %dma_wait3A_143 = tpu.memref_slice %arg22[%dma_wait3A_141, %dma_wait3A_142] : memref<1024x8xf32, #tpu.memory_space<vmem>> -> memref<128x8xf32, #tpu.memory_space<vmem>>
      %dma_wait3A_144 = arith.constant 0 : i32
      %dma_wait3A_145 = tpu.memref_slice %arg14[%dma_wait3A_144] : memref<1024xi32, #tpu.memory_space<vmem>> -> memref<128xi32, #tpu.memory_space<vmem>>
      %dma_wait3A_146 = arith.constant 0 : i32
      %dma_wait3A_147 = arith.constant 0 : i32
      %dma_wait3A_148 = tpu.memref_slice %arg10[%dma_wait3A_146, %dma_wait3A_147] : memref<500000x8xf32, #tpu.memory_space<hbm>> -> memref<500000x8xf32, #tpu.memory_space<hbm>>
      tpu.wait_indirect_dma semaphore(%arg35 : memref<!tpu.dma_semaphore, #tpu.memory_space<semaphore_mem>>) src(%dma_wait3A_148 : memref<500000x8xf32, #tpu.memory_space<hbm>>) dst(%dma_wait3A_143 : memref<128x8xf32, #tpu.memory_space<vmem>>)
      %scan3A_149 = arith.constant 0 : i32
      %scan3A_150 = arith.constant 0 : i32
      %scan3A_151 = arith.constant 8 : i32
      %scan3A_152 = arith.addi %scan3A_150, %scan3A_151 : i32
      %scan3A_153 = arith.constant 1 : i32
      scf.for %scan3A_155 = %scan3A_150 to %scan3A_152 step %scan3A_153  : i32 {
        %mul3A_156 = arith.constant 16 : i32
        %mul3A_157 = arith.muli %scan3A_155, %mul3A_156 : i32
        %add3A_158 = vector.broadcast %mul3A_157 : i32 to vector<16xi32>
        %add3A_159 = arith.addi %add3A_158, %iota3A : vector<16xi32>
        %gather3A = tpu.vector_load_idx %arg19[%add3A_159, %broadcast_in_dim3A_1] : memref<1024x8xf32, #tpu.memory_space<vmem>>[vector<16xi32>, vector<16xi32>], vector<16xf32>,
        %gather3A_160 = tpu.vector_load_idx %arg19[%add3A_159, %broadcast_in_dim3A_3] : memref<1024x8xf32, #tpu.memory_space<vmem>>[vector<16xi32>, vector<16xi32>], vector<16xf32>,
        %gather3A_161 = tpu.vector_load_idx %arg19[%add3A_159, %broadcast_in_dim3A_5] : memref<1024x8xf32, #tpu.memory_space<vmem>>[vector<16xi32>, vector<16xi32>], vector<16xf32>,
        %gather3A_162 = tpu.vector_load_idx %arg20[%add3A_159, %broadcast_in_dim3A_1] : memref<1024x8xf32, #tpu.memory_space<vmem>>[vector<16xi32>, vector<16xi32>], vector<16xf32>,
        %gather3A_163 = tpu.vector_load_idx %arg20[%add3A_159, %broadcast_in_dim3A_3] : memref<1024x8xf32, #tpu.memory_space<vmem>>[vector<16xi32>, vector<16xi32>], vector<16xf32>,
        %gather3A_164 = tpu.vector_load_idx %arg20[%add3A_159, %broadcast_in_dim3A_5] : memref<1024x8xf32, #tpu.memory_space<vmem>>[vector<16xi32>, vector<16xi32>], vector<16xf32>,
        %gather3A_165 = tpu.vector_load_idx %arg21[%add3A_159, %broadcast_in_dim3A_1] : memref<1024x8xf32, #tpu.memory_space<vmem>>[vector<16xi32>, vector<16xi32>], vector<16xf32>,
        %gather3A_166 = tpu.vector_load_idx %arg21[%add3A_159, %broadcast_in_dim3A_3] : memref<1024x8xf32, #tpu.memory_space<vmem>>[vector<16xi32>, vector<16xi32>], vector<16xf32>,
        %gather3A_167 = tpu.vector_load_idx %arg21[%add3A_159, %broadcast_in_dim3A_5] : memref<1024x8xf32, #tpu.memory_space<vmem>>[vector<16xi32>, vector<16xi32>], vector<16xf32>,
        %gather3A_168 = tpu.vector_load_idx %arg22[%add3A_159, %broadcast_in_dim3A_1] : memref<1024x8xf32, #tpu.memory_space<vmem>>[vector<16xi32>, vector<16xi32>], vector<16xf32>,
        %gather3A_169 = tpu.vector_load_idx %arg22[%add3A_159, %broadcast_in_dim3A_3] : memref<1024x8xf32, #tpu.memory_space<vmem>>[vector<16xi32>, vector<16xi32>], vector<16xf32>,
        %gather3A_170 = tpu.vector_load_idx %arg22[%add3A_159, %broadcast_in_dim3A_5] : memref<1024x8xf32, #tpu.memory_space<vmem>>[vector<16xi32>, vector<16xi32>], vector<16xf32>,
        %sub3A = arith.subf %gather3A_162, %gather3A : vector<16xf32>
        %sub3A_171 = arith.subf %gather3A_163, %gather3A_160 : vector<16xf32>
        %sub3A_172 = arith.subf %gather3A_164, %gather3A_161 : vector<16xf32>
        %sub3A_173 = arith.subf %gather3A_165, %gather3A_162 : vector<16xf32>
        %sub3A_174 = arith.subf %gather3A_166, %gather3A_163 : vector<16xf32>
        %sub3A_175 = arith.subf %gather3A_167, %gather3A_164 : vector<16xf32>
        %sub3A_176 = arith.subf %gather3A_168, %gather3A_165 : vector<16xf32>
        %sub3A_177 = arith.subf %gather3A_169, %gather3A_166 : vector<16xf32>
        %sub3A_178 = arith.subf %gather3A_170, %gather3A_167 : vector<16xf32>
        %mul3A_179 = arith.mulf %sub3A_171, %sub3A_175 : vector<16xf32>
        %mul3A_180 = arith.mulf %sub3A_172, %sub3A_174 : vector<16xf32>
        %sub3A_181 = arith.subf %mul3A_179, %mul3A_180 : vector<16xf32>
        %mul3A_182 = arith.mulf %sub3A_172, %sub3A_173 : vector<16xf32>
        %mul3A_183 = arith.mulf %sub3A, %sub3A_175 : vector<16xf32>
        %sub3A_184 = arith.subf %mul3A_182, %mul3A_183 : vector<16xf32>
        %mul3A_185 = arith.mulf %sub3A, %sub3A_174 : vector<16xf32>
        %mul3A_186 = arith.mulf %sub3A_171, %sub3A_173 : vector<16xf32>
        %sub3A_187 = arith.subf %mul3A_185, %mul3A_186 : vector<16xf32>
        %mul3A_188 = arith.mulf %sub3A_174, %sub3A_178 : vector<16xf32>
        %mul3A_189 = arith.mulf %sub3A_175, %sub3A_177 : vector<16xf32>
        %sub3A_190 = arith.subf %mul3A_188, %mul3A_189 : vector<16xf32>
        %mul3A_191 = arith.mulf %sub3A_175, %sub3A_176 : vector<16xf32>
        %mul3A_192 = arith.mulf %sub3A_173, %sub3A_178 : vector<16xf32>
        %sub3A_193 = arith.subf %mul3A_191, %mul3A_192 : vector<16xf32>
        %mul3A_194 = arith.mulf %sub3A_173, %sub3A_177 : vector<16xf32>
        %mul3A_195 = arith.mulf %sub3A_174, %sub3A_176 : vector<16xf32>
        %sub3A_196 = arith.subf %mul3A_194, %mul3A_195 : vector<16xf32>
        %mul3A_197 = arith.mulf %sub3A_181, %sub3A_190 : vector<16xf32>
        %mul3A_198 = arith.mulf %sub3A_184, %sub3A_193 : vector<16xf32>
        %add3A_199 = arith.addf %mul3A_197, %mul3A_198 : vector<16xf32>
        %mul3A_200 = arith.mulf %sub3A_187, %sub3A_196 : vector<16xf32>
        %add3A_201 = arith.addf %add3A_199, %mul3A_200 : vector<16xf32>
        %mul3A_202 = arith.mulf %sub3A_181, %sub3A_181 : vector<16xf32>
        %mul3A_203 = arith.mulf %sub3A_184, %sub3A_184 : vector<16xf32>
        %add3A_204 = arith.addf %mul3A_202, %mul3A_203 : vector<16xf32>
        %mul3A_205 = arith.mulf %sub3A_187, %sub3A_187 : vector<16xf32>
        %add3A_206 = arith.addf %add3A_204, %mul3A_205 : vector<16xf32>
        %mul3A_207 = arith.mulf %sub3A_190, %sub3A_190 : vector<16xf32>
        %mul3A_208 = arith.mulf %sub3A_193, %sub3A_193 : vector<16xf32>
        %add3A_209 = arith.addf %mul3A_207, %mul3A_208 : vector<16xf32>
        %mul3A_210 = arith.mulf %sub3A_196, %sub3A_196 : vector<16xf32>
        %add3A_211 = arith.addf %add3A_209, %mul3A_210 : vector<16xf32>
        %mul3A_212 = arith.mulf %sub3A_181, %sub3A_176 : vector<16xf32>
        %mul3A_213 = arith.mulf %sub3A_184, %sub3A_177 : vector<16xf32>
        %add3A_214 = arith.addf %mul3A_212, %mul3A_213 : vector<16xf32>
        %mul3A_215 = arith.mulf %sub3A_187, %sub3A_178 : vector<16xf32>
        %add3A_216 = arith.addf %add3A_214, %mul3A_215 : vector<16xf32>
        %mul3A_217 = arith.mulf %add3A_206, %add3A_211 : vector<16xf32>
        %bitcast_convert_type3A = tpu.bitcast %mul3A_217 : vector<16xf32> -> vector<16xi32>
        %shift_right_logical3A = arith.constant 1 : i32
        %shift_right_logical3A_218 = vector.broadcast %shift_right_logical3A : i32 to vector<16xi32>
        %shift_right_logical3A_219 = arith.shrui %bitcast_convert_type3A, %shift_right_logical3A_218 : vector<16xi32>
        %sub3A_220 = arith.constant 1597463007 : i32
        %sub3A_221 = vector.broadcast %sub3A_220 : i32 to vector<16xi32>
        %sub3A_222 = arith.subi %sub3A_221, %shift_right_logical3A_219 : vector<16xi32>
        %bitcast_convert_type3A_223 = tpu.bitcast %sub3A_222 : vector<16xi32> -> vector<16xf32>
        %mul3A_224 = arith.mulf %mul3A_217, %bitcast_convert_type3A_223 : vector<16xf32>
        %mul3A_225 = arith.constant 5.000000e-01 : f32
        %mul3A_226 = vector.broadcast %mul3A_225 : f32 to vector<16xf32>
        %mul3A_227 = arith.mulf %mul3A_226, %mul3A_224 : vector<16xf32>
        %mul3A_228 = arith.mulf %mul3A_227, %bitcast_convert_type3A_223 : vector<16xf32>
        %sub3A_229 = arith.constant 1.500000e+00 : f32
        %sub3A_230 = vector.broadcast %sub3A_229 : f32 to vector<16xf32>
        %sub3A_231 = arith.subf %sub3A_230, %mul3A_228 : vector<16xf32>
        %mul3A_232 = arith.mulf %bitcast_convert_type3A_223, %sub3A_231 : vector<16xf32>
        %mul3A_233 = arith.mulf %mul3A_217, %mul3A_232 : vector<16xf32>
        %mul3A_234 = arith.constant 5.000000e-01 : f32
        %mul3A_235 = vector.broadcast %mul3A_234 : f32 to vector<16xf32>
        %mul3A_236 = arith.mulf %mul3A_235, %mul3A_233 : vector<16xf32>
        %mul3A_237 = arith.mulf %mul3A_236, %mul3A_232 : vector<16xf32>
        %sub3A_238 = arith.constant 1.500000e+00 : f32
        %sub3A_239 = vector.broadcast %sub3A_238 : f32 to vector<16xf32>
        %sub3A_240 = arith.subf %sub3A_239, %mul3A_237 : vector<16xf32>
        %mul3A_241 = arith.mulf %mul3A_232, %sub3A_240 : vector<16xf32>
        %mul3A_242 = arith.mulf %mul3A_217, %mul3A_241 : vector<16xf32>
        %mul3A_243 = arith.constant 5.000000e-01 : f32
        %mul3A_244 = vector.broadcast %mul3A_243 : f32 to vector<16xf32>
        %mul3A_245 = arith.mulf %mul3A_244, %mul3A_242 : vector<16xf32>
        %mul3A_246 = arith.mulf %mul3A_245, %mul3A_241 : vector<16xf32>
        %sub3A_247 = arith.constant 1.500000e+00 : f32
        %sub3A_248 = vector.broadcast %sub3A_247 : f32 to vector<16xf32>
        %sub3A_249 = arith.subf %sub3A_248, %mul3A_246 : vector<16xf32>
        %mul3A_250 = arith.mulf %mul3A_241, %sub3A_249 : vector<16xf32>
        %mul3A_251 = arith.mulf %add3A_201, %mul3A_250 : vector<16xf32>
        %jit3A = arith.constant -1.000000e+00 : f32
        %jit3A_252 = arith.constant 1.000000e+00 : f32
        %max3A = vector.broadcast %jit3A : f32 to vector<16xf32>
        %max3A_253 = arith.maximumf %max3A, %mul3A_251 : vector<16xf32>
        %min3A = vector.broadcast %jit3A_252 : f32 to vector<16xf32>
        %min3A_254 = arith.minimumf %min3A, %max3A_253 : vector<16xf32>
        %abs3A = math.absf %min3A_254 : vector<16xf32>
        %sub3A_255 = arith.constant 1.000000e+00 : f32
        %sub3A_256 = vector.broadcast %sub3A_255 : f32 to vector<16xf32>
        %sub3A_257 = arith.subf %sub3A_256, %abs3A : vector<16xf32>
        %bitcast_convert_type3A_258 = tpu.bitcast %sub3A_257 : vector<16xf32> -> vector<16xi32>
        %shift_right_logical3A_259 = arith.constant 1 : i32
        %shift_right_logical3A_260 = vector.broadcast %shift_right_logical3A_259 : i32 to vector<16xi32>
        %shift_right_logical3A_261 = arith.shrui %bitcast_convert_type3A_258, %shift_right_logical3A_260 : vector<16xi32>
        %sub3A_262 = arith.constant 1597463007 : i32
        %sub3A_263 = vector.broadcast %sub3A_262 : i32 to vector<16xi32>
        %sub3A_264 = arith.subi %sub3A_263, %shift_right_logical3A_261 : vector<16xi32>
        %bitcast_convert_type3A_265 = tpu.bitcast %sub3A_264 : vector<16xi32> -> vector<16xf32>
        %mul3A_266 = arith.mulf %sub3A_257, %bitcast_convert_type3A_265 : vector<16xf32>
        %mul3A_267 = arith.constant 5.000000e-01 : f32
        %mul3A_268 = vector.broadcast %mul3A_267 : f32 to vector<16xf32>
        %mul3A_269 = arith.mulf %mul3A_268, %mul3A_266 : vector<16xf32>
        %mul3A_270 = arith.mulf %mul3A_269, %bitcast_convert_type3A_265 : vector<16xf32>
        %sub3A_271 = arith.constant 1.500000e+00 : f32
        %sub3A_272 = vector.broadcast %sub3A_271 : f32 to vector<16xf32>
        %sub3A_273 = arith.subf %sub3A_272, %mul3A_270 : vector<16xf32>
        %mul3A_274 = arith.mulf %bitcast_convert_type3A_265, %sub3A_273 : vector<16xf32>
        %mul3A_275 = arith.mulf %sub3A_257, %mul3A_274 : vector<16xf32>
        %mul3A_276 = arith.constant 5.000000e-01 : f32
        %mul3A_277 = vector.broadcast %mul3A_276 : f32 to vector<16xf32>
        %mul3A_278 = arith.mulf %mul3A_277, %mul3A_275 : vector<16xf32>
        %mul3A_279 = arith.mulf %mul3A_278, %mul3A_274 : vector<16xf32>
        %sub3A_280 = arith.constant 1.500000e+00 : f32
        %sub3A_281 = vector.broadcast %sub3A_280 : f32 to vector<16xf32>
        %sub3A_282 = arith.subf %sub3A_281, %mul3A_279 : vector<16xf32>
        %mul3A_283 = arith.mulf %mul3A_274, %sub3A_282 : vector<16xf32>
        %mul3A_284 = arith.mulf %sub3A_257, %mul3A_283 : vector<16xf32>
        %mul3A_285 = arith.constant 5.000000e-01 : f32
        %mul3A_286 = vector.broadcast %mul3A_285 : f32 to vector<16xf32>
        %mul3A_287 = arith.mulf %mul3A_286, %mul3A_284 : vector<16xf32>
        %mul3A_288 = arith.mulf %mul3A_287, %mul3A_283 : vector<16xf32>
        %sub3A_289 = arith.constant 1.500000e+00 : f32
        %sub3A_290 = vector.broadcast %sub3A_289 : f32 to vector<16xf32>
        %sub3A_291 = arith.subf %sub3A_290, %mul3A_288 : vector<16xf32>
        %mul3A_292 = arith.mulf %mul3A_283, %sub3A_291 : vector<16xf32>
        %mul3A_293 = arith.mulf %sub3A_257, %mul3A_292 : vector<16xf32>
        %mul3A_294 = arith.constant -1.872930e-02 : f32
        %mul3A_295 = vector.broadcast %mul3A_294 : f32 to vector<16xf32>
        %mul3A_296 = arith.mulf %mul3A_295, %abs3A : vector<16xf32>
        %add3A_297 = arith.constant 7.426100e-02 : f32
        %add3A_298 = vector.broadcast %add3A_297 : f32 to vector<16xf32>
        %add3A_299 = arith.addf %mul3A_296, %add3A_298 : vector<16xf32>
        %mul3A_300 = arith.mulf %add3A_299, %abs3A : vector<16xf32>
        %sub3A_301 = arith.constant 0.212114394 : f32
        %sub3A_302 = vector.broadcast %sub3A_301 : f32 to vector<16xf32>
        %sub3A_303 = arith.subf %mul3A_300, %sub3A_302 : vector<16xf32>
        %mul3A_304 = arith.mulf %sub3A_303, %abs3A : vector<16xf32>
        %add3A_305 = arith.constant 1.57072878 : f32
        %add3A_306 = vector.broadcast %add3A_305 : f32 to vector<16xf32>
        %add3A_307 = arith.addf %mul3A_304, %add3A_306 : vector<16xf32>
        %mul3A_308 = arith.mulf %mul3A_293, %add3A_307 : vector<16xf32>
        %ge3A = arith.constant 0.000000e+00 : f32
        %ge3A_309 = vector.broadcast %ge3A : f32 to vector<16xf32>
        %ge3A_310 = arith.cmpf oge, %min3A_254, %ge3A_309 : vector<16xf32>
        %sub3A_311 = arith.constant 3.14159274 : f32
        %sub3A_312 = vector.broadcast %sub3A_311 : f32 to vector<16xf32>
        %sub3A_313 = arith.subf %sub3A_312, %mul3A_308 : vector<16xf32>
        %select_n3A = arith.select %ge3A_310, %mul3A_308, %sub3A_313 : vector<16xi1>, vector<16xf32>
        %gt3A = arith.constant 0.000000e+00 : f32
        %gt3A_314 = vector.broadcast %gt3A : f32 to vector<16xf32>
        %gt3A_315 = arith.cmpf ogt, %add3A_216, %gt3A_314 : vector<16xf32>
        %neg3A = arith.constant 0.000000e+00 : f32
        %neg3A_316 = vector.broadcast %neg3A : f32 to vector<16xf32>
        %neg3A_317 = arith.subf %neg3A_316, %select_n3A : vector<16xf32>
        %select_n3A_318 = arith.select %gt3A_315, %select_n3A, %neg3A_317 : vector<16xi1>, vector<16xf32>
        %swap3A = arith.index_cast %mul3A_157 : i32 to index
        %swap3A_319 = tpu.vector_load %arg31[%swap3A] {strides = array<i32>} : memref<1024xf32, #tpu.memory_space<vmem>>, vector<16xf32>,
        tpu.vector_store %arg31[%swap3A], %select_n3A_318 {strides = array<i32>} : memref<1024xf32, #tpu.memory_space<vmem>>, vector<16xf32>,
      }
      %scan3A_154 = arith.constant 8 : i32
      "tpu.region"() ({
        %run_scoped3A = tpu.sem_alloc : memref<!tpu.dma_semaphore, #tpu.memory_space<semaphore_mem>>
        %dma_start3A_155 = arith.constant 0 : i32
        %dma_start3A_156 = tpu.memref_slice %arg31[%dma_start3A_155] : memref<1024xf32, #tpu.memory_space<vmem>> -> memref<128xf32, #tpu.memory_space<vmem>>
        %dma_start3A_157 = arith.constant 1999872 : i32
        %dma_start3A_158 = tpu.memref_slice %arg9[%dma_start3A_157] : memref<2000000xf32, #tpu.memory_space<hbm>> -> memref<128xf32, #tpu.memory_space<hbm>>
        %dma_start3A_159 = arith.constant 1999872 : i32
        %dma_start3A_160 = tpu.memref_slice %arg9[%dma_start3A_159] : memref<2000000xf32, #tpu.memory_space<hbm>> -> memref<128xf32, #tpu.memory_space<hbm>>
        %dma_start3A_161 = arith.constant 0 : i32
        %dma_start3A_162 = tpu.memref_slice %arg31[%dma_start3A_161] : memref<1024xf32, #tpu.memory_space<vmem>> -> memref<128xf32, #tpu.memory_space<vmem>>
        tpu.enqueue_dma source(%dma_start3A_162 : memref<128xf32, #tpu.memory_space<vmem>>) target(%dma_start3A_160 : memref<128xf32, #tpu.memory_space<hbm>>) target_semaphore(%run_scoped3A : memref<!tpu.dma_semaphore, #tpu.memory_space<semaphore_mem>>)
        %dma_wait3A_163 = arith.constant 0 : i32
        %dma_wait3A_164 = tpu.memref_slice %arg31[%dma_wait3A_163] : memref<1024xf32, #tpu.memory_space<vmem>> -> memref<128xf32, #tpu.memory_space<vmem>>
        %dma_wait3A_165 = arith.constant 1999872 : i32
        %dma_wait3A_166 = tpu.memref_slice %arg9[%dma_wait3A_165] : memref<2000000xf32, #tpu.memory_space<hbm>> -> memref<128xf32, #tpu.memory_space<hbm>>
        %dma_wait3A_167 = arith.constant 1999872 : i32
        %dma_wait3A_168 = tpu.memref_slice %arg9[%dma_wait3A_167] : memref<2000000xf32, #tpu.memory_space<hbm>> -> memref<128xf32, #tpu.memory_space<hbm>>
        %dma_wait3A_169 = arith.constant 0 : i32
        %dma_wait3A_170 = tpu.memref_slice %arg31[%dma_wait3A_169] : memref<1024xf32, #tpu.memory_space<vmem>> -> memref<128xf32, #tpu.memory_space<vmem>>
        tpu.wait_dma2 semaphore(%run_scoped3A : memref<!tpu.dma_semaphore, #tpu.memory_space<semaphore_mem>>) src(%dma_wait3A_170 : memref<128xf32, #tpu.memory_space<vmem>>) dst(%dma_wait3A_168 : memref<128xf32, #tpu.memory_space<hbm>>)
        tpu.yield
      }) : () -> ()
    } else {
    }
    return
  }
}

</mosaic_0001>

<sc_bundles>
// kernel: _torsion_sc.3.cloned.1.call-start
scs
__scs_entry_jumppad:
0x0: {  	(pc) =	sbr.rel $0x88, $3  }
0x1: {  	(tag) =	ssettag $0x0;
	lr =	simm.s32 $0x1  }
0x2: {  	[smem:$0x3F9F] =	sst lr;
	_ =	strace $0xD0000000  }
0x3: {  	_ = 	snop  }
0x4: {  	_ = 	snop  }
0x5: {  	_ = 	snop  }
0x6: {  	_ = 	snop  }
0x7: {  	_ = 	snop  }
__scs_overlays_trampoline_lowered:
0x8: {  	[smem:$0x3FAE] =	sst s0  }
0x9: {  	[smem:$0x3FAF] =	sst s1  }
0xa: {  	[smem:$0x3FB0] =	sst s2  }
0xb: {  	[smem:$0x3FB1] =	sst s3  }
0xc: {  	[smem:$0x3FB2] =	sst s4  }
0xd: {  	[smem:$0x3FB3] =	sst s5  }
0xe: {  	[smem:$0x3FB4] =	sst s6  }
0xf: {  	[smem:$0x3FB5] =	sst s7  }
0x10: {  	[smem:$0x3FB6] =	sst s8  }
0x11: {  	[smem:$0x3FB7] =	sst s9;
	s0 =	simm.s32 @!p0 $0x0  }
0x12: {  	s1 =	sld [smem:$0x3F9D];
	s0 =	simm.s32 @p0 $0x1  }
0x13: {  	[smem:$0x3FB8] =	sst s0;
	s0 =	simm.s32 @!p1 $0x0  }
0x14: {  	s2 =	sld [smem:$0x3F9C];
	s0 =	simm.s32 @p1 $0x1  }
0x15: {  	[smem:$0x3FB9] =	sst s0;
	s0 =	simm.s32 @!p2 $0x0  }
0x16: {  	s3 =	sld [smem:$0x3FDB];
	s0 =	simm.s32 @p2 $0x1  }
0x17: {  	s4 =	simm.s32 $0x1BF5;
	[smem:$0x3FBB] =	sst s0  }
0x18: {  	s0 =	sld [smem:$0x3F9E];
	_ =	swait.ge [sflag:s4], $0x0  }
0x19: {  	s7 =	sld [smem:$0x3F9F]  }
0x1a: {  	s8 =	sadd.s32 $0xFFFFE003, lr  }
0x1b: {  	s9 =	sadd.s32 $0xFFFFFEF7, lr;
	s5 =	simm.s32 $0xFFFFFFFF;
	p2 =	slt.u32 s8, $0xFFFFF086  }
0x1c: {  	p1 =	slt.u32 s9, $0xF7A;
	s5 =	simm.s32 @!p2 $0x0  }
0x1d: {  	s5 =	simm.s32 @p1 $0x1;
	p0 =	seq.s32 s7, s2  }
0x1e: {  	s7 =	smul.u32 @!p0 $0xF7A, s2;
	p2 =	seq.s32 @!p0 s5, $0x0  }
0x1f: {  	s9 =	smul.u32 $0xF7A, s1;
	s8 =	simm.s32 @!p0 $0x1BF5;
	p2 =	por !p2, p0  }
0x20: {  	[sflag:s8] =	ssyncset.s32 @!p0 $0xFFFFF086;
	s6 =	sadd.s32 @!p0 s3, s7;
	s7 =	simm.s32 @!p0 $0x108  }
0x21: {  	s3 =	sadd.s32 s3, s9;
	s6 =	sadd.s32 @!p0 $0x88, s6;
	s7 =	simm.s32 @p2 $0x1082  }
0x22: {  	[simem:s7], [sflag:s8] =	dma.local @!p0 [hbm:s6], $0xF7A  }
0x23: {  	s9 =	sor.u32 $0xD0000000, s2;
	s6 =	simm.s32 $0x108;
	_ =	swait.ge @!p0 [sflag:s8], $0x0  }
0x24: {  	s3 =	sadd.s32 $0x88, s3;
	s6 =	simm.s32 @!p1 $0x1082;
	[sflag:s4] =	ssyncset.s32 $0xFFFFF086  }
0x25: {  	[simem:s6], [sflag:s4] =	dma.local [hbm:s3], $0xF7A  }
0x26: {  	[smem:$0x3F9F] =	sst s1;
	(tag) =	ssettag s2;
	_ =	strace s9  }
0x27: {  	s1 =	sld [smem:$0x3FAF]  }
0x28: {  	s2 =	sld [smem:$0x3FB0]  }
0x29: {  	s4 =	sld [smem:$0x3FB2]  }
0x2a: {  	p0 =	seq.s32 s5, $0x0;
	s5 =	sld [smem:$0x3FB3]  }
0x2b: {  	s6 =	sld [smem:$0x3FB4]  }
0x2c: {  	s7 =	sld [smem:$0x3FB5]  }
0x2d: {  	s3 =	simm.s32 $0x108;
	s8 =	sld [smem:$0x3FB6]  }
0x2e: {  	s3 =	simm.s32 @!p0 $0x1082;
	s9 =	sld [smem:$0x3FB7]  }
0x2f: {  	lr =	sadd.s32 s0, s3;
	s0 =	sld [smem:$0x3FAE]  }
0x30: {  	s3 =	sld [smem:$0x3FB1]  }
0x31: {  	[smem:$0x3FBA] =	sst s10  }
0x32: {  	s10 =	sld [smem:$0x3FB8];
	_ =	sdelay $0x3  }
0x33: {  	p0 =	seq.s32 s10, $0x1;
	s10 =	sld [smem:$0x3FBA];
	_ =	sdelay $0x3  }
0x34: {  	[smem:$0x3FBA] =	sst s10  }
0x35: {  	s10 =	sld [smem:$0x3FB9];
	_ =	sdelay $0x3  }
0x36: {  	p1 =	seq.s32 s10, $0x1;
	s10 =	sld [smem:$0x3FBA];
	_ =	sdelay $0x3  }
0x37: {  	[smem:$0x3FBA] =	sst s10  }
0x38: {  	s10 =	sld [smem:$0x3FBB]  }
0x39: {  	_ = 	snop;
	(pc) =	sbr.ind lr, $3  }
0x3a: {  	_ = 	snop  }
0x3b: {  	_ = 	snop  }
0x3c: {  	p2 =	seq.s32 s10, $0x1;
	s10 =	sld [smem:$0x3FBA]  }
0x3d: {  	_ =	shalt  }
0x3e: {  	_ =	shalt  }
0x3f: {  	_ =	shalt  }
0x40: {  	_ =	shalt  }
0x41: {  	_ =	shalt  }
0x42: {  	_ =	shalt  }
0x43: {  	_ =	shalt  }
0x44: {  	_ =	shalt  }
0x45: {  	_ =	shalt  }
0x46: {  	_ =	shalt  }
0x47: {  	_ =	shalt  }
0x48: {  	_ =	shalt  }
0x49: {  	_ =	shalt  }
0x4a: {  	_ =	shalt  }
0x4b: {  	_ =	shalt  }
0x4c: {  	_ =	shalt  }
0x4d: {  	_ =	shalt  }
0x4e: {  	_ =	shalt  }
0x4f: {  	_ =	shalt  }
0x50: {  	_ =	shalt  }
0x51: {  	_ =	shalt  }
0x52: {  	_ =	shalt  }
0x53: {  	_ =	shalt  }
0x54: {  	_ =	shalt  }
0x55: {  	_ =	shalt  }
0x56: {  	_ =	shalt  }
0x57: {  	_ =	shalt  }
0x58: {  	_ =	shalt  }
0x59: {  	_ =	shalt  }
0x5a: {  	_ =	shalt  }
0x5b: {  	_ =	shalt  }
0x5c: {  	_ =	shalt  }
0x5d: {  	_ =	shalt  }
0x5e: {  	_ =	shalt  }
0x5f: {  	_ =	shalt  }
0x60: {  	_ =	shalt  }
0x61: {  	_ =	shalt  }
0x62: {  	_ =	shalt  }
0x63: {  	_ =	shalt  }
0x64: {  	_ =	shalt  }
0x65: {  	_ =	shalt  }
0x66: {  	_ =	shalt  }
0x67: {  	_ =	shalt  }
0x68: {  	_ =	shalt  }
0x69: {  	_ =	shalt  }
0x6a: {  	_ =	shalt  }
0x6b: {  	_ =	shalt  }
0x6c: {  	_ =	shalt  }
0x6d: {  	_ =	shalt  }
0x6e: {  	_ =	shalt  }
0x6f: {  	_ =	shalt  }
0x70: {  	_ =	shalt  }
0x71: {  	_ =	shalt  }
0x72: {  	_ =	shalt  }
0x73: {  	_ =	shalt  }
0x74: {  	_ =	shalt  }
0x75: {  	_ =	shalt  }
0x76: {  	_ =	shalt  }
0x77: {  	_ =	shalt  }
0x78: {  	_ =	shalt  }
0x79: {  	_ =	shalt  }
0x7a: {  	_ =	shalt  }
0x7b: {  	_ =	shalt  }
0x7c: {  	_ =	shalt  }
0x7d: {  	_ =	shalt  }
0x7e: {  	_ =	shalt  }
0x7f: {  	_ =	shalt  }
0x80: {  	_ =	shalt  }
0x81: {  	_ =	shalt  }
0x82: {  	_ =	shalt  }
0x83: {  	_ =	shalt  }
0x84: {  	_ =	shalt  }
0x85: {  	_ =	shalt  }
0x86: {  	_ =	shalt  }
0x87: {  	_ =	shalt  }
.Lfunc_end0:
.L_simem_size_0:
called_computation_lowered:
.L_overlay_start_0:
0x88: {  	s2 =	sld [smem:$0x3FD9]  }
0x89: {  	s3 =	sld [smem:$0x3FFE];
	_ =	sdelay $0x1  }
0x8a: {  	s1 =	srdreg.scid  }
0x8b: {  	s0 =	sand.u32 $0x1, s1  }
0x8c: {  	s18 =	sshll.u32 s0, $0xA;
	s2 =	sadd.s32 s3, s2  }
0x8d: {  	s3 =	sadd.s32 s2, s18  }
0x8e: {  	[smem:$0x3FC6] =	sst s3  }
0x8f: {  	_ = 	snop  }
0x90: {  	s3 =	sld [smem:$0x3FD0];
	(tm) =	ssettm $0x1  }
0x91: {  	s4 =	sld [smem:$0x3FFB];
	_ =	sdelay $0x3  }
0x92: {  	_ =	strace s4  }
0x93: {  	s4 =	sld [smem:$0x3FFC];
	_ =	sdelay $0x3  }
0x94: {  	_ =	strace s4  }
0x95: {  	s4 =	sld [smem:$0x3FFD];
	_ =	sdelay $0x3  }
0x96: {  	_ =	strace s4  }
0x97: {  	_ =	strace $0x8FFFFFFF  }
0x98: {  	s19 =	sld [smem:$0x3FDB];
	_ =	sdelay $0x1  }
0x99: {  	s5 =	simm.s32 $_scs_section_size  }
0x9a: {  	s6 =	simm.s32 $_size__tile_overlayer_lowered;
	s7 =	simm.s32 $_tile_overlayer_lowered  }
0x9b: {  	s22 =	simm.s32 $0x1BFF;
	s21 =	sshll.u32 s7, $0x1;
	s4 =	sadd.s32 s5, s19  }
0x9c: {  	s8 =	simm.s32 $0x0;
	s20 =	sshll.u32 s6, $0x1;
	s6 =	sadd.s32 s21, s4  }
0x9d: {  	[timem:s8], [sflag:s22] =	dma.local [hbm:s6], s20  }
0x9e: {  	_ =	swait.ge [sflag:s22], s20  }
0x9f: {  	s5 =	ssub.s32 $0x0, s20;
	[sflag:s22] =	ssyncset.done $0x0  }
0xa0: {  	[sflag:s22] =	ssyncadd.s32 s5;
	_ =	sdelay $0x1  }
0xa1: {  	s23 =	simm.s32 $0x1B8B  }
0xa2: {  	_ =	swait.ge [sflag:s23], $0x1  }
0xa3: {  	[sflag:s23] =	ssyncset.done $0x0  }
0xa4: {  	s25 =	simm.s32 $0x1B8E;
	s24 =	sld [smem:$0x3FFE];
	[sflag:s23] =	ssyncadd.s32 $0xFFFFFFFF  }
0xa5: {  	s26 =	simm.s32 $execute0_lowered;
	[smem:$0x3FD2] =	sst s25  }
0xa6: {  	s6 =	sshll.u32 s26, $0x1;
	_ =	strace $0x80000046;
	[dreg:$0x1] =	wrdreg $0xFFFFFFFF  }
0xa7: {  	s28 =	simm.s32 $_size_execute0_lowered;
	s4 =	sadd.s32 s4, s6;
	[dreg:$0x0] =	wrdreg $0x0  }
0xa8: {  	s6 =	sshll.u32 s28, $0x1;
	[dreg:$0x2] =	wrdreg s4  }
0xa9: {  	[dreg:$0x3] =	wrdreg s6  }
0xaa: {  	[dreg:$0x4] =	wrdreg $0xC0  }
0xab: {  	_ =	task [dreg:s8], $0x5FFFF  }
0xac: {  	[dreg:$0x1] =	wrdreg $0xFFFFFFFF  }
0xad: {  	[dreg:$0x0] =	wrdreg $0x60  }
0xae: {  	[dreg:$0x2] =	wrdreg s24  }
0xaf: {  	s2 =	sadd.s32 $0x800, s2;
	[dreg:$0x3] =	wrdreg s3  }
0xb0: {  	[dreg:$0x4] =	wrdreg s2  }
0xb1: {  	[dreg:$0x5] =	wrdreg $0x9  }
0xb2: {  	_ =	task.clear_ibuf [dreg:s8], $0x6FFFF;
	_ =	strace $0x90000046  }
0xb3: {  	s29 =	simm.s32 $0x9;
	_ =	strace $0x80000048  }
0xb4: {  	_ =	swait.ge [sflag:s29], $0x1  }
0xb5: {  	[sflag:s29] =	ssyncadd.s32 $0xFFFFFFFF  }
0xb6: {  	_ =	strace $0x90000048  }
0xb7: {  	_ =	sfence  }
0xb8: {  	s30 =	sld [smem:$0x0];
	_ =	sdelay $0x2  }
0xb9: {  	s31 =	sshll.u32 s1, $0xD;
	s1 =	sshrl.u32 s1, $0x2  }
0xba: {  	s3 =	sand.u32 $0x4000, s31;
	s1 =	sadd.s32 s1, s30  }
0xbb: {  	s0 =	sor.u32 s3, s0;
	s1 =	sshll.u32 s1, $0x11  }
0xbc: {  	s0 =	sor.u32 s1, s0  }
0xbd: {  	s0 =	sadd.s32 $0x8F2B, s0  }
0xbe: {  	[sflag:s0] =	ssyncadd.remote.s32 $0x1  }
0xbf: {  	_ =	sfence.sel $0xFFFF  }
0xc0: {  	[dreg:$0x0] =	wrdreg $0xFFFFFFFF;
	(pc) =	sbr.abs _section_cstart, $3  }
0xc1: {  	[dreg:$0x1] =	wrdreg $0xFFFFFFFF  }
0xc2: {  	_ =	task.clear_ibuf [dreg:s8], $0x2FFFF;
	_ =	strace $0x9FFFFFFF  }
0xc3: {  	(tm) =	ssettm $0x7FFFFFFF  }
tec
execute0_lowered:
.L_overlay_start_1:
0x0: {  	(tag) =	ssettag $0x1  }
0x1: {  	s13 =	rddreg [dreg:$0x0]  }
0x2: {  	s14 =	rddreg [dreg:$0x1]  }
0x3: {  	s3 =	rddreg [dreg:$0x2];
	s4 =	simm.s32 $0x0  }
0x4: {  	s0 =	srdreg.scid;
	s5 =	stileid.u32;
	s28 =	simm.s32 $0x1  }
0x5: {  	s29 =	simm.s32 $0x13770;
	s30 =	simm.s32 $0x6;
	s6 =	sadd.s32 $0x113400, s13  }
0x6: {  	[smem:$0x7FF] =	sst s4;
	s7 =	sadd.s32 $0x103E00, s13;
	s8 =	sadd.s32 $0xF4800, s13  }
0x7: {  	s0 =	sand.u32 $0x1, s0;
	s1 =	sshll.u32 s5, $0x1;
	s9 =	sadd.s32 $0xB7600, s13  }
0x8: {  	s11 =	sadd.s32 $0x7A400, s13;
	s12 =	sadd.s32 $0x3D200, s13;
	s23 =	sadd.s32 $0x3D080, s13  }
0x9: {  	s24 =	sadd.s32 $0xF4680, s13;
	_ =	strace $0x80000047;
	[dreg:$0xc] =	wrdreg s23  }
0xa: {  	s25 =	sadd.s32 $0xB7480, s13;
	s26 =	sadd.s32 $0x7A280, s13;
	[dreg:$0xd] =	wrdreg s24  }
0xb: {  	s2 =	ssub.s32 $0x2, s0;
	s10 =	sor.u32 s0, s1;
	[dreg:$0xe] =	wrdreg s25  }
0xc: {  	[dreg:$0xf] =	wrdreg s26;
	s23 =	simm.s32 $0x2000;
	s1 =	sshll.u32 s10, $0x7  }
0xd: {  	s24 =	simm.s32 $0x4000;
	s26 =	simm.s32 $0x6000;
	s15 =	sadd.s32 s13, s1  }
0xe: {  	s31 =	sshrl.u32 s2, $0x1;
	s16 =	sadd.s32 s9, s1;
	[dreg:$0x4] =	wrdreg s15  }
0xf: {  	p0 =	sne.s32 s10, $0x1F;
	s17 =	sadd.s32 s11, s1;
	[dreg:$0x5] =	wrdreg s16  }
0x10: {  	s18 =	sor.u32 $0x1000, s1;
	s1 =	sadd.s32 s12, s1;
	[dreg:$0x6] =	wrdreg s17  }
0x11: {  	s0 =	ssub.s32 s2, s31;
	s31 =	sadd.s32 $0x3D080, s14;
	[dreg:$0x7] =	wrdreg s1  }
0x12: {  	s14 =	simm.s32 $0x4;
	s19 =	sadd.s32 s13, s18;
	[dreg:$0x11] =	wrdreg s31  }
0x13: {  	s20 =	sadd.s32 s9, s18;
	s21 =	sadd.s32 s11, s18;
	[dreg:$0x8] =	wrdreg s19  }
.Ltmp0:
0x14: {  	s22 =	sadd.s32 s12, s18;
	[dreg:$0x9] =	wrdreg s20;
	(pc) =	sbr.rel .LBB2_1-.Ltmp0, $4  }
0x15: {  	s0 =	smax.u32 s0, $0x1;
	s13 =	simm.s32 $0x8000;
	[dreg:$0xa] =	wrdreg s21  }
0x16: {  	s16 =	simm.s32 $0x5;
	s17 =	simm.s32 $0xA000;
	[dreg:$0xb] =	wrdreg s22  }
0x17: {  	v0 =	vlaneseq.u32;
	s18 =	simm.s32 $0xC000;
	s1 =	simm.s32 $0x0;
	[dreg:$0x10] =	wrdreg s0  }
0x18: {  	v0 =	vmul.u32 $0x8, v0;
	s22 =	simm.s32 $0x2;
	s19 =	simm.s32 $0xE000;
	s20 =	simm.s32 $0x10000  }
.LBB2_25:
0x19: {  	s1 =	sadd.s32 $0x1, s1;
	s0 =	rddreg [dreg:$0x10]  }
0x1a: {  	p1 =	sne.s32 s1, s0  }
.Ltmp1:
0x1b: {  	_ = 	snop;
	(pc) =	sbr.rel @!p1 .LBB2_26-.Ltmp1, $1  }
0x1c: {  	_ =	sdelay $0x3  }
.LBB2_1:
.Ltmp2:
0x1d: {  	(pc) =	sbr.rel .LBB2_2-.Ltmp2, $2  }
0x1e: {  	_ =	sdelay $0x2  }
0x1f: {  	[dreg:$0x12] =	wrdreg s1;
	s0 =	simm.s32 $0x0  }
.LBB2_6:
0x20: {  	s0 =	sadd.s32 $0x1, s0  }
0x21: {  	p1 =	sne.s32 s0, $0x10  }
.Ltmp3:
0x22: {  	_ = 	snop;
	(pc) =	sbr.rel @!p1 .LBB2_7-.Ltmp3, $1  }
0x23: {  	_ =	sdelay $0x3  }
.LBB2_2:
0x24: {  	s1 =	sshll.u32 s0, $0x4  }
0x25: {  	s2 =	sor.u32 s5, s1  }
0x26: {  	p1 =	sgt.u32 s2, $0xF9  }
.Ltmp4:
0x27: {  	_ = 	snop;
	(pc) =	sbr.rel @p1 .LBB2_6-.Ltmp4, $1  }
0x28: {  	_ =	sdelay $0x3  }
0x29: {  	s1 =	smul.u32 $0xFA, s2;
	_ =	sdelay $0x1  }
0x2a: {  	s15 =	simm.s32 $0x0;
	s31 =	simm.s32 $0x12000;
	s21 =	sadd.s32 s6, s1  }
0x2b: {  	[tilespmem:s31], [sflag:$0x1] =	stream.linear.gather [hbm4b:s21+s15], $0x7D0, $0x38;
	[tilespmem:$0x179F0] =	vst v63  }
0x2c: {  	s25 =	simm.s32 $0x127D0;
	s21 =	sadd.s32 s7, s1  }
0x2d: {  	[tilespmem:s25], [sflag:$0x1] =	stream.linear.gather [hbm4b:s21+s15], $0x7D0, $0x38;
	[tilespmem:$0x179F0] =	vst v63  }
0x2e: {  	s1 =	sadd.s32 s8, s1;
	s21 =	simm.s32 $0x12FA0  }
0x2f: {  	[tilespmem:s21], [sflag:$0x1] =	stream.linear.gather [hbm4b:s1+s15], $0x7D0, $0x38;
	[tilespmem:$0x179F0] =	vst v63  }
0x30: {  	_ =	swait.ge [sflag:s28], $0x7D0  }
0x31: {  	[sflag:s28] =	ssyncset.done $0x0  }
0x32: {  	[sflag:s28] =	ssyncadd.s32 $0xFFFFF830  }
0x33: {  	_ =	swait.ge [sflag:s28], $0x7D0  }
0x34: {  	[sflag:s28] =	ssyncset.done $0x0  }
0x35: {  	[sflag:s28] =	ssyncadd.s32 $0xFFFFF830  }
0x36: {  	_ =	swait.ge [sflag:s28], $0x7D0  }
0x37: {  	v1 =	vmov s15;
	[sflag:s28] =	ssyncset.done $0x0  }
0x38: {  	v1 =	vshll.u32 v1, $0x3;
	[sflag:s28] =	ssyncadd.s32 $0xFFFFF830  }
0x39: {  	v3 =	vor.u32 v0, v1;
	v2 =	vld [tilespmem:s31+$0x0];
	_ =	sdelay $0x4  }
0x3a: {  	[tilespmem:v3+s29+$0x0] =	vst.idx.msk $0xffff, v2  }
0x3b: {  	v2 =	vor.u32 $0x1, v3;
	v1 =	vld [tilespmem:s25+$0x0];
	_ =	sdelay $0x4  }
0x3c: {  	[tilespmem:v2+s29+$0x0] =	vst.idx.msk $0xffff, v1  }
0x3d: {  	v2 =	vor.u32 $0x2, v3;
	v1 =	vld [tilespmem:s21+$0x0];
	_ =	sdelay $0x2  }
0x3e: {  	s15 =	simm.s32 $0x10  }
0x3f: {  	s1 =	simm.s32 $0x20;
	v3 =	vmov s15  }
.LBB2_4:
0x40: {  	p1 =	sne.s32 s1, $0x7C0;
	v3 =	vshll.u32 v3, $0x3;
	[tilespmem:v2+s29+$0x0] =	vst.idx.msk $0xffff, v1;
	s31 =	sadd.s32 $0x10, s31  }
0x41: {  	v1 =	vld [tilespmem:s31+$0x0];
	v2 =	vor.u32 v0, v3;
	_ =	sdelay $0x4  }
0x42: {  	s25 =	sadd.s32 $0x10, s25;
	[tilespmem:v2+s29+$0x0] =	vst.idx.msk $0xffff, v1  }
0x43: {  	v3 =	vor.u32 $0x1, v2;
	v1 =	vld [tilespmem:s25+$0x0];
	_ =	sdelay $0x4  }
0x44: {  	s21 =	sadd.s32 $0x10, s21;
	[tilespmem:v3+s29+$0x0] =	vst.idx.msk $0xffff, v1  }
.Ltmp5:
0x45: {  	v2 =	vor.u32 $0x2, v2;
	v1 =	vld [tilespmem:s21+$0x0];
	(pc) =	sbr.rel @p1 .LBB2_4-.Ltmp5, $2  }
0x46: {  	_ =	sdelay $0x2  }
0x47: {  	v3 =	vmov s1;
	s1 =	sadd.s32 $0x10, s1  }
0x48: {  	_ =	sdelay $0x3  }
0x49: {  	v3 =	vshll.u32 v3, $0x3;
	[tilespmem:v2+s29+$0x0] =	vst.idx.msk $0xffff, v1;
	s1 =	sadd.s32 $0x10, s31  }
0x4a: {  	v1 =	vld [tilespmem:s1+$0x0];
	v2 =	vor.u32 v0, v3;
	_ =	sdelay $0x4  }
0x4b: {  	s15 =	sadd.s32 $0x10, s25;
	[tilespmem:v2+s29+$0x0] =	vst.idx.msk $0xffff, v1  }
0x4c: {  	v3 =	vor.u32 $0x1, v2;
	v1 =	vld [tilespmem:s15+$0x0];
	_ =	sdelay $0x4  }
0x4d: {  	s25 =	sadd.s32 $0x10, s21;
	[tilespmem:v3+s29+$0x0] =	vst.idx.msk $0xffff, v1  }
0x4e: {  	v2 =	vor.u32 $0x2, v2;
	v1 =	vld [tilespmem:s25+$0x0];
	_ =	sdelay $0x2  }
0x4f: {  	s31 =	smul.u32 $0x7D0, s2;
	_ =	sdelay $0x1  }
.Ltmp6:
0x50: {  	s1 =	sadd.s32 s31, s3;
	[tilespmem:v2+s29+$0x0] =	vst.idx.msk $0xffff, v1;
	(pc) =	sbr.rel .LBB2_6-.Ltmp6, $4  }
0x51: {  	[hbm4b:s1+s4] =	stream.linear.scatter [tilespmem:s29], [sflag:$0x6], $0x3E80, $0x38;
	[tilespmem:$0x179F0] =	vst v63  }
0x52: {  	_ =	swait.ge [sflag:s30], $0x3E80  }
0x53: {  	[sflag:s30] =	ssyncset.done $0x0  }
0x54: {  	[sflag:s30] =	ssyncadd.s32 $0xFFFFC180  }
.LBB2_7:
0x55: {  	[bflag:$0x0] =	sbarrier.arrive $0xFFFF  }
0x56: {  	s0 =	simm.s32 $0x0;
	s1 =	rddreg [dreg:$0x4]  }
0x57: {  	[tilespmem:s0], [sflag:$0x2] =	stream.linear.gather [hbm4b:s1+s0], $0x400, $0x38;
	[tilespmem:$0x179F0] =	vst v63  }
0x58: {  	s2 =	simm.s32 $0x400;
	s21 =	rddreg [dreg:$0x5]  }
0x59: {  	[tilespmem:s2], [sflag:$0x2] =	stream.linear.gather [hbm4b:s21+s0], $0x400, $0x38;
	[tilespmem:$0x179F0] =	vst v63  }
0x5a: {  	s15 =	simm.s32 $0x800;
	s25 =	rddreg [dreg:$0x6]  }
0x5b: {  	[tilespmem:s15], [sflag:$0x2] =	stream.linear.gather [hbm4b:s25+s0], $0x400, $0x38;
	[tilespmem:$0x179F0] =	vst v63  }
0x5c: {  	s31 =	rddreg [dreg:$0x7];
	s21 =	simm.s32 $0xC00  }
0x5d: {  	[tilespmem:s21], [sflag:$0x2] =	stream.linear.gather [hbm4b:s31+s0], $0x400, $0x38;
	[tilespmem:$0x179F0] =	vst v63  }
0x5e: {  	_ =	swait.ge [sflag:s22], $0x400  }
0x5f: {  	[sflag:s22] =	ssyncset.done $0x0  }
0x60: {  	[sflag:s22] =	ssyncadd.s32 $0xFFFFFC00  }
0x61: {  	_ =	swait.ge [sflag:s22], $0x400  }
0x62: {  	[sflag:s22] =	ssyncset.done $0x0  }
0x63: {  	[sflag:s22] =	ssyncadd.s32 $0xFFFFFC00  }
0x64: {  	_ =	swait.ge [sflag:s22], $0x400  }
0x65: {  	[sflag:s22] =	ssyncset.done $0x0  }
0x66: {  	[sflag:s22] =	ssyncadd.s32 $0xFFFFFC00  }
0x67: {  	_ =	swait.ge [sflag:s22], $0x400  }
0x68: {  	[sflag:s22] =	ssyncset.done $0x0  }
0x69: {  	[sflag:s22] =	ssyncadd.s32 $0xFFFFFC00  }
0x6a: {  	[tilespmem:s23], [sflag:$0x4] =	stream.indirect.gather [hbm4b:s3+s2], $0x8, s0, s2, $0xb8;
	[tilespmem:$0x179F0] =	vst v63  }
0x6b: {  	_ = 	snop  }
0x6c: {  	[tilespmem:s24], [sflag:$0x4] =	stream.indirect.gather [hbm4b:s3+s2], $0x8, s2, s2, $0xb8;
	[tilespmem:$0x179F0] =	vst v63  }
0x6d: {  	_ = 	snop  }
0x6e: {  	[tilespmem:s26], [sflag:$0x4] =	stream.indirect.gather [hbm4b:s3+s2], $0x8, s15, s2, $0xb8;
	[tilespmem:$0x179F0] =	vst v63  }
0x6f: {  	_ = 	snop  }
0x70: {  	[tilespmem:s13], [sflag:$0x4] =	stream.indirect.gather [hbm4b:s3+s2], $0x8, s21, s2, $0xb8;
	[tilespmem:$0x179F0] =	vst v63  }
0x71: {  	s15 =	rddreg [dreg:$0x8];
	s21 =	simm.s32 $0x1000  }
0x72: {  	[tilespmem:s21], [sflag:$0x3] =	stream.linear.gather [hbm4b:s15+s0], $0x400, $0x38;
	[tilespmem:$0x179F0] =	vst v63  }
0x73: {  	s31 =	simm.s32 $0x1400;
	s25 =	rddreg [dreg:$0x9]  }
0x74: {  	[tilespmem:s31], [sflag:$0x3] =	stream.linear.gather [hbm4b:s25+s0], $0x400, $0x38;
	[tilespmem:$0x179F0] =	vst v63  }
.Ltmp7:
0x75: {  	_ = 	snop;
	(pc) =	sbr.rel .LBB2_8-.Ltmp7, $4  }
0x76: {  	s15 =	rddreg [dreg:$0xa];
	s21 =	simm.s32 $0x1800  }
0x77: {  	[tilespmem:s21], [sflag:$0x3] =	stream.linear.gather [hbm4b:s15+s0], $0x400, $0x38;
	[tilespmem:$0x179F0] =	vst v63  }
0x78: {  	s25 =	rddreg [dreg:$0xb];
	s31 =	simm.s32 $0x1C00  }
0x79: {  	[tilespmem:s31], [sflag:$0x3] =	stream.linear.gather [hbm4b:s25+s0], $0x400, $0x38;
	[tilespmem:$0x179F0] =	vst v63  }
.LBB2_11:
0x7a: {  	s25 =	simm.s32 $0x175F0  }
.LBB2_15:
0x7b: {  	_ =	sdelay $0x3  }
0x7c: {  	v8 =	vld.idx.msk [tilespmem:v5+s24+$0x0], $0xffff  }
0x7d: {  	v9 =	vld.idx.msk [tilespmem:v2+s24+$0x0], $0xffff  }
0x7e: {  	v10 =	vld.idx.msk [tilespmem:v1+s24+$0x0], $0xffff  }
0x7f: {  	v11 =	vld.idx.msk [tilespmem:v5+s26+$0x0], $0xffff  }
0x80: {  	v2 =	vld.idx.msk [tilespmem:v2+s26+$0x0], $0xffff  }
0x81: {  	v46 =	vld.idx.msk [tilespmem:v5+s13+$0x0], $0xffff  }
0x82: {  	v12 =	vld.idx.msk [tilespmem:v1+s26+$0x0], $0xffff  }
0x83: {  	v1 =	vld.idx.msk [tilespmem:v1+s13+$0x0], $0xffff;
	v6 =	vsub.f32 v8, v6  }
0x84: {  	v7 =	vsub.f32 v10, v7;
	v8 =	vsub.f32 v11, v8  }
0x85: {  	v4 =	vsub.f32 v9, v4;
	v9 =	vsub.f32 v2, v9  }
0x86: {  	v5 =	vsub.f32 v46, v11;
	v2 =	vsub.f32 v3, v2  }
0x87: {  	v10 =	vsub.f32 v12, v10;
	v3 =	vmul.f32 v8, v7;
	v47 =	vmul.f32 v9, v6  }
0x88: {  	v1 =	vsub.f32 v1, v12;
	v13 =	vmul.f32 v8, v4;
	v7 =	vmul.f32 v9, v7  }
0x89: {  	v48 =	vmul.f32 v2, v8;
	v4 =	vmul.f32 v10, v4  }
0x8a: {  	v14 =	vmul.f32 v5, v9;
	v9 =	vmul.f32 v1, v9  }
0x8b: {  	v49 =	vmul.f32 v2, v10;
	v6 =	vmul.f32 v10, v6  }
0x8c: {  	v10 =	vmul.f32 v5, v10;
	v11 =	vsub.f32 v47, v13;
	v12 =	vsub.f32 v48, v14  }
0x8d: {  	v8 =	vmul.f32 v1, v8;
	v4 =	vsub.f32 v4, v7;
	v50 =	vsub.f32 v9, v49  }
0x8e: {  	v3 =	vsub.f32 v3, v6;
	v51 =	vmul.f32 v11, v11;
	v52 =	vmul.f32 v12, v12  }
0x8f: {  	v8 =	vsub.f32 v10, v8;
	v53 =	vmul.f32 v4, v4;
	v13 =	vmul.f32 v50, v50  }
0x90: {  	v54 =	vmul.f32 v3, v3  }
0x91: {  	v55 =	vmul.f32 v8, v8;
	v6 =	vadd.f32 v53, v51;
	v9 =	vadd.f32 v13, v52;
	_ =	sdelay $0x1  }
0x92: {  	v6 =	vadd.f32 v6, v54;
	v9 =	vadd.f32 v9, v55;
	_ =	sdelay $0x1  }
0x93: {  	v6 =	vmul.f32 v9, v6;
	_ =	sdelay $0x1  }
0x94: {  	v9 =	vshrl.u32 v6, $0x1  }
0x95: {  	v9 =	vsub.s32 $0x5F3759DF, v9  }
0x96: {  	v56 =	vmul.f32 v9, v6;
	_ =	sdelay $0x1  }
0x97: {  	v10 =	vmul.f32 $5.000000000e-01, v56;
	_ =	sdelay $0x1  }
0x98: {  	v10 =	vmul.f32 v9, v10;
	_ =	sdelay $0x1  }
0x99: {  	v10 =	vsub.f32 $1.500000000e+00, v10;
	_ =	sdelay $0x1  }
0x9a: {  	v9 =	vmul.f32 v9, v10;
	_ =	sdelay $0x1  }
0x9b: {  	v10 =	vmul.f32 v9, v6;
	_ =	sdelay $0x1  }
0x9c: {  	v10 =	vmul.f32 $5.000000000e-01, v10;
	_ =	sdelay $0x1  }
0x9d: {  	v10 =	vmul.f32 v10, v9;
	_ =	sdelay $0x1  }
0x9e: {  	v10 =	vsub.f32 $1.500000000e+00, v10;
	_ =	sdelay $0x1  }
0x9f: {  	v9 =	vmul.f32 v10, v9;
	_ =	sdelay $0x1  }
0xa0: {  	v6 =	vmul.f32 v9, v6;
	_ =	sdelay $0x1  }
0xa1: {  	v6 =	vmul.f32 $5.000000000e-01, v6  }
0xa2: {  	v57 =	vmul.f32 v12, v11  }
0xa3: {  	v7 =	vmul.f32 v50, v4;
	v6 =	vmul.f32 v6, v9;
	_ =	sdelay $0x1  }
0xa4: {  	v8 =	vmul.f32 v8, v3;
	v7 =	vadd.f32 v7, v57;
	v6 =	vsub.f32 $1.500000000e+00, v6;
	_ =	sdelay $0x1  }
0xa5: {  	v7 =	vadd.f32 v7, v8;
	v6 =	vmul.f32 v6, v9;
	_ =	sdelay $0x1  }
0xa6: {  	v6 =	vmul.f32 v6, v7;
	_ =	sdelay $0x1  }
0xa7: {  	v6 =	vmax.f32 v6, $-1.000000000e+00  }
0xa8: {  	v6 =	vmin.f32 v6, $1.000000000e+00  }
0xa9: {  	v58 =	vand.u32 $0x7FFFFFFF, v6  }
0xaa: {  	v59 =	vsub.f32 $1.000000000e+00, v58;
	_ =	sdelay $0x1  }
0xab: {  	v60 =	vshrl.u32 v59, $0x1  }
0xac: {  	v9 =	vsub.s32 $0x5F3759DF, v60  }
0xad: {  	v61 =	vmul.f32 v9, v59;
	_ =	sdelay $0x1  }
0xae: {  	v10 =	vmul.f32 $5.000000000e-01, v61;
	_ =	sdelay $0x1  }
0xaf: {  	v10 =	vmul.f32 v9, v10;
	_ =	sdelay $0x1  }
0xb0: {  	v10 =	vsub.f32 $1.500000000e+00, v10;
	_ =	sdelay $0x1  }
0xb1: {  	v9 =	vmul.f32 v9, v10;
	_ =	sdelay $0x1  }
0xb2: {  	v10 =	vmul.f32 v9, v59;
	_ =	sdelay $0x1  }
0xb3: {  	v10 =	vmul.f32 $5.000000000e-01, v10;
	_ =	sdelay $0x1  }
0xb4: {  	v10 =	vmul.f32 v10, v9;
	_ =	sdelay $0x1  }
0xb5: {  	v10 =	vsub.f32 $1.500000000e+00, v10;
	_ =	sdelay $0x1  }
0xb6: {  	v9 =	vmul.f32 v10, v9;
	_ =	sdelay $0x1  }
0xb7: {  	v62 =	vmul.f32 $-1.872929930e-02, v58;
	v10 =	vmul.f32 v9, v59;
	_ =	sdelay $0x1  }
0xb8: {  	v12 =	vadd.f32 $7.426100220e-02, v62;
	v10 =	vmul.f32 $5.000000000e-01, v10;
	_ =	sdelay $0x1  }
0xb9: {  	v12 =	vmul.f32 v12, v58;
	v10 =	vmul.f32 v10, v9;
	_ =	sdelay $0x1  }
0xba: {  	v12 =	vadd.f32 $-2.121143940e-01, v12;
	v10 =	vsub.f32 $1.500000000e+00, v10;
	_ =	sdelay $0x1  }
0xbb: {  	v7 =	vmul.f32 v12, v58;
	v9 =	vmul.f32 v10, v9;
	_ =	sdelay $0x1  }
0xbc: {  	v7 =	vadd.f32 $1.570728780e+00, v7;
	v8 =	vmul.f32 v9, v59  }
0xbd: {  	v1 =	vmul.f32 v11, v1  }
0xbe: {  	v4 =	vmul.f32 v5, v4;
	v63 =	vmul.f32 v8, v7;
	_ =	sdelay $0x1  }
0xbf: {  	v2 =	vmul.f32 v2, v3;
	v1 =	vadd.f32 v4, v1;
	v3 =	vsub.f32 $3.141592740e+00, v63  }
0xc0: {  	vm0 =	vge.f32 v6, $0.0e+00  }
0xc1: {  	v1 =	vadd.f32 v2, v1;
	v2 =	vsel vm0, v63, v3  }
0xc2: {  	v3 =	vsub.f32 $0.0e+00, v2  }
0xc3: {  	s1 =	sadd.s32 @p1 $0x10, s25;
	vm15 =	vgt.f32 v1, $0.0e+00  }
0xc4: {  	s31 =	smov.u32 @p1 s1;
	v1 =	vsel vm15, v2, v3  }
0xc5: {  	s1 =	simm.s32 $0x6;
	[tilespmem:s31+$0x0] =	vst v1  }
.LBB2_19:
0xc6: {  	s2 =	sshll.u32 s21, $0x7;
	s15 =	rddreg [dreg:$0x1]  }
0xc7: {  	s31 =	simm.s32 $0x175F0;
	s2 =	sadd.s32 s15, s2  }
0xc8: {  	[hbm4b:s2+s4] =	stream.linear.scatter [tilespmem:s31], [sflag:s1], $0x400, $0x38;
	[tilespmem:$0x179F0] =	vst v63  }
0xc9: {  	_ =	swait.ge [sflag:s1], $0x400  }
0xca: {  	[sflag:s1] =	ssyncset.done $0x0  }
0xcb: {  	[sflag:s1] =	ssyncadd.s32 $0xFFFFFC00  }
.LBB2_20:
0xcc: {  	s0 =	sadd.s32 $0x1, s0  }
0xcd: {  	p1 =	sne.s32 s0, $0x3E  }
.Ltmp8:
0xce: {  	_ = 	snop;
	(pc) =	sbr.rel @!p1 .LBB2_21-.Ltmp8, $1  }
0xcf: {  	_ =	sdelay $0x3  }
.LBB2_8:
0xd0: {  	s1 =	sshll.u32 s0, $0x5  }
0xd1: {  	s21 =	sor.u32 s10, s1  }
0xd2: {  	p1 =	sgt.u32 s21, $0x7A0  }
.Ltmp9:
0xd3: {  	_ = 	snop;
	(pc) =	sbr.rel @p1 .LBB2_20-.Ltmp9, $1  }
0xd4: {  	_ =	sdelay $0x3  }
0xd5: {  	s1 =	sand.u32 $0x1, s0  }
0xd6: {  	p3 =	seq.s32 s1, $0x1  }
.Ltmp10:
0xd7: {  	_ = 	snop;
	(pc) =	sbr.rel @p3 .LBB2_16-.Ltmp10, $3  }
0xd8: {  	_ =	sdelay $0x1  }
0xd9: {  	p1 =	sgt.u32 s21, $0x780  }
0xda: {  	p2 =	sgt.u32 @!p1 s21, $0x760  }
0xdb: {  	_ =	swait.ge [sflag:s14], $0x2000  }
0xdc: {  	[sflag:s14] =	ssyncset.done $0x0  }
0xdd: {  	[sflag:s14] =	ssyncadd.s32 $0xFFFFE000  }
0xde: {  	_ =	swait.ge [sflag:s14], $0x2000  }
0xdf: {  	[sflag:s14] =	ssyncset.done $0x0  }
0xe0: {  	[sflag:s14] =	ssyncadd.s32 $0xFFFFE000  }
0xe1: {  	_ =	swait.ge [sflag:s14], $0x2000  }
0xe2: {  	[sflag:s14] =	ssyncset.done $0x0  }
0xe3: {  	[sflag:s14] =	ssyncadd.s32 $0xFFFFE000  }
0xe4: {  	_ =	swait.ge [sflag:s14], $0x2000  }
0xe5: {  	[sflag:s14] =	ssyncset.done $0x0  }
0xe6: {  	s1 =	simm.s32 @!p1 $0x3;
	[sflag:s14] =	ssyncadd.s32 $0xFFFFE000  }
0xe7: {  	_ =	swait.ge @!p1 [sflag:s1], $0x400  }
0xe8: {  	[sflag:s1] =	ssyncset.done @!p1 $0x0  }
0xe9: {  	[sflag:s1] =	ssyncadd.s32 @!p1 $0xFFFFFC00  }
0xea: {  	_ =	swait.ge @!p1 [sflag:s1], $0x400  }
0xeb: {  	[sflag:s1] =	ssyncset.done @!p1 $0x0  }
0xec: {  	[sflag:s1] =	ssyncadd.s32 @!p1 $0xFFFFFC00  }
0xed: {  	_ =	swait.ge @!p1 [sflag:s1], $0x400  }
0xee: {  	[sflag:s1] =	ssyncset.done @!p1 $0x0  }
0xef: {  	[sflag:s1] =	ssyncadd.s32 @!p1 $0xFFFFFC00  }
0xf0: {  	_ =	swait.ge @!p1 [sflag:s1], $0x400  }
0xf1: {  	s2 =	simm.s32 @!p1 $0x1000;
	[sflag:s1] =	ssyncset.done @!p1 $0x0  }
0xf2: {  	s15 =	simm.s32 @!p1 $0xA000;
	[sflag:s1] =	ssyncadd.s32 @!p1 $0xFFFFFC00;
	s1 =	simm.s32 @!p1 $0x400  }
0xf3: {  	[tilespmem:s15], [sflag:$0x5] =	stream.indirect.gather @!p1 [hbm4b:s3+s1], $0x8, s2, s1, $0xb8;
	[tilespmem:$0x179F0] =	vst v63  }
0xf4: {  	s2 =	simm.s32 @!p1 $0x1400;
	s15 =	simm.s32 @!p1 $0xC000  }
0xf5: {  	[tilespmem:s15], [sflag:$0x5] =	stream.indirect.gather @!p1 [hbm4b:s3+s1], $0x8, s2, s1, $0xb8;
	[tilespmem:$0x179F0] =	vst v63  }
0xf6: {  	s2 =	simm.s32 @!p1 $0x1800;
	s15 =	simm.s32 @!p1 $0xE000  }
0xf7: {  	[tilespmem:s15], [sflag:$0x5] =	stream.indirect.gather @!p1 [hbm4b:s3+s1], $0x8, s2, s1, $0xb8;
	[tilespmem:$0x179F0] =	vst v63  }
0xf8: {  	s2 =	simm.s32 @!p1 $0x1C00;
	s15 =	simm.s32 @!p1 $0x10000  }
0xf9: {  	[tilespmem:s15], [sflag:$0x5] =	stream.indirect.gather @!p1 [hbm4b:s3+s1], $0x8, s2, s1, $0xb8;
	[tilespmem:$0x179F0] =	vst v63  }
0xfa: {  	p1 =	por p2, p1  }
0xfb: {  	s1 =	sshll.u32 @!p1 s21, $0x7  }
0xfc: {  	s15 =	rddreg [dreg:$0x0];
	s1 =	sadd.s32 @!p1 $0x2000, s1  }
0xfd: {  	s2 =	simm.s32 $0x0;
	s25 =	simm.s32 @!p1 $0x0;
	s15 =	sadd.s32 @!p1 s15, s1  }
0xfe: {  	v1 =	vmov s2;
	[tilespmem:s25], [sflag:$0x2] =	stream.linear.gather @!p1 [hbm4b:s15+s25], $0x400, $0x38;
	[tilespmem:$0x179F0] =	vst v63  }
0xff: {  	v1 =	vshll.u32 v1, $0x3;
	s2 =	sadd.s32 @!p1 s9, s1;
	s15 =	simm.s32 @!p1 $0x400  }
0x100: {  	v1 =	vor.u32 v0, v1;
	[tilespmem:s15], [sflag:$0x2] =	stream.linear.gather @!p1 [hbm4b:s2+s25], $0x400, $0x38;
	[tilespmem:$0x179F0] =	vst v63  }
0x101: {  	v2 =	vor.u32 $0x2, v1;
	s2 =	sadd.s32 @!p1 s11, s1;
	s15 =	simm.s32 @!p1 $0x800  }
0x102: {  	[tilespmem:s15], [sflag:$0x2] =	stream.linear.gather @!p1 [hbm4b:s2+s25], $0x400, $0x38;
	[tilespmem:$0x179F0] =	vst v63  }
0x103: {  	p2 =	por $0x0, $0x0;
	v5 =	vor.u32 $0x1, v1;
	s1 =	sadd.s32 @!p1 s12, s1;
	s2 =	simm.s32 @!p1 $0xC00  }
0x104: {  	[tilespmem:s2], [sflag:$0x2] =	stream.linear.gather @!p1 [hbm4b:s1+s25], $0x400, $0x38;
	[tilespmem:$0x179F0] =	vst v63  }
.Ltmp11:
0x105: {  	_ = 	snop;
	(pc) =	sbr.rel @p2 .LBB2_11-.Ltmp11, $4  }
0x106: {  	v3 =	vld.idx.msk [tilespmem:v2+s13+$0x0], $0xffff  }
0x107: {  	v4 =	vld.idx.msk [tilespmem:v2+s23+$0x0], $0xffff  }
0x108: {  	v6 =	vld.idx.msk [tilespmem:v5+s23+$0x0], $0xffff  }
0x109: {  	s31 =	simm.s32 $0x175F0;
	s2 =	simm.s32 $0x10;
	p1 =	por $0x0, $0x0;
	v7 =	vld.idx.msk [tilespmem:v1+s23+$0x0], $0xffff  }
0x10a: {  	_ =	sdelay $0x3  }
0x10b: {  	v8 =	vld.idx.msk [tilespmem:v5+s24+$0x0], $0xffff  }
0x10c: {  	v9 =	vld.idx.msk [tilespmem:v2+s24+$0x0], $0xffff  }
0x10d: {  	v10 =	vld.idx.msk [tilespmem:v1+s24+$0x0], $0xffff  }
0x10e: {  	v11 =	vld.idx.msk [tilespmem:v5+s26+$0x0], $0xffff  }
0x10f: {  	v2 =	vld.idx.msk [tilespmem:v2+s26+$0x0], $0xffff  }
0x110: {  	v5 =	vld.idx.msk [tilespmem:v5+s13+$0x0], $0xffff  }
0x111: {  	v12 =	vld.idx.msk [tilespmem:v1+s26+$0x0], $0xffff  }
0x112: {  	v1 =	vld.idx.msk [tilespmem:v1+s13+$0x0], $0xffff;
	v6 =	vsub.f32 v8, v6  }
0x113: {  	v7 =	vsub.f32 v10, v7;
	v8 =	vsub.f32 v11, v8  }
0x114: {  	v4 =	vsub.f32 v9, v4;
	v9 =	vsub.f32 v2, v9  }
0x115: {  	v5 =	vsub.f32 v5, v11;
	v2 =	vsub.f32 v3, v2  }
0x116: {  	v10 =	vsub.f32 v12, v10;
	v3 =	vmul.f32 v8, v7;
	v51 =	vmul.f32 v9, v6  }
0x117: {  	v1 =	vsub.f32 v1, v12;
	v13 =	vmul.f32 v8, v4;
	v7 =	vmul.f32 v9, v7  }
0x118: {  	v52 =	vmul.f32 v2, v8;
	v4 =	vmul.f32 v10, v4  }
0x119: {  	v14 =	vmul.f32 v5, v9;
	v9 =	vmul.f32 v1, v9  }
0x11a: {  	v53 =	vmul.f32 v2, v10;
	v6 =	vmul.f32 v10, v6  }
0x11b: {  	v10 =	vmul.f32 v5, v10;
	v11 =	vsub.f32 v51, v13;
	v12 =	vsub.f32 v52, v14  }
0x11c: {  	v8 =	vmul.f32 v1, v8;
	v4 =	vsub.f32 v4, v7;
	v7 =	vsub.f32 v9, v53  }
0x11d: {  	v3 =	vsub.f32 v3, v6;
	v6 =	vmul.f32 v11, v11;
	v54 =	vmul.f32 v12, v12  }
0x11e: {  	v8 =	vsub.f32 v10, v8;
	v55 =	vmul.f32 v4, v4;
	v13 =	vmul.f32 v7, v7  }
0x11f: {  	v56 =	vmul.f32 v3, v3  }
0x120: {  	v57 =	vmul.f32 v8, v8;
	v6 =	vadd.f32 v55, v6;
	v9 =	vadd.f32 v13, v54;
	_ =	sdelay $0x1  }
0x121: {  	v6 =	vadd.f32 v6, v56;
	v9 =	vadd.f32 v9, v57;
	_ =	sdelay $0x1  }
0x122: {  	v6 =	vmul.f32 v9, v6;
	_ =	sdelay $0x1  }
0x123: {  	v9 =	vshrl.u32 v6, $0x1  }
0x124: {  	v9 =	vsub.s32 $0x5F3759DF, v9  }
0x125: {  	v58 =	vmul.f32 v9, v6;
	_ =	sdelay $0x1  }
0x126: {  	v10 =	vmul.f32 $5.000000000e-01, v58;
	_ =	sdelay $0x1  }
0x127: {  	v10 =	vmul.f32 v9, v10;
	_ =	sdelay $0x1  }
0x128: {  	v10 =	vsub.f32 $1.500000000e+00, v10;
	_ =	sdelay $0x1  }
0x129: {  	v9 =	vmul.f32 v9, v10;
	_ =	sdelay $0x1  }
0x12a: {  	v10 =	vmul.f32 v9, v6;
	_ =	sdelay $0x1  }
0x12b: {  	v10 =	vmul.f32 $5.000000000e-01, v10;
	_ =	sdelay $0x1  }
0x12c: {  	v10 =	vmul.f32 v10, v9;
	_ =	sdelay $0x1  }
0x12d: {  	v10 =	vsub.f32 $1.500000000e+00, v10;
	_ =	sdelay $0x1  }
0x12e: {  	v9 =	vmul.f32 v10, v9;
	_ =	sdelay $0x1  }
0x12f: {  	v6 =	vmul.f32 v9, v6;
	_ =	sdelay $0x1  }
0x130: {  	v6 =	vmul.f32 $5.000000000e-01, v6  }
0x131: {  	v59 =	vmul.f32 v12, v11  }
0x132: {  	v7 =	vmul.f32 v7, v4;
	v6 =	vmul.f32 v6, v9;
	_ =	sdelay $0x1  }
0x133: {  	v8 =	vmul.f32 v8, v3;
	v7 =	vadd.f32 v7, v59;
	v6 =	vsub.f32 $1.500000000e+00, v6;
	_ =	sdelay $0x1  }
0x134: {  	v7 =	vadd.f32 v7, v8;
	v6 =	vmul.f32 v6, v9;
	_ =	sdelay $0x1  }
0x135: {  	v6 =	vmul.f32 v6, v7;
	_ =	sdelay $0x1  }
0x136: {  	v6 =	vmax.f32 v6, $-1.000000000e+00  }
0x137: {  	v6 =	vmin.f32 v6, $1.000000000e+00  }
0x138: {  	v7 =	vand.u32 $0x7FFFFFFF, v6  }
0x139: {  	v8 =	vsub.f32 $1.000000000e+00, v7;
	_ =	sdelay $0x1  }
0x13a: {  	v60 =	vshrl.u32 v8, $0x1  }
0x13b: {  	v9 =	vsub.s32 $0x5F3759DF, v60  }
0x13c: {  	v61 =	vmul.f32 v9, v8;
	_ =	sdelay $0x1  }
0x13d: {  	v10 =	vmul.f32 $5.000000000e-01, v61;
	_ =	sdelay $0x1  }
0x13e: {  	v10 =	vmul.f32 v9, v10;
	_ =	sdelay $0x1  }
0x13f: {  	v10 =	vsub.f32 $1.500000000e+00, v10;
	_ =	sdelay $0x1  }
0x140: {  	v9 =	vmul.f32 v9, v10;
	_ =	sdelay $0x1  }
0x141: {  	v10 =	vmul.f32 v9, v8;
	_ =	sdelay $0x1  }
0x142: {  	v10 =	vmul.f32 $5.000000000e-01, v10;
	_ =	sdelay $0x1  }
0x143: {  	v10 =	vmul.f32 v10, v9;
	_ =	sdelay $0x1  }
0x144: {  	v10 =	vsub.f32 $1.500000000e+00, v10;
	_ =	sdelay $0x1  }
0x145: {  	v9 =	vmul.f32 v10, v9;
	_ =	sdelay $0x1  }
0x146: {  	v62 =	vmul.f32 $-1.872929930e-02, v7;
	v10 =	vmul.f32 v9, v8;
	_ =	sdelay $0x1  }
0x147: {  	v12 =	vadd.f32 $7.426100220e-02, v62;
	v10 =	vmul.f32 $5.000000000e-01, v10;
	_ =	sdelay $0x1  }
0x148: {  	v12 =	vmul.f32 v12, v7;
	v10 =	vmul.f32 v10, v9;
	_ =	sdelay $0x1  }
0x149: {  	v12 =	vadd.f32 $-2.121143940e-01, v12;
	v10 =	vsub.f32 $1.500000000e+00, v10;
	_ =	sdelay $0x1  }
0x14a: {  	v7 =	vmul.f32 v12, v7;
	v9 =	vmul.f32 v10, v9;
	_ =	sdelay $0x1  }
0x14b: {  	v7 =	vadd.f32 $1.570728780e+00, v7;
	v8 =	vmul.f32 v9, v8  }
0x14c: {  	v1 =	vmul.f32 v11, v1  }
0x14d: {  	v4 =	vmul.f32 v5, v4;
	v5 =	vmul.f32 v8, v7  }
0x14e: {  	v63 =	vmov s2;
	v3 =	vmul.f32 v2, v3  }
0x14f: {  	v4 =	vadd.f32 v4, v1;
	v7 =	vshll.u32 v63, $0x3;
	v8 =	vsub.f32 $3.141592740e+00, v5  }
0x150: {  	vm0 =	vge.f32 v6, $0.0e+00;
	v1 =	vor.u32 v0, v7  }
0x151: {  	v3 =	vadd.f32 v3, v4;
	v2 =	vor.u32 $0x2, v1;
	v4 =	vsel vm0, v5, v8  }
0x152: {  	v6 =	vsub.f32 $0.0e+00, v4  }
0x153: {  	vm15 =	vgt.f32 v3, $0.0e+00;
	v5 =	vor.u32 $0x1, v1  }
0x154: {  	p2 =	por $0x0, $0x0;
	v3 =	vsel vm15, v4, v6  }
.Ltmp12:
0x155: {  	[tilespmem:s31+$0x0] =	vst v3;
	(pc) =	sbr.rel @p2 .LBB2_13-.Ltmp12, $4  }
0x156: {  	v3 =	vld.idx.msk [tilespmem:v2+s13+$0x0], $0xffff  }
0x157: {  	v4 =	vld.idx.msk [tilespmem:v2+s23+$0x0], $0xffff  }
0x158: {  	v6 =	vld.idx.msk [tilespmem:v5+s23+$0x0], $0xffff  }
0x159: {  	s2 =	simm.s32 $0x20;
	p1 =	por $0x1, $0x1;
	s25 =	simm.s32 $0x175F0;
	v7 =	vld.idx.msk [tilespmem:v1+s23+$0x0], $0xffff  }
.LBB2_14:
0x15a: {  	p2 =	seq.s32 s2, $0x3F0;
	v8 =	vld.idx.msk [tilespmem:v5+s24+$0x0], $0xffff  }
0x15b: {  	v9 =	vld.idx.msk [tilespmem:v2+s24+$0x0], $0xffff  }
0x15c: {  	v10 =	vld.idx.msk [tilespmem:v1+s24+$0x0], $0xffff  }
0x15d: {  	v11 =	vld.idx.msk [tilespmem:v5+s26+$0x0], $0xffff  }
0x15e: {  	v12 =	vld.idx.msk [tilespmem:v2+s26+$0x0], $0xffff  }
0x15f: {  	v2 =	vld.idx.msk [tilespmem:v5+s13+$0x0], $0xffff  }
0x160: {  	v5 =	vld.idx.msk [tilespmem:v1+s26+$0x0], $0xffff  }
0x161: {  	v13 =	vld.idx.msk [tilespmem:v1+s13+$0x0], $0xffff  }
0x162: {  	v6 =	vsub.f32 v8, v6  }
0x163: {  	v7 =	vsub.f32 v10, v7;
	v8 =	vsub.f32 v11, v8  }
0x164: {  	v4 =	vsub.f32 v9, v4;
	v9 =	vsub.f32 v12, v9  }
0x165: {  	v1 =	vsub.f32 v3, v12;
	v2 =	vsub.f32 v2, v11;
	v11 =	vmul.f32 v8, v7  }
0x166: {  	v14 =	vmul.f32 v8, v4;
	v10 =	vsub.f32 v5, v10;
	v12 =	vmul.f32 v9, v6  }
0x167: {  	v3 =	vsub.f32 v13, v5;
	v5 =	vmul.f32 v9, v7;
	v7 =	vmul.f32 v1, v8  }
0x168: {  	v15 =	vmul.f32 v2, v9;
	v13 =	vmul.f32 v10, v4  }
0x169: {  	v4 =	vsub.f32 v12, v14;
	v12 =	vmul.f32 v1, v10;
	v9 =	vmul.f32 v3, v9  }
0x16a: {  	v14 =	vmul.f32 v10, v6;
	v10 =	vmul.f32 v2, v10;
	v7 =	vsub.f32 v7, v15  }
0x16b: {  	v8 =	vmul.f32 v3, v8;
	v6 =	vsub.f32 v13, v5;
	v9 =	vsub.f32 v9, v12  }
0x16c: {  	v5 =	vsub.f32 v11, v14;
	v11 =	vmul.f32 v4, v4;
	v12 =	vmul.f32 v7, v7  }
0x16d: {  	v8 =	vsub.f32 v10, v8;
	v10 =	vmul.f32 v6, v6;
	v13 =	vmul.f32 v9, v9  }
0x16e: {  	v14 =	vmul.f32 v5, v5  }
0x16f: {  	v10 =	vadd.f32 v10, v11;
	v11 =	vadd.f32 v13, v12;
	v12 =	vmul.f32 v8, v8;
	_ =	sdelay $0x1  }
0x170: {  	v10 =	vadd.f32 v10, v14;
	v11 =	vadd.f32 v11, v12;
	_ =	sdelay $0x1  }
0x171: {  	v10 =	vmul.f32 v11, v10;
	_ =	sdelay $0x1  }
0x172: {  	v11 =	vshrl.u32 v10, $0x1  }
0x173: {  	v11 =	vsub.s32 $0x5F3759DF, v11  }
0x174: {  	v12 =	vmul.f32 v11, v10;
	_ =	sdelay $0x1  }
0x175: {  	v12 =	vmul.f32 $5.000000000e-01, v12;
	_ =	sdelay $0x1  }
0x176: {  	v12 =	vmul.f32 v11, v12;
	_ =	sdelay $0x1  }
0x177: {  	v12 =	vsub.f32 $1.500000000e+00, v12;
	_ =	sdelay $0x1  }
0x178: {  	v11 =	vmul.f32 v11, v12;
	_ =	sdelay $0x1  }
0x179: {  	v12 =	vmul.f32 v11, v10;
	_ =	sdelay $0x1  }
0x17a: {  	v12 =	vmul.f32 $5.000000000e-01, v12;
	_ =	sdelay $0x1  }
0x17b: {  	v12 =	vmul.f32 v12, v11;
	_ =	sdelay $0x1  }
0x17c: {  	v12 =	vsub.f32 $1.500000000e+00, v12;
	_ =	sdelay $0x1  }
0x17d: {  	v11 =	vmul.f32 v12, v11;
	_ =	sdelay $0x1  }
0x17e: {  	v10 =	vmul.f32 v11, v10;
	_ =	sdelay $0x1  }
0x17f: {  	v10 =	vmul.f32 $5.000000000e-01, v10  }
0x180: {  	v7 =	vmul.f32 v7, v4  }
0x181: {  	v9 =	vmul.f32 v9, v6;
	v10 =	vmul.f32 v10, v11;
	_ =	sdelay $0x1  }
0x182: {  	v7 =	vadd.f32 v9, v7;
	v8 =	vmul.f32 v8, v5;
	v9 =	vsub.f32 $1.500000000e+00, v10;
	_ =	sdelay $0x1  }
0x183: {  	v7 =	vadd.f32 v7, v8;
	v8 =	vmul.f32 v9, v11;
	_ =	sdelay $0x1  }
0x184: {  	v7 =	vmul.f32 v8, v7;
	_ =	sdelay $0x1  }
0x185: {  	v7 =	vmax.f32 v7, $-1.000000000e+00  }
0x186: {  	v7 =	vmin.f32 v7, $1.000000000e+00  }
0x187: {  	v8 =	vand.u32 $0x7FFFFFFF, v7  }
0x188: {  	v9 =	vsub.f32 $1.000000000e+00, v8;
	_ =	sdelay $0x1  }
0x189: {  	v10 =	vshrl.u32 v9, $0x1  }
0x18a: {  	v10 =	vsub.s32 $0x5F3759DF, v10  }
0x18b: {  	v11 =	vmul.f32 v10, v9;
	_ =	sdelay $0x1  }
0x18c: {  	v11 =	vmul.f32 $5.000000000e-01, v11;
	_ =	sdelay $0x1  }
0x18d: {  	v11 =	vmul.f32 v10, v11;
	_ =	sdelay $0x1  }
0x18e: {  	v11 =	vsub.f32 $1.500000000e+00, v11;
	_ =	sdelay $0x1  }
0x18f: {  	v10 =	vmul.f32 v10, v11;
	_ =	sdelay $0x1  }
0x190: {  	v11 =	vmul.f32 v10, v9;
	_ =	sdelay $0x1  }
0x191: {  	v11 =	vmul.f32 $5.000000000e-01, v11;
	_ =	sdelay $0x1  }
0x192: {  	v11 =	vmul.f32 v11, v10;
	_ =	sdelay $0x1  }
0x193: {  	v11 =	vsub.f32 $1.500000000e+00, v11;
	_ =	sdelay $0x1  }
0x194: {  	v10 =	vmul.f32 v11, v10;
	_ =	sdelay $0x1  }
0x195: {  	v12 =	vmul.f32 $-1.872929930e-02, v8;
	v11 =	vmul.f32 v10, v9;
	_ =	sdelay $0x1  }
0x196: {  	v12 =	vadd.f32 $7.426100220e-02, v12;
	v11 =	vmul.f32 $5.000000000e-01, v11;
	_ =	sdelay $0x1  }
0x197: {  	v12 =	vmul.f32 v12, v8;
	v11 =	vmul.f32 v11, v10;
	_ =	sdelay $0x1  }
0x198: {  	v12 =	vadd.f32 $-2.121143940e-01, v12;
	v11 =	vsub.f32 $1.500000000e+00, v11;
	_ =	sdelay $0x1  }
0x199: {  	v8 =	vmul.f32 v12, v8;
	v10 =	vmul.f32 v11, v10;
	_ =	sdelay $0x1  }
0x19a: {  	v8 =	vadd.f32 $1.570728780e+00, v8;
	v9 =	vmul.f32 v10, v9  }
0x19b: {  	v3 =	vmul.f32 v4, v3  }
0x19c: {  	v4 =	vmov s2;
	v2 =	vmul.f32 v2, v6;
	v6 =	vmul.f32 v9, v8  }
0x19d: {  	v4 =	vshll.u32 v4, $0x3  }
0x19e: {  	v3 =	vadd.f32 v2, v3;
	v5 =	vmul.f32 v1, v5;
	v8 =	vsub.f32 $3.141592740e+00, v6  }
0x19f: {  	v1 =	vor.u32 v0, v4;
	vm0 =	vge.f32 v7, $0.0e+00  }
0x1a0: {  	v2 =	vor.u32 $0x2, v1;
	v3 =	vadd.f32 v5, v3;
	v4 =	vsel vm0, v6, v8  }
0x1a1: {  	v6 =	vsub.f32 $0.0e+00, v4  }
0x1a2: {  	v5 =	vor.u32 $0x1, v1;
	vm0 =	vgt.f32 v3, $0.0e+00  }
0x1a3: {  	s25 =	sadd.s32 $0x10, s25;
	v3 =	vsel vm0, v4, v6  }
.Ltmp13:
0x1a4: {  	[tilespmem:s25+$0x0] =	vst v3;
	(pc) =	sbr.rel @!p2 .LBB2_14-.Ltmp13, $4  }
0x1a5: {  	v3 =	vld.idx.msk [tilespmem:v2+s13+$0x0], $0xffff  }
0x1a6: {  	v4 =	vld.idx.msk [tilespmem:v2+s23+$0x0], $0xffff  }
0x1a7: {  	v6 =	vld.idx.msk [tilespmem:v5+s23+$0x0], $0xffff  }
0x1a8: {  	s2 =	sadd.s32 $0x10, s2;
	v7 =	vld.idx.msk [tilespmem:v1+s23+$0x0], $0xffff  }
.Ltmp14:
0x1a9: {  	_ = 	snop;
	(pc) =	sbr.rel .LBB2_15-.Ltmp14, $1  }
0x1aa: {  	_ =	sdelay $0x3  }
.LBB2_16:
0x1ab: {  	_ =	swait.ge [sflag:s16], $0x2000  }
0x1ac: {  	[sflag:s16] =	ssyncset.done $0x0  }
0x1ad: {  	[sflag:s16] =	ssyncadd.s32 $0xFFFFE000  }
0x1ae: {  	_ =	swait.ge [sflag:s16], $0x2000  }
0x1af: {  	[sflag:s16] =	ssyncset.done $0x0  }
0x1b0: {  	[sflag:s16] =	ssyncadd.s32 $0xFFFFE000  }
0x1b1: {  	_ =	swait.ge [sflag:s16], $0x2000  }
0x1b2: {  	[sflag:s16] =	ssyncset.done $0x0  }
0x1b3: {  	[sflag:s16] =	ssyncadd.s32 $0xFFFFE000  }
0x1b4: {  	_ =	swait.ge [sflag:s16], $0x2000  }
0x1b5: {  	[sflag:s16] =	ssyncset.done $0x0  }
0x1b6: {  	s1 =	simm.s32 @!p1 $0x2;
	[sflag:s16] =	ssyncadd.s32 $0xFFFFE000  }
0x1b7: {  	_ =	swait.ge @!p1 [sflag:s1], $0x400  }
0x1b8: {  	[sflag:s1] =	ssyncset.done @!p1 $0x0  }
0x1b9: {  	[sflag:s1] =	ssyncadd.s32 @!p1 $0xFFFFFC00  }
0x1ba: {  	_ =	swait.ge @!p1 [sflag:s1], $0x400  }
0x1bb: {  	[sflag:s1] =	ssyncset.done @!p1 $0x0  }
0x1bc: {  	[sflag:s1] =	ssyncadd.s32 @!p1 $0xFFFFFC00  }
0x1bd: {  	_ =	swait.ge @!p1 [sflag:s1], $0x400  }
0x1be: {  	[sflag:s1] =	ssyncset.done @!p1 $0x0  }
0x1bf: {  	[sflag:s1] =	ssyncadd.s32 @!p1 $0xFFFFFC00  }
0x1c0: {  	_ =	swait.ge @!p1 [sflag:s1], $0x400  }
0x1c1: {  	s2 =	simm.s32 @!p1 $0x0;
	[sflag:s1] =	ssyncset.done @!p1 $0x0  }
0x1c2: {  	s15 =	simm.s32 @!p1 $0x2000;
	[sflag:s1] =	ssyncadd.s32 @!p1 $0xFFFFFC00;
	s1 =	simm.s32 @!p1 $0x400  }
0x1c3: {  	[tilespmem:s15], [sflag:$0x4] =	stream.indirect.gather @!p1 [hbm4b:s3+s1], $0x8, s2, s1, $0xb8;
	[tilespmem:$0x179F0] =	vst v63  }
0x1c4: {  	s2 =	simm.s32 @!p1 $0x4000  }
0x1c5: {  	[tilespmem:s2], [sflag:$0x4] =	stream.indirect.gather @!p1 [hbm4b:s3+s1], $0x8, s1, s1, $0xb8;
	[tilespmem:$0x179F0] =	vst v63  }
0x1c6: {  	s15 =	simm.s32 @!p1 $0x6000;
	s2 =	simm.s32 @!p1 $0x800  }
0x1c7: {  	[tilespmem:s15], [sflag:$0x4] =	stream.indirect.gather @!p1 [hbm4b:s3+s1], $0x8, s2, s1, $0xb8;
	[tilespmem:$0x179F0] =	vst v63  }
0x1c8: {  	s2 =	simm.s32 @!p1 $0xC00;
	s15 =	simm.s32 @!p1 $0x8000  }
0x1c9: {  	[tilespmem:s15], [sflag:$0x4] =	stream.indirect.gather @!p1 [hbm4b:s3+s1], $0x8, s2, s1, $0xb8;
	[tilespmem:$0x179F0] =	vst v63  }
0x1ca: {  	p1 =	por p2, p1  }
0x1cb: {  	s1 =	sshll.u32 @!p1 s21, $0x7  }
0x1cc: {  	s2 =	simm.s32 $0x0;
	s15 =	rddreg [dreg:$0x0];
	s1 =	sadd.s32 @!p1 $0x2000, s1  }
0x1cd: {  	s25 =	simm.s32 @!p1 $0x0;
	v1 =	vmov s2;
	s2 =	simm.s32 @!p1 $0x1000;
	s15 =	sadd.s32 @!p1 s15, s1  }
0x1ce: {  	v1 =	vshll.u32 v1, $0x3;
	[tilespmem:s2], [sflag:$0x3] =	stream.linear.gather @!p1 [hbm4b:s15+s25], $0x400, $0x38;
	[tilespmem:$0x179F0] =	vst v63  }
0x1cf: {  	v1 =	vor.u32 v0, v1;
	s2 =	sadd.s32 @!p1 s9, s1;
	s15 =	simm.s32 @!p1 $0x1400  }
0x1d0: {  	v2 =	vor.u32 $0x2, v1;
	[tilespmem:s15], [sflag:$0x3] =	stream.linear.gather @!p1 [hbm4b:s2+s25], $0x400, $0x38;
	[tilespmem:$0x179F0] =	vst v63  }
0x1d1: {  	s2 =	sadd.s32 @!p1 s11, s1;
	s15 =	simm.s32 @!p1 $0x1800  }
0x1d2: {  	v3 =	vor.u32 $0x1, v1;
	[tilespmem:s15], [sflag:$0x3] =	stream.linear.gather @!p1 [hbm4b:s2+s25], $0x400, $0x38;
	[tilespmem:$0x179F0] =	vst v63  }
0x1d3: {  	s1 =	sadd.s32 @!p1 s12, s1;
	s2 =	simm.s32 @!p1 $0x1C00  }
0x1d4: {  	[tilespmem:s2], [sflag:$0x3] =	stream.linear.gather @!p1 [hbm4b:s1+s25], $0x400, $0x38;
	[tilespmem:$0x179F0] =	vst v63  }
0x1d5: {  	v4 =	vld.idx.msk [tilespmem:v2+s20+$0x0], $0xffff  }
0x1d6: {  	v5 =	vld.idx.msk [tilespmem:v2+s17+$0x0], $0xffff  }
0x1d7: {  	v6 =	vld.idx.msk [tilespmem:v3+s17+$0x0], $0xffff  }
0x1d8: {  	v7 =	vld.idx.msk [tilespmem:v1+s17+$0x0], $0xffff  }
0x1d9: {  	v8 =	vld.idx.msk [tilespmem:v3+s18+$0x0], $0xffff  }
0x1da: {  	v9 =	vld.idx.msk [tilespmem:v2+s18+$0x0], $0xffff  }
0x1db: {  	v10 =	vld.idx.msk [tilespmem:v1+s18+$0x0], $0xffff  }
0x1dc: {  	v11 =	vld.idx.msk [tilespmem:v3+s19+$0x0], $0xffff  }
0x1dd: {  	v2 =	vld.idx.msk [tilespmem:v2+s19+$0x0], $0xffff  }
0x1de: {  	v3 =	vld.idx.msk [tilespmem:v3+s20+$0x0], $0xffff  }
0x1df: {  	v12 =	vld.idx.msk [tilespmem:v1+s19+$0x0], $0xffff  }
0x1e0: {  	v1 =	vld.idx.msk [tilespmem:v1+s20+$0x0], $0xffff;
	v6 =	vsub.f32 v8, v6  }
0x1e1: {  	v7 =	vsub.f32 v10, v7;
	v8 =	vsub.f32 v11, v8  }
0x1e2: {  	v5 =	vsub.f32 v9, v5;
	v9 =	vsub.f32 v2, v9  }
0x1e3: {  	v3 =	vsub.f32 v3, v11;
	v2 =	vsub.f32 v4, v2  }
0x1e4: {  	v10 =	vsub.f32 v12, v10;
	v4 =	vmul.f32 v8, v7;
	v51 =	vmul.f32 v9, v6  }
0x1e5: {  	v1 =	vsub.f32 v1, v12;
	v13 =	vmul.f32 v8, v5;
	v7 =	vmul.f32 v9, v7  }
0x1e6: {  	v52 =	vmul.f32 v2, v8;
	v5 =	vmul.f32 v10, v5  }
0x1e7: {  	v14 =	vmul.f32 v3, v9;
	v9 =	vmul.f32 v1, v9  }
0x1e8: {  	v53 =	vmul.f32 v2, v10;
	v6 =	vmul.f32 v10, v6  }
0x1e9: {  	v10 =	vmul.f32 v3, v10;
	v11 =	vsub.f32 v51, v13;
	v12 =	vsub.f32 v52, v14  }
0x1ea: {  	v8 =	vmul.f32 v1, v8;
	v5 =	vsub.f32 v5, v7;
	v7 =	vsub.f32 v9, v53  }
0x1eb: {  	v4 =	vsub.f32 v4, v6;
	v6 =	vmul.f32 v11, v11;
	v54 =	vmul.f32 v12, v12  }
0x1ec: {  	v8 =	vsub.f32 v10, v8;
	v55 =	vmul.f32 v5, v5;
	v13 =	vmul.f32 v7, v7  }
0x1ed: {  	v56 =	vmul.f32 v4, v4  }
0x1ee: {  	v57 =	vmul.f32 v8, v8;
	v6 =	vadd.f32 v55, v6;
	v9 =	vadd.f32 v13, v54;
	_ =	sdelay $0x1  }
0x1ef: {  	v6 =	vadd.f32 v6, v56;
	v9 =	vadd.f32 v9, v57;
	_ =	sdelay $0x1  }
0x1f0: {  	v6 =	vmul.f32 v9, v6;
	_ =	sdelay $0x1  }
0x1f1: {  	v9 =	vshrl.u32 v6, $0x1  }
0x1f2: {  	v9 =	vsub.s32 $0x5F3759DF, v9  }
0x1f3: {  	v58 =	vmul.f32 v9, v6;
	_ =	sdelay $0x1  }
0x1f4: {  	v10 =	vmul.f32 $5.000000000e-01, v58;
	_ =	sdelay $0x1  }
0x1f5: {  	v10 =	vmul.f32 v9, v10;
	_ =	sdelay $0x1  }
0x1f6: {  	v10 =	vsub.f32 $1.500000000e+00, v10;
	_ =	sdelay $0x1  }
0x1f7: {  	v9 =	vmul.f32 v9, v10;
	_ =	sdelay $0x1  }
0x1f8: {  	v10 =	vmul.f32 v9, v6;
	_ =	sdelay $0x1  }
0x1f9: {  	v10 =	vmul.f32 $5.000000000e-01, v10;
	_ =	sdelay $0x1  }
0x1fa: {  	v10 =	vmul.f32 v10, v9;
	_ =	sdelay $0x1  }
0x1fb: {  	v10 =	vsub.f32 $1.500000000e+00, v10;
	_ =	sdelay $0x1  }
0x1fc: {  	v9 =	vmul.f32 v10, v9;
	_ =	sdelay $0x1  }
0x1fd: {  	v6 =	vmul.f32 v9, v6;
	_ =	sdelay $0x1  }
0x1fe: {  	v6 =	vmul.f32 $5.000000000e-01, v6  }
0x1ff: {  	v59 =	vmul.f32 v12, v11  }
0x200: {  	v7 =	vmul.f32 v7, v5;
	v6 =	vmul.f32 v6, v9;
	_ =	sdelay $0x1  }
0x201: {  	v8 =	vmul.f32 v8, v4;
	v7 =	vadd.f32 v7, v59;
	v6 =	vsub.f32 $1.500000000e+00, v6;
	_ =	sdelay $0x1  }
0x202: {  	v7 =	vadd.f32 v7, v8;
	v6 =	vmul.f32 v6, v9;
	_ =	sdelay $0x1  }
0x203: {  	v6 =	vmul.f32 v6, v7;
	_ =	sdelay $0x1  }
0x204: {  	v6 =	vmax.f32 v6, $-1.000000000e+00  }
0x205: {  	v6 =	vmin.f32 v6, $1.000000000e+00  }
0x206: {  	v7 =	vand.u32 $0x7FFFFFFF, v6  }
0x207: {  	v8 =	vsub.f32 $1.000000000e+00, v7;
	_ =	sdelay $0x1  }
0x208: {  	v60 =	vshrl.u32 v8, $0x1  }
0x209: {  	v9 =	vsub.s32 $0x5F3759DF, v60  }
0x20a: {  	v61 =	vmul.f32 v9, v8;
	_ =	sdelay $0x1  }
0x20b: {  	v10 =	vmul.f32 $5.000000000e-01, v61;
	_ =	sdelay $0x1  }
0x20c: {  	v10 =	vmul.f32 v9, v10;
	_ =	sdelay $0x1  }
0x20d: {  	v10 =	vsub.f32 $1.500000000e+00, v10;
	_ =	sdelay $0x1  }
0x20e: {  	v9 =	vmul.f32 v9, v10;
	_ =	sdelay $0x1  }
0x20f: {  	v10 =	vmul.f32 v9, v8;
	_ =	sdelay $0x1  }
0x210: {  	v10 =	vmul.f32 $5.000000000e-01, v10;
	_ =	sdelay $0x1  }
0x211: {  	v10 =	vmul.f32 v10, v9;
	_ =	sdelay $0x1  }
0x212: {  	v10 =	vsub.f32 $1.500000000e+00, v10;
	_ =	sdelay $0x1  }
0x213: {  	v9 =	vmul.f32 v10, v9;
	_ =	sdelay $0x1  }
0x214: {  	v62 =	vmul.f32 $-1.872929930e-02, v7;
	v10 =	vmul.f32 v9, v8;
	_ =	sdelay $0x1  }
0x215: {  	v12 =	vadd.f32 $7.426100220e-02, v62;
	v10 =	vmul.f32 $5.000000000e-01, v10;
	_ =	sdelay $0x1  }
0x216: {  	v12 =	vmul.f32 v12, v7;
	v10 =	vmul.f32 v10, v9;
	_ =	sdelay $0x1  }
0x217: {  	v12 =	vadd.f32 $-2.121143940e-01, v12;
	v10 =	vsub.f32 $1.500000000e+00, v10;
	_ =	sdelay $0x1  }
0x218: {  	v7 =	vmul.f32 v12, v7;
	v9 =	vmul.f32 v10, v9;
	_ =	sdelay $0x1  }
0x219: {  	v7 =	vadd.f32 $1.570728780e+00, v7;
	v8 =	vmul.f32 v9, v8  }
0x21a: {  	v1 =	vmul.f32 v11, v1  }
0x21b: {  	s25 =	simm.s32 $0x10;
	v3 =	vmul.f32 v3, v5;
	v5 =	vmul.f32 v8, v7  }
0x21c: {  	v63 =	vmov s25;
	v4 =	vmul.f32 v2, v4  }
0x21d: {  	v3 =	vadd.f32 v3, v1;
	v7 =	vshll.u32 v63, $0x3;
	v8 =	vsub.f32 $3.141592740e+00, v5  }
0x21e: {  	vm0 =	vge.f32 v6, $0.0e+00;
	v1 =	vor.u32 v0, v7  }
0x21f: {  	v3 =	vadd.f32 v4, v3;
	v2 =	vor.u32 $0x2, v1;
	v4 =	vsel vm0, v5, v8  }
0x220: {  	v6 =	vsub.f32 $0.0e+00, v4  }
0x221: {  	vm15 =	vgt.f32 v3, $0.0e+00;
	v5 =	vor.u32 $0x1, v1  }
0x222: {  	s31 =	simm.s32 $0x175F0;
	v3 =	vsel vm15, v4, v6  }
0x223: {  	[tilespmem:s31+$0x0] =	vst v3  }
0x224: {  	v3 =	vld.idx.msk [tilespmem:v2+s20+$0x0], $0xffff  }
0x225: {  	v4 =	vld.idx.msk [tilespmem:v2+s17+$0x0], $0xffff  }
0x226: {  	v6 =	vld.idx.msk [tilespmem:v5+s17+$0x0], $0xffff  }
0x227: {  	s2 =	simm.s32 $0x20;
	v7 =	vld.idx.msk [tilespmem:v1+s17+$0x0], $0xffff  }
.LBB2_17:
0x228: {  	p1 =	sne.s32 s2, $0x3F0;
	v8 =	vld.idx.msk [tilespmem:v5+s18+$0x0], $0xffff  }
0x229: {  	v9 =	vld.idx.msk [tilespmem:v2+s18+$0x0], $0xffff  }
0x22a: {  	v10 =	vld.idx.msk [tilespmem:v1+s18+$0x0], $0xffff  }
0x22b: {  	v11 =	vld.idx.msk [tilespmem:v5+s19+$0x0], $0xffff  }
0x22c: {  	v12 =	vld.idx.msk [tilespmem:v2+s19+$0x0], $0xffff  }
0x22d: {  	v2 =	vld.idx.msk [tilespmem:v5+s20+$0x0], $0xffff  }
0x22e: {  	v5 =	vld.idx.msk [tilespmem:v1+s19+$0x0], $0xffff  }
0x22f: {  	v13 =	vld.idx.msk [tilespmem:v1+s20+$0x0], $0xffff  }
0x230: {  	v6 =	vsub.f32 v8, v6  }
0x231: {  	v7 =	vsub.f32 v10, v7;
	v8 =	vsub.f32 v11, v8  }
0x232: {  	v4 =	vsub.f32 v9, v4;
	v9 =	vsub.f32 v12, v9  }
0x233: {  	v1 =	vsub.f32 v3, v12;
	v2 =	vsub.f32 v2, v11;
	v11 =	vmul.f32 v8, v7  }
0x234: {  	v14 =	vmul.f32 v8, v4;
	v10 =	vsub.f32 v5, v10;
	v12 =	vmul.f32 v9, v6  }
0x235: {  	v3 =	vsub.f32 v13, v5;
	v5 =	vmul.f32 v9, v7;
	v7 =	vmul.f32 v1, v8  }
0x236: {  	v15 =	vmul.f32 v2, v9;
	v13 =	vmul.f32 v10, v4  }
0x237: {  	v4 =	vsub.f32 v12, v14;
	v12 =	vmul.f32 v1, v10;
	v9 =	vmul.f32 v3, v9  }
0x238: {  	v14 =	vmul.f32 v10, v6;
	v10 =	vmul.f32 v2, v10;
	v7 =	vsub.f32 v7, v15  }
0x239: {  	v8 =	vmul.f32 v3, v8;
	v6 =	vsub.f32 v13, v5;
	v9 =	vsub.f32 v9, v12  }
0x23a: {  	v5 =	vsub.f32 v11, v14;
	v11 =	vmul.f32 v4, v4;
	v12 =	vmul.f32 v7, v7  }
0x23b: {  	v8 =	vsub.f32 v10, v8;
	v10 =	vmul.f32 v6, v6;
	v13 =	vmul.f32 v9, v9  }
0x23c: {  	v14 =	vmul.f32 v5, v5  }
0x23d: {  	v10 =	vadd.f32 v10, v11;
	v11 =	vadd.f32 v13, v12;
	v12 =	vmul.f32 v8, v8;
	_ =	sdelay $0x1  }
0x23e: {  	v10 =	vadd.f32 v10, v14;
	v11 =	vadd.f32 v11, v12;
	_ =	sdelay $0x1  }
0x23f: {  	v10 =	vmul.f32 v11, v10;
	_ =	sdelay $0x1  }
0x240: {  	v11 =	vshrl.u32 v10, $0x1  }
0x241: {  	v11 =	vsub.s32 $0x5F3759DF, v11  }
0x242: {  	v12 =	vmul.f32 v11, v10;
	_ =	sdelay $0x1  }
0x243: {  	v12 =	vmul.f32 $5.000000000e-01, v12;
	_ =	sdelay $0x1  }
0x244: {  	v12 =	vmul.f32 v11, v12;
	_ =	sdelay $0x1  }
0x245: {  	v12 =	vsub.f32 $1.500000000e+00, v12;
	_ =	sdelay $0x1  }
0x246: {  	v11 =	vmul.f32 v11, v12;
	_ =	sdelay $0x1  }
0x247: {  	v12 =	vmul.f32 v11, v10;
	_ =	sdelay $0x1  }
0x248: {  	v12 =	vmul.f32 $5.000000000e-01, v12;
	_ =	sdelay $0x1  }
0x249: {  	v12 =	vmul.f32 v12, v11;
	_ =	sdelay $0x1  }
0x24a: {  	v12 =	vsub.f32 $1.500000000e+00, v12;
	_ =	sdelay $0x1  }
0x24b: {  	v11 =	vmul.f32 v12, v11;
	_ =	sdelay $0x1  }
0x24c: {  	v10 =	vmul.f32 v11, v10;
	_ =	sdelay $0x1  }
0x24d: {  	v10 =	vmul.f32 $5.000000000e-01, v10  }
0x24e: {  	v7 =	vmul.f32 v7, v4  }
0x24f: {  	v9 =	vmul.f32 v9, v6;
	v10 =	vmul.f32 v10, v11;
	_ =	sdelay $0x1  }
0x250: {  	v7 =	vadd.f32 v9, v7;
	v8 =	vmul.f32 v8, v5;
	v9 =	vsub.f32 $1.500000000e+00, v10;
	_ =	sdelay $0x1  }
0x251: {  	v7 =	vadd.f32 v7, v8;
	v8 =	vmul.f32 v9, v11;
	_ =	sdelay $0x1  }
0x252: {  	v7 =	vmul.f32 v8, v7;
	_ =	sdelay $0x1  }
0x253: {  	v7 =	vmax.f32 v7, $-1.000000000e+00  }
0x254: {  	v7 =	vmin.f32 v7, $1.000000000e+00  }
0x255: {  	v8 =	vand.u32 $0x7FFFFFFF, v7  }
0x256: {  	v9 =	vsub.f32 $1.000000000e+00, v8;
	_ =	sdelay $0x1  }
0x257: {  	v10 =	vshrl.u32 v9, $0x1  }
0x258: {  	v10 =	vsub.s32 $0x5F3759DF, v10  }
0x259: {  	v11 =	vmul.f32 v10, v9;
	_ =	sdelay $0x1  }
0x25a: {  	v11 =	vmul.f32 $5.000000000e-01, v11;
	_ =	sdelay $0x1  }
0x25b: {  	v11 =	vmul.f32 v10, v11;
	_ =	sdelay $0x1  }
0x25c: {  	v11 =	vsub.f32 $1.500000000e+00, v11;
	_ =	sdelay $0x1  }
0x25d: {  	v10 =	vmul.f32 v10, v11;
	_ =	sdelay $0x1  }
0x25e: {  	v11 =	vmul.f32 v10, v9;
	_ =	sdelay $0x1  }
0x25f: {  	v11 =	vmul.f32 $5.000000000e-01, v11;
	_ =	sdelay $0x1  }
0x260: {  	v11 =	vmul.f32 v11, v10;
	_ =	sdelay $0x1  }
0x261: {  	v11 =	vsub.f32 $1.500000000e+00, v11;
	_ =	sdelay $0x1  }
0x262: {  	v10 =	vmul.f32 v11, v10;
	_ =	sdelay $0x1  }
0x263: {  	v12 =	vmul.f32 $-1.872929930e-02, v8;
	v11 =	vmul.f32 v10, v9;
	_ =	sdelay $0x1  }
0x264: {  	v12 =	vadd.f32 $7.426100220e-02, v12;
	v11 =	vmul.f32 $5.000000000e-01, v11;
	_ =	sdelay $0x1  }
0x265: {  	v12 =	vmul.f32 v12, v8;
	v11 =	vmul.f32 v11, v10;
	_ =	sdelay $0x1  }
0x266: {  	v12 =	vadd.f32 $-2.121143940e-01, v12;
	v11 =	vsub.f32 $1.500000000e+00, v11;
	_ =	sdelay $0x1  }
0x267: {  	v8 =	vmul.f32 v12, v8;
	v10 =	vmul.f32 v11, v10;
	_ =	sdelay $0x1  }
0x268: {  	v8 =	vadd.f32 $1.570728780e+00, v8;
	v9 =	vmul.f32 v10, v9  }
0x269: {  	v3 =	vmul.f32 v4, v3  }
0x26a: {  	v4 =	vmov s2;
	v2 =	vmul.f32 v2, v6;
	v6 =	vmul.f32 v9, v8  }
0x26b: {  	v4 =	vshll.u32 v4, $0x3  }
0x26c: {  	v3 =	vadd.f32 v2, v3;
	v5 =	vmul.f32 v1, v5;
	v8 =	vsub.f32 $3.141592740e+00, v6  }
0x26d: {  	v1 =	vor.u32 v0, v4;
	vm0 =	vge.f32 v7, $0.0e+00  }
0x26e: {  	v2 =	vor.u32 $0x2, v1;
	v3 =	vadd.f32 v5, v3;
	v4 =	vsel vm0, v6, v8  }
0x26f: {  	v6 =	vsub.f32 $0.0e+00, v4  }
0x270: {  	v5 =	vor.u32 $0x1, v1;
	vm0 =	vgt.f32 v3, $0.0e+00  }
0x271: {  	s31 =	sadd.s32 $0x10, s31;
	v3 =	vsel vm0, v4, v6  }
.Ltmp15:
0x272: {  	[tilespmem:s31+$0x0] =	vst v3;
	(pc) =	sbr.rel @p1 .LBB2_17-.Ltmp15, $4  }
0x273: {  	v3 =	vld.idx.msk [tilespmem:v2+s20+$0x0], $0xffff  }
0x274: {  	v4 =	vld.idx.msk [tilespmem:v2+s17+$0x0], $0xffff  }
0x275: {  	v6 =	vld.idx.msk [tilespmem:v5+s17+$0x0], $0xffff  }
0x276: {  	s2 =	sadd.s32 $0x10, s2;
	v7 =	vld.idx.msk [tilespmem:v1+s17+$0x0], $0xffff  }
0x277: {  	_ =	sdelay $0x3  }
0x278: {  	v8 =	vld.idx.msk [tilespmem:v5+s18+$0x0], $0xffff  }
0x279: {  	v9 =	vld.idx.msk [tilespmem:v2+s18+$0x0], $0xffff  }
0x27a: {  	v10 =	vld.idx.msk [tilespmem:v1+s18+$0x0], $0xffff  }
0x27b: {  	v11 =	vld.idx.msk [tilespmem:v5+s19+$0x0], $0xffff  }
0x27c: {  	v2 =	vld.idx.msk [tilespmem:v2+s19+$0x0], $0xffff  }
0x27d: {  	v46 =	vld.idx.msk [tilespmem:v5+s20+$0x0], $0xffff  }
0x27e: {  	v12 =	vld.idx.msk [tilespmem:v1+s19+$0x0], $0xffff  }
0x27f: {  	v1 =	vld.idx.msk [tilespmem:v1+s20+$0x0], $0xffff;
	v6 =	vsub.f32 v8, v6  }
0x280: {  	v7 =	vsub.f32 v10, v7;
	v8 =	vsub.f32 v11, v8  }
0x281: {  	v4 =	vsub.f32 v9, v4;
	v9 =	vsub.f32 v2, v9  }
0x282: {  	v5 =	vsub.f32 v46, v11;
	v2 =	vsub.f32 v3, v2  }
0x283: {  	v10 =	vsub.f32 v12, v10;
	v3 =	vmul.f32 v8, v7;
	v47 =	vmul.f32 v9, v6  }
0x284: {  	v1 =	vsub.f32 v1, v12;
	v13 =	vmul.f32 v8, v4;
	v7 =	vmul.f32 v9, v7  }
0x285: {  	v48 =	vmul.f32 v2, v8;
	v4 =	vmul.f32 v10, v4  }
0x286: {  	v14 =	vmul.f32 v5, v9;
	v9 =	vmul.f32 v1, v9  }
0x287: {  	v49 =	vmul.f32 v2, v10;
	v6 =	vmul.f32 v10, v6  }
0x288: {  	v10 =	vmul.f32 v5, v10;
	v11 =	vsub.f32 v47, v13;
	v12 =	vsub.f32 v48, v14  }
0x289: {  	v8 =	vmul.f32 v1, v8;
	v4 =	vsub.f32 v4, v7;
	v50 =	vsub.f32 v9, v49  }
0x28a: {  	v3 =	vsub.f32 v3, v6;
	v51 =	vmul.f32 v11, v11;
	v52 =	vmul.f32 v12, v12  }
0x28b: {  	v8 =	vsub.f32 v10, v8;
	v53 =	vmul.f32 v4, v4;
	v13 =	vmul.f32 v50, v50  }
0x28c: {  	v54 =	vmul.f32 v3, v3  }
0x28d: {  	v55 =	vmul.f32 v8, v8;
	v6 =	vadd.f32 v53, v51;
	v9 =	vadd.f32 v13, v52;
	_ =	sdelay $0x1  }
0x28e: {  	v6 =	vadd.f32 v6, v54;
	v9 =	vadd.f32 v9, v55;
	_ =	sdelay $0x1  }
0x28f: {  	v6 =	vmul.f32 v9, v6;
	_ =	sdelay $0x1  }
0x290: {  	v9 =	vshrl.u32 v6, $0x1  }
0x291: {  	v9 =	vsub.s32 $0x5F3759DF, v9  }
0x292: {  	v56 =	vmul.f32 v9, v6;
	_ =	sdelay $0x1  }
0x293: {  	v10 =	vmul.f32 $5.000000000e-01, v56;
	_ =	sdelay $0x1  }
0x294: {  	v10 =	vmul.f32 v9, v10;
	_ =	sdelay $0x1  }
0x295: {  	v10 =	vsub.f32 $1.500000000e+00, v10;
	_ =	sdelay $0x1  }
0x296: {  	v9 =	vmul.f32 v9, v10;
	_ =	sdelay $0x1  }
0x297: {  	v10 =	vmul.f32 v9, v6;
	_ =	sdelay $0x1  }
0x298: {  	v10 =	vmul.f32 $5.000000000e-01, v10;
	_ =	sdelay $0x1  }
0x299: {  	v10 =	vmul.f32 v10, v9;
	_ =	sdelay $0x1  }
0x29a: {  	v10 =	vsub.f32 $1.500000000e+00, v10;
	_ =	sdelay $0x1  }
0x29b: {  	v9 =	vmul.f32 v10, v9;
	_ =	sdelay $0x1  }
0x29c: {  	v6 =	vmul.f32 v9, v6;
	_ =	sdelay $0x1  }
0x29d: {  	v6 =	vmul.f32 $5.000000000e-01, v6  }
0x29e: {  	v57 =	vmul.f32 v12, v11  }
0x29f: {  	v7 =	vmul.f32 v50, v4;
	v6 =	vmul.f32 v6, v9;
	_ =	sdelay $0x1  }
0x2a0: {  	v8 =	vmul.f32 v8, v3;
	v7 =	vadd.f32 v7, v57;
	v6 =	vsub.f32 $1.500000000e+00, v6;
	_ =	sdelay $0x1  }
0x2a1: {  	v7 =	vadd.f32 v7, v8;
	v6 =	vmul.f32 v6, v9;
	_ =	sdelay $0x1  }
0x2a2: {  	v6 =	vmul.f32 v6, v7;
	_ =	sdelay $0x1  }
0x2a3: {  	v6 =	vmax.f32 v6, $-1.000000000e+00  }
0x2a4: {  	v6 =	vmin.f32 v6, $1.000000000e+00  }
0x2a5: {  	v58 =	vand.u32 $0x7FFFFFFF, v6  }
0x2a6: {  	v59 =	vsub.f32 $1.000000000e+00, v58;
	_ =	sdelay $0x1  }
0x2a7: {  	v60 =	vshrl.u32 v59, $0x1  }
0x2a8: {  	v9 =	vsub.s32 $0x5F3759DF, v60  }
0x2a9: {  	v61 =	vmul.f32 v9, v59;
	_ =	sdelay $0x1  }
0x2aa: {  	v10 =	vmul.f32 $5.000000000e-01, v61;
	_ =	sdelay $0x1  }
0x2ab: {  	v10 =	vmul.f32 v9, v10;
	_ =	sdelay $0x1  }
0x2ac: {  	v10 =	vsub.f32 $1.500000000e+00, v10;
	_ =	sdelay $0x1  }
0x2ad: {  	v9 =	vmul.f32 v9, v10;
	_ =	sdelay $0x1  }
0x2ae: {  	v10 =	vmul.f32 v9, v59;
	_ =	sdelay $0x1  }
0x2af: {  	v10 =	vmul.f32 $5.000000000e-01, v10;
	_ =	sdelay $0x1  }
0x2b0: {  	v10 =	vmul.f32 v10, v9;
	_ =	sdelay $0x1  }
0x2b1: {  	v10 =	vsub.f32 $1.500000000e+00, v10;
	_ =	sdelay $0x1  }
0x2b2: {  	v9 =	vmul.f32 v10, v9;
	_ =	sdelay $0x1  }
0x2b3: {  	v62 =	vmul.f32 $-1.872929930e-02, v58;
	v10 =	vmul.f32 v9, v59;
	_ =	sdelay $0x1  }
0x2b4: {  	v12 =	vadd.f32 $7.426100220e-02, v62;
	v10 =	vmul.f32 $5.000000000e-01, v10;
	_ =	sdelay $0x1  }
0x2b5: {  	v12 =	vmul.f32 v12, v58;
	v10 =	vmul.f32 v10, v9;
	_ =	sdelay $0x1  }
0x2b6: {  	v12 =	vadd.f32 $-2.121143940e-01, v12;
	v10 =	vsub.f32 $1.500000000e+00, v10;
	_ =	sdelay $0x1  }
0x2b7: {  	v7 =	vmul.f32 v12, v58;
	v9 =	vmul.f32 v10, v9;
	_ =	sdelay $0x1  }
0x2b8: {  	v7 =	vadd.f32 $1.570728780e+00, v7;
	v8 =	vmul.f32 v9, v59  }
0x2b9: {  	v1 =	vmul.f32 v11, v1  }
0x2ba: {  	v4 =	vmul.f32 v5, v4;
	v63 =	vmul.f32 v8, v7;
	_ =	sdelay $0x1  }
0x2bb: {  	v2 =	vmul.f32 v2, v3;
	v1 =	vadd.f32 v4, v1;
	v3 =	vsub.f32 $3.141592740e+00, v63  }
0x2bc: {  	vm0 =	vge.f32 v6, $0.0e+00  }
.Ltmp16:
0x2bd: {  	v1 =	vadd.f32 v2, v1;
	v2 =	vsel vm0, v63, v3;
	(pc) =	sbr.rel .LBB2_19-.Ltmp16, $4  }
0x2be: {  	v3 =	vsub.f32 $0.0e+00, v2  }
0x2bf: {  	vm15 =	vgt.f32 v1, $0.0e+00  }
0x2c0: {  	s1 =	sadd.s32 $0x10, s31;
	v1 =	vsel vm15, v2, v3  }
0x2c1: {  	[tilespmem:s1+$0x0] =	vst v1;
	s1 =	simm.s32 $0x7  }
.LBB2_13:
.Ltmp17:
0x2c2: {  	(pc) =	sbr.rel .LBB2_15-.Ltmp17, $2  }
0x2c3: {  	_ =	sdelay $0x2  }
0x2c4: {  	s25 =	simm.s32 $0x175F0  }
.LBB2_21:
.Ltmp18:
0x2c5: {  	(pc) =	sbr.rel @p0 .LBB2_25-.Ltmp18, $2  }
0x2c6: {  	_ =	sdelay $0x2  }
0x2c7: {  	s1 =	rddreg [dreg:$0x12]  }
0x2c8: {  	s0 =	simm.s32 $0x0;
	s1 =	rddreg [dreg:$0xc]  }
0x2c9: {  	[tilespmem:s0], [sflag:$0x2] =	stream.linear.gather [hbm4b:s1+s0], $0x80, $0x38;
	[tilespmem:$0x179F0] =	vst v63  }
0x2ca: {  	s21 =	rddreg [dreg:$0xd];
	s2 =	simm.s32 $0x400  }
0x2cb: {  	[tilespmem:s2], [sflag:$0x2] =	stream.linear.gather [hbm4b:s21+s0], $0x80, $0x38;
	[tilespmem:$0x179F0] =	vst v63  }
0x2cc: {  	s25 =	rddreg [dreg:$0xe];
	s15 =	simm.s32 $0x800  }
0x2cd: {  	[tilespmem:s15], [sflag:$0x2] =	stream.linear.gather [hbm4b:s25+s0], $0x80, $0x38;
	[tilespmem:$0x179F0] =	vst v63  }
0x2ce: {  	s31 =	rddreg [dreg:$0xf];
	s21 =	simm.s32 $0xC00  }
0x2cf: {  	[tilespmem:s21], [sflag:$0x2] =	stream.linear.gather [hbm4b:s31+s0], $0x80, $0x38;
	[tilespmem:$0x179F0] =	vst v63  }
0x2d0: {  	_ =	swait.ge [sflag:s22], $0x80  }
0x2d1: {  	[sflag:s22] =	ssyncset.done $0x0  }
0x2d2: {  	[sflag:s22] =	ssyncadd.s32 $0xFFFFFF80  }
0x2d3: {  	_ =	swait.ge [sflag:s22], $0x80  }
0x2d4: {  	[sflag:s22] =	ssyncset.done $0x0  }
0x2d5: {  	[sflag:s22] =	ssyncadd.s32 $0xFFFFFF80  }
0x2d6: {  	_ =	swait.ge [sflag:s22], $0x80  }
0x2d7: {  	[sflag:s22] =	ssyncset.done $0x0  }
0x2d8: {  	[sflag:s22] =	ssyncadd.s32 $0xFFFFFF80  }
0x2d9: {  	_ =	swait.ge [sflag:s22], $0x80  }
0x2da: {  	[sflag:s22] =	ssyncset.done $0x0  }
0x2db: {  	s25 =	simm.s32 $0x80;
	[sflag:s22] =	ssyncadd.s32 $0xFFFFFF80  }
0x2dc: {  	[tilespmem:s23], [sflag:$0x4] =	stream.indirect.gather [hbm4b:s3+s25], $0x8, s0, s25, $0xb8;
	[tilespmem:$0x179F0] =	vst v63  }
0x2dd: {  	_ = 	snop  }
0x2de: {  	[tilespmem:s24], [sflag:$0x4] =	stream.indirect.gather [hbm4b:s3+s25], $0x8, s2, s25, $0xb8;
	[tilespmem:$0x179F0] =	vst v63  }
0x2df: {  	_ = 	snop  }
0x2e0: {  	[tilespmem:s26], [sflag:$0x4] =	stream.indirect.gather [hbm4b:s3+s25], $0x8, s15, s25, $0xb8;
	[tilespmem:$0x179F0] =	vst v63  }
0x2e1: {  	_ = 	snop  }
0x2e2: {  	[tilespmem:s13], [sflag:$0x4] =	stream.indirect.gather [hbm4b:s3+s25], $0x8, s21, s25, $0xb8;
	[tilespmem:$0x179F0] =	vst v63  }
0x2e3: {  	_ =	swait.ge [sflag:s14], $0x400  }
0x2e4: {  	[sflag:s14] =	ssyncset.done $0x0  }
0x2e5: {  	[sflag:s14] =	ssyncadd.s32 $0xFFFFFC00  }
0x2e6: {  	_ =	swait.ge [sflag:s14], $0x400  }
0x2e7: {  	v1 =	vmov s0;
	[sflag:s14] =	ssyncset.done $0x0  }
0x2e8: {  	v1 =	vshll.u32 v1, $0x3;
	[sflag:s14] =	ssyncadd.s32 $0xFFFFFC00  }
0x2e9: {  	v1 =	vor.u32 v0, v1;
	_ =	swait.ge [sflag:s14], $0x400  }
0x2ea: {  	v2 =	vor.u32 $0x2, v1;
	[sflag:s14] =	ssyncset.done $0x0  }
0x2eb: {  	[sflag:s14] =	ssyncadd.s32 $0xFFFFFC00  }
0x2ec: {  	v3 =	vor.u32 $0x1, v1;
	_ =	swait.ge [sflag:s14], $0x400  }
0x2ed: {  	[sflag:s14] =	ssyncset.done $0x0  }
0x2ee: {  	[sflag:s14] =	ssyncadd.s32 $0xFFFFFC00  }
0x2ef: {  	v4 =	vld.idx.msk [tilespmem:v2+s13+$0x0], $0xffff  }
0x2f0: {  	v5 =	vld.idx.msk [tilespmem:v2+s23+$0x0], $0xffff  }
0x2f1: {  	v6 =	vld.idx.msk [tilespmem:v3+s23+$0x0], $0xffff  }
0x2f2: {  	v7 =	vld.idx.msk [tilespmem:v1+s23+$0x0], $0xffff  }
0x2f3: {  	v8 =	vld.idx.msk [tilespmem:v3+s24+$0x0], $0xffff  }
0x2f4: {  	v9 =	vld.idx.msk [tilespmem:v2+s24+$0x0], $0xffff  }
0x2f5: {  	v10 =	vld.idx.msk [tilespmem:v1+s24+$0x0], $0xffff  }
0x2f6: {  	v11 =	vld.idx.msk [tilespmem:v3+s26+$0x0], $0xffff  }
0x2f7: {  	v2 =	vld.idx.msk [tilespmem:v2+s26+$0x0], $0xffff  }
0x2f8: {  	v3 =	vld.idx.msk [tilespmem:v3+s13+$0x0], $0xffff  }
0x2f9: {  	v12 =	vld.idx.msk [tilespmem:v1+s26+$0x0], $0xffff  }
0x2fa: {  	v1 =	vld.idx.msk [tilespmem:v1+s13+$0x0], $0xffff;
	v6 =	vsub.f32 v8, v6  }
0x2fb: {  	v7 =	vsub.f32 v10, v7;
	v8 =	vsub.f32 v11, v8  }
0x2fc: {  	v5 =	vsub.f32 v9, v5;
	v9 =	vsub.f32 v2, v9  }
0x2fd: {  	v3 =	vsub.f32 v3, v11;
	v2 =	vsub.f32 v4, v2  }
0x2fe: {  	v10 =	vsub.f32 v12, v10;
	v4 =	vmul.f32 v8, v7;
	v51 =	vmul.f32 v9, v6  }
0x2ff: {  	v1 =	vsub.f32 v1, v12;
	v13 =	vmul.f32 v8, v5;
	v7 =	vmul.f32 v9, v7  }
0x300: {  	v52 =	vmul.f32 v2, v8;
	v5 =	vmul.f32 v10, v5  }
0x301: {  	v14 =	vmul.f32 v3, v9;
	v9 =	vmul.f32 v1, v9  }
0x302: {  	v53 =	vmul.f32 v2, v10;
	v6 =	vmul.f32 v10, v6  }
0x303: {  	v10 =	vmul.f32 v3, v10;
	v11 =	vsub.f32 v51, v13;
	v12 =	vsub.f32 v52, v14  }
0x304: {  	v8 =	vmul.f32 v1, v8;
	v5 =	vsub.f32 v5, v7;
	v7 =	vsub.f32 v9, v53  }
0x305: {  	v4 =	vsub.f32 v4, v6;
	v6 =	vmul.f32 v11, v11;
	v54 =	vmul.f32 v12, v12  }
0x306: {  	v8 =	vsub.f32 v10, v8;
	v55 =	vmul.f32 v5, v5;
	v13 =	vmul.f32 v7, v7  }
0x307: {  	v56 =	vmul.f32 v4, v4  }
0x308: {  	v57 =	vmul.f32 v8, v8;
	v6 =	vadd.f32 v55, v6;
	v9 =	vadd.f32 v13, v54;
	_ =	sdelay $0x1  }
0x309: {  	v6 =	vadd.f32 v6, v56;
	v9 =	vadd.f32 v9, v57;
	_ =	sdelay $0x1  }
0x30a: {  	v6 =	vmul.f32 v9, v6;
	_ =	sdelay $0x1  }
0x30b: {  	v9 =	vshrl.u32 v6, $0x1  }
0x30c: {  	v9 =	vsub.s32 $0x5F3759DF, v9  }
0x30d: {  	v58 =	vmul.f32 v9, v6;
	_ =	sdelay $0x1  }
0x30e: {  	v10 =	vmul.f32 $5.000000000e-01, v58;
	_ =	sdelay $0x1  }
0x30f: {  	v10 =	vmul.f32 v9, v10;
	_ =	sdelay $0x1  }
0x310: {  	v10 =	vsub.f32 $1.500000000e+00, v10;
	_ =	sdelay $0x1  }
0x311: {  	v9 =	vmul.f32 v9, v10;
	_ =	sdelay $0x1  }
0x312: {  	v10 =	vmul.f32 v9, v6;
	_ =	sdelay $0x1  }
0x313: {  	v10 =	vmul.f32 $5.000000000e-01, v10;
	_ =	sdelay $0x1  }
0x314: {  	v10 =	vmul.f32 v10, v9;
	_ =	sdelay $0x1  }
0x315: {  	v10 =	vsub.f32 $1.500000000e+00, v10;
	_ =	sdelay $0x1  }
0x316: {  	v9 =	vmul.f32 v10, v9;
	_ =	sdelay $0x1  }
0x317: {  	v6 =	vmul.f32 v9, v6;
	_ =	sdelay $0x1  }
0x318: {  	v6 =	vmul.f32 $5.000000000e-01, v6  }
0x319: {  	v59 =	vmul.f32 v12, v11  }
0x31a: {  	v7 =	vmul.f32 v7, v5;
	v6 =	vmul.f32 v6, v9;
	_ =	sdelay $0x1  }
0x31b: {  	v8 =	vmul.f32 v8, v4;
	v7 =	vadd.f32 v7, v59;
	v6 =	vsub.f32 $1.500000000e+00, v6;
	_ =	sdelay $0x1  }
0x31c: {  	v7 =	vadd.f32 v7, v8;
	v6 =	vmul.f32 v6, v9;
	_ =	sdelay $0x1  }
0x31d: {  	v6 =	vmul.f32 v6, v7;
	_ =	sdelay $0x1  }
0x31e: {  	v6 =	vmax.f32 v6, $-1.000000000e+00  }
0x31f: {  	v6 =	vmin.f32 v6, $1.000000000e+00  }
0x320: {  	v7 =	vand.u32 $0x7FFFFFFF, v6  }
0x321: {  	v8 =	vsub.f32 $1.000000000e+00, v7;
	_ =	sdelay $0x1  }
0x322: {  	v60 =	vshrl.u32 v8, $0x1  }
0x323: {  	v9 =	vsub.s32 $0x5F3759DF, v60  }
0x324: {  	v61 =	vmul.f32 v9, v8;
	_ =	sdelay $0x1  }
0x325: {  	v10 =	vmul.f32 $5.000000000e-01, v61;
	_ =	sdelay $0x1  }
0x326: {  	v10 =	vmul.f32 v9, v10;
	_ =	sdelay $0x1  }
0x327: {  	v10 =	vsub.f32 $1.500000000e+00, v10;
	_ =	sdelay $0x1  }
0x328: {  	v9 =	vmul.f32 v9, v10;
	_ =	sdelay $0x1  }
0x329: {  	v10 =	vmul.f32 v9, v8;
	_ =	sdelay $0x1  }
0x32a: {  	v10 =	vmul.f32 $5.000000000e-01, v10;
	_ =	sdelay $0x1  }
0x32b: {  	v10 =	vmul.f32 v10, v9;
	_ =	sdelay $0x1  }
0x32c: {  	v10 =	vsub.f32 $1.500000000e+00, v10;
	_ =	sdelay $0x1  }
0x32d: {  	v9 =	vmul.f32 v10, v9;
	_ =	sdelay $0x1  }
0x32e: {  	v62 =	vmul.f32 $-1.872929930e-02, v7;
	v10 =	vmul.f32 v9, v8;
	_ =	sdelay $0x1  }
0x32f: {  	v12 =	vadd.f32 $7.426100220e-02, v62;
	v10 =	vmul.f32 $5.000000000e-01, v10;
	_ =	sdelay $0x1  }
0x330: {  	v12 =	vmul.f32 v12, v7;
	v10 =	vmul.f32 v10, v9;
	_ =	sdelay $0x1  }
0x331: {  	v12 =	vadd.f32 $-2.121143940e-01, v12;
	v10 =	vsub.f32 $1.500000000e+00, v10;
	_ =	sdelay $0x1  }
0x332: {  	v7 =	vmul.f32 v12, v7;
	v9 =	vmul.f32 v10, v9;
	_ =	sdelay $0x1  }
0x333: {  	v7 =	vadd.f32 $1.570728780e+00, v7;
	v8 =	vmul.f32 v9, v8  }
0x334: {  	v1 =	vmul.f32 v11, v1  }
0x335: {  	s31 =	simm.s32 $0x10;
	v3 =	vmul.f32 v3, v5;
	v5 =	vmul.f32 v8, v7  }
0x336: {  	v63 =	vmov s31;
	v4 =	vmul.f32 v2, v4  }
0x337: {  	v3 =	vadd.f32 v3, v1;
	v7 =	vshll.u32 v63, $0x3;
	v8 =	vsub.f32 $3.141592740e+00, v5  }
0x338: {  	vm0 =	vge.f32 v6, $0.0e+00;
	v1 =	vor.u32 v0, v7  }
0x339: {  	v3 =	vadd.f32 v4, v3;
	v2 =	vor.u32 $0x2, v1;
	v4 =	vsel vm0, v5, v8  }
0x33a: {  	v6 =	vsub.f32 $0.0e+00, v4  }
0x33b: {  	vm15 =	vgt.f32 v3, $0.0e+00;
	v5 =	vor.u32 $0x1, v1  }
0x33c: {  	s0 =	simm.s32 $0x175F0;
	v3 =	vsel vm15, v4, v6  }
0x33d: {  	[tilespmem:s0+$0x0] =	vst v3  }
0x33e: {  	v3 =	vld.idx.msk [tilespmem:v2+s13+$0x0], $0xffff  }
0x33f: {  	v4 =	vld.idx.msk [tilespmem:v2+s23+$0x0], $0xffff  }
0x340: {  	v6 =	vld.idx.msk [tilespmem:v5+s23+$0x0], $0xffff  }
0x341: {  	s2 =	simm.s32 $0x20;
	v7 =	vld.idx.msk [tilespmem:v1+s23+$0x0], $0xffff  }
.LBB2_23:
0x342: {  	p1 =	sne.s32 s2, $0x70;
	v8 =	vld.idx.msk [tilespmem:v5+s24+$0x0], $0xffff  }
0x343: {  	v9 =	vld.idx.msk [tilespmem:v2+s24+$0x0], $0xffff  }
0x344: {  	v10 =	vld.idx.msk [tilespmem:v1+s24+$0x0], $0xffff  }
0x345: {  	v11 =	vld.idx.msk [tilespmem:v5+s26+$0x0], $0xffff  }
0x346: {  	v12 =	vld.idx.msk [tilespmem:v2+s26+$0x0], $0xffff  }
0x347: {  	v2 =	vld.idx.msk [tilespmem:v5+s13+$0x0], $0xffff  }
0x348: {  	v5 =	vld.idx.msk [tilespmem:v1+s26+$0x0], $0xffff  }
0x349: {  	v13 =	vld.idx.msk [tilespmem:v1+s13+$0x0], $0xffff  }
0x34a: {  	v6 =	vsub.f32 v8, v6  }
0x34b: {  	v7 =	vsub.f32 v10, v7;
	v8 =	vsub.f32 v11, v8  }
0x34c: {  	v4 =	vsub.f32 v9, v4;
	v9 =	vsub.f32 v12, v9  }
0x34d: {  	v1 =	vsub.f32 v3, v12;
	v2 =	vsub.f32 v2, v11;
	v11 =	vmul.f32 v8, v7  }
0x34e: {  	v14 =	vmul.f32 v8, v4;
	v10 =	vsub.f32 v5, v10;
	v12 =	vmul.f32 v9, v6  }
0x34f: {  	v3 =	vsub.f32 v13, v5;
	v5 =	vmul.f32 v9, v7;
	v7 =	vmul.f32 v1, v8  }
0x350: {  	v15 =	vmul.f32 v2, v9;
	v13 =	vmul.f32 v10, v4  }
0x351: {  	v4 =	vsub.f32 v12, v14;
	v12 =	vmul.f32 v1, v10;
	v9 =	vmul.f32 v3, v9  }
0x352: {  	v14 =	vmul.f32 v10, v6;
	v10 =	vmul.f32 v2, v10;
	v7 =	vsub.f32 v7, v15  }
0x353: {  	v8 =	vmul.f32 v3, v8;
	v6 =	vsub.f32 v13, v5;
	v9 =	vsub.f32 v9, v12  }
0x354: {  	v5 =	vsub.f32 v11, v14;
	v11 =	vmul.f32 v4, v4;
	v12 =	vmul.f32 v7, v7  }
0x355: {  	v8 =	vsub.f32 v10, v8;
	v10 =	vmul.f32 v6, v6;
	v13 =	vmul.f32 v9, v9  }
0x356: {  	v14 =	vmul.f32 v5, v5  }
0x357: {  	v10 =	vadd.f32 v10, v11;
	v11 =	vadd.f32 v13, v12;
	v12 =	vmul.f32 v8, v8;
	_ =	sdelay $0x1  }
0x358: {  	v10 =	vadd.f32 v10, v14;
	v11 =	vadd.f32 v11, v12;
	_ =	sdelay $0x1  }
0x359: {  	v10 =	vmul.f32 v11, v10;
	_ =	sdelay $0x1  }
0x35a: {  	v11 =	vshrl.u32 v10, $0x1  }
0x35b: {  	v11 =	vsub.s32 $0x5F3759DF, v11  }
0x35c: {  	v12 =	vmul.f32 v11, v10;
	_ =	sdelay $0x1  }
0x35d: {  	v12 =	vmul.f32 $5.000000000e-01, v12;
	_ =	sdelay $0x1  }
0x35e: {  	v12 =	vmul.f32 v11, v12;
	_ =	sdelay $0x1  }
0x35f: {  	v12 =	vsub.f32 $1.500000000e+00, v12;
	_ =	sdelay $0x1  }
0x360: {  	v11 =	vmul.f32 v11, v12;
	_ =	sdelay $0x1  }
0x361: {  	v12 =	vmul.f32 v11, v10;
	_ =	sdelay $0x1  }
0x362: {  	v12 =	vmul.f32 $5.000000000e-01, v12;
	_ =	sdelay $0x1  }
0x363: {  	v12 =	vmul.f32 v12, v11;
	_ =	sdelay $0x1  }
0x364: {  	v12 =	vsub.f32 $1.500000000e+00, v12;
	_ =	sdelay $0x1  }
0x365: {  	v11 =	vmul.f32 v12, v11;
	_ =	sdelay $0x1  }
0x366: {  	v10 =	vmul.f32 v11, v10;
	_ =	sdelay $0x1  }
0x367: {  	v10 =	vmul.f32 $5.000000000e-01, v10  }
0x368: {  	v7 =	vmul.f32 v7, v4  }
0x369: {  	v9 =	vmul.f32 v9, v6;
	v10 =	vmul.f32 v10, v11;
	_ =	sdelay $0x1  }
0x36a: {  	v7 =	vadd.f32 v9, v7;
	v8 =	vmul.f32 v8, v5;
	v9 =	vsub.f32 $1.500000000e+00, v10;
	_ =	sdelay $0x1  }
0x36b: {  	v7 =	vadd.f32 v7, v8;
	v8 =	vmul.f32 v9, v11;
	_ =	sdelay $0x1  }
0x36c: {  	v7 =	vmul.f32 v8, v7;
	_ =	sdelay $0x1  }
0x36d: {  	v7 =	vmax.f32 v7, $-1.000000000e+00  }
0x36e: {  	v7 =	vmin.f32 v7, $1.000000000e+00  }
0x36f: {  	v8 =	vand.u32 $0x7FFFFFFF, v7  }
0x370: {  	v9 =	vsub.f32 $1.000000000e+00, v8;
	_ =	sdelay $0x1  }
0x371: {  	v10 =	vshrl.u32 v9, $0x1  }
0x372: {  	v10 =	vsub.s32 $0x5F3759DF, v10  }
0x373: {  	v11 =	vmul.f32 v10, v9;
	_ =	sdelay $0x1  }
0x374: {  	v11 =	vmul.f32 $5.000000000e-01, v11;
	_ =	sdelay $0x1  }
0x375: {  	v11 =	vmul.f32 v10, v11;
	_ =	sdelay $0x1  }
0x376: {  	v11 =	vsub.f32 $1.500000000e+00, v11;
	_ =	sdelay $0x1  }
0x377: {  	v10 =	vmul.f32 v10, v11;
	_ =	sdelay $0x1  }
0x378: {  	v11 =	vmul.f32 v10, v9;
	_ =	sdelay $0x1  }
0x379: {  	v11 =	vmul.f32 $5.000000000e-01, v11;
	_ =	sdelay $0x1  }
0x37a: {  	v11 =	vmul.f32 v11, v10;
	_ =	sdelay $0x1  }
0x37b: {  	v11 =	vsub.f32 $1.500000000e+00, v11;
	_ =	sdelay $0x1  }
0x37c: {  	v10 =	vmul.f32 v11, v10;
	_ =	sdelay $0x1  }
0x37d: {  	v12 =	vmul.f32 $-1.872929930e-02, v8;
	v11 =	vmul.f32 v10, v9;
	_ =	sdelay $0x1  }
0x37e: {  	v12 =	vadd.f32 $7.426100220e-02, v12;
	v11 =	vmul.f32 $5.000000000e-01, v11;
	_ =	sdelay $0x1  }
0x37f: {  	v12 =	vmul.f32 v12, v8;
	v11 =	vmul.f32 v11, v10;
	_ =	sdelay $0x1  }
0x380: {  	v12 =	vadd.f32 $-2.121143940e-01, v12;
	v11 =	vsub.f32 $1.500000000e+00, v11;
	_ =	sdelay $0x1  }
0x381: {  	v8 =	vmul.f32 v12, v8;
	v10 =	vmul.f32 v11, v10;
	_ =	sdelay $0x1  }
0x382: {  	v8 =	vadd.f32 $1.570728780e+00, v8;
	v9 =	vmul.f32 v10, v9  }
0x383: {  	v3 =	vmul.f32 v4, v3  }
0x384: {  	v4 =	vmov s2;
	v2 =	vmul.f32 v2, v6;
	v6 =	vmul.f32 v9, v8  }
0x385: {  	v4 =	vshll.u32 v4, $0x3  }
0x386: {  	v3 =	vadd.f32 v2, v3;
	v5 =	vmul.f32 v1, v5;
	v8 =	vsub.f32 $3.141592740e+00, v6  }
0x387: {  	v1 =	vor.u32 v0, v4;
	vm0 =	vge.f32 v7, $0.0e+00  }
0x388: {  	v2 =	vor.u32 $0x2, v1;
	v3 =	vadd.f32 v5, v3;
	v4 =	vsel vm0, v6, v8  }
0x389: {  	v6 =	vsub.f32 $0.0e+00, v4  }
0x38a: {  	v5 =	vor.u32 $0x1, v1;
	vm0 =	vgt.f32 v3, $0.0e+00  }
0x38b: {  	s0 =	sadd.s32 $0x10, s0;
	v3 =	vsel vm0, v4, v6  }
.Ltmp19:
0x38c: {  	[tilespmem:s0+$0x0] =	vst v3;
	(pc) =	sbr.rel @p1 .LBB2_23-.Ltmp19, $4  }
0x38d: {  	v3 =	vld.idx.msk [tilespmem:v2+s13+$0x0], $0xffff  }
0x38e: {  	v4 =	vld.idx.msk [tilespmem:v2+s23+$0x0], $0xffff  }
0x38f: {  	v6 =	vld.idx.msk [tilespmem:v5+s23+$0x0], $0xffff  }
0x390: {  	s2 =	sadd.s32 $0x10, s2;
	v7 =	vld.idx.msk [tilespmem:v1+s23+$0x0], $0xffff  }
0x391: {  	_ =	sdelay $0x3  }
0x392: {  	v8 =	vld.idx.msk [tilespmem:v5+s24+$0x0], $0xffff  }
0x393: {  	v9 =	vld.idx.msk [tilespmem:v2+s24+$0x0], $0xffff  }
0x394: {  	v10 =	vld.idx.msk [tilespmem:v1+s24+$0x0], $0xffff  }
0x395: {  	v11 =	vld.idx.msk [tilespmem:v5+s26+$0x0], $0xffff  }
0x396: {  	v2 =	vld.idx.msk [tilespmem:v2+s26+$0x0], $0xffff  }
0x397: {  	v46 =	vld.idx.msk [tilespmem:v5+s13+$0x0], $0xffff  }
0x398: {  	v12 =	vld.idx.msk [tilespmem:v1+s26+$0x0], $0xffff  }
0x399: {  	v1 =	vld.idx.msk [tilespmem:v1+s13+$0x0], $0xffff;
	v6 =	vsub.f32 v8, v6  }
0x39a: {  	v7 =	vsub.f32 v10, v7;
	v8 =	vsub.f32 v11, v8  }
0x39b: {  	v4 =	vsub.f32 v9, v4;
	v9 =	vsub.f32 v2, v9  }
0x39c: {  	v5 =	vsub.f32 v46, v11;
	v2 =	vsub.f32 v3, v2  }
0x39d: {  	v10 =	vsub.f32 v12, v10;
	v3 =	vmul.f32 v8, v7;
	v47 =	vmul.f32 v9, v6  }
0x39e: {  	v1 =	vsub.f32 v1, v12;
	v13 =	vmul.f32 v8, v4;
	v7 =	vmul.f32 v9, v7  }
0x39f: {  	v48 =	vmul.f32 v2, v8;
	v4 =	vmul.f32 v10, v4  }
0x3a0: {  	v14 =	vmul.f32 v5, v9;
	v9 =	vmul.f32 v1, v9  }
0x3a1: {  	v49 =	vmul.f32 v2, v10;
	v6 =	vmul.f32 v10, v6  }
0x3a2: {  	v10 =	vmul.f32 v5, v10;
	v11 =	vsub.f32 v47, v13;
	v12 =	vsub.f32 v48, v14  }
0x3a3: {  	v8 =	vmul.f32 v1, v8;
	v4 =	vsub.f32 v4, v7;
	v50 =	vsub.f32 v9, v49  }
0x3a4: {  	v3 =	vsub.f32 v3, v6;
	v51 =	vmul.f32 v11, v11;
	v52 =	vmul.f32 v12, v12  }
0x3a5: {  	v8 =	vsub.f32 v10, v8;
	v53 =	vmul.f32 v4, v4;
	v13 =	vmul.f32 v50, v50  }
0x3a6: {  	v54 =	vmul.f32 v3, v3  }
0x3a7: {  	v55 =	vmul.f32 v8, v8;
	v6 =	vadd.f32 v53, v51;
	v9 =	vadd.f32 v13, v52;
	_ =	sdelay $0x1  }
0x3a8: {  	v6 =	vadd.f32 v6, v54;
	v9 =	vadd.f32 v9, v55;
	_ =	sdelay $0x1  }
0x3a9: {  	v6 =	vmul.f32 v9, v6;
	_ =	sdelay $0x1  }
0x3aa: {  	v9 =	vshrl.u32 v6, $0x1  }
0x3ab: {  	v9 =	vsub.s32 $0x5F3759DF, v9  }
0x3ac: {  	v56 =	vmul.f32 v9, v6;
	_ =	sdelay $0x1  }
0x3ad: {  	v10 =	vmul.f32 $5.000000000e-01, v56;
	_ =	sdelay $0x1  }
0x3ae: {  	v10 =	vmul.f32 v9, v10;
	_ =	sdelay $0x1  }
0x3af: {  	v10 =	vsub.f32 $1.500000000e+00, v10;
	_ =	sdelay $0x1  }
0x3b0: {  	v9 =	vmul.f32 v9, v10;
	_ =	sdelay $0x1  }
0x3b1: {  	v10 =	vmul.f32 v9, v6;
	_ =	sdelay $0x1  }
0x3b2: {  	v10 =	vmul.f32 $5.000000000e-01, v10;
	_ =	sdelay $0x1  }
0x3b3: {  	v10 =	vmul.f32 v10, v9;
	_ =	sdelay $0x1  }
0x3b4: {  	v10 =	vsub.f32 $1.500000000e+00, v10;
	_ =	sdelay $0x1  }
0x3b5: {  	v9 =	vmul.f32 v10, v9;
	_ =	sdelay $0x1  }
0x3b6: {  	v6 =	vmul.f32 v9, v6;
	_ =	sdelay $0x1  }
0x3b7: {  	v6 =	vmul.f32 $5.000000000e-01, v6  }
0x3b8: {  	v57 =	vmul.f32 v12, v11  }
0x3b9: {  	v7 =	vmul.f32 v50, v4;
	v6 =	vmul.f32 v6, v9;
	_ =	sdelay $0x1  }
0x3ba: {  	v8 =	vmul.f32 v8, v3;
	v7 =	vadd.f32 v7, v57;
	v6 =	vsub.f32 $1.500000000e+00, v6;
	_ =	sdelay $0x1  }
0x3bb: {  	v7 =	vadd.f32 v7, v8;
	v6 =	vmul.f32 v6, v9;
	_ =	sdelay $0x1  }
0x3bc: {  	v6 =	vmul.f32 v6, v7;
	_ =	sdelay $0x1  }
0x3bd: {  	v6 =	vmax.f32 v6, $-1.000000000e+00  }
0x3be: {  	v6 =	vmin.f32 v6, $1.000000000e+00  }
0x3bf: {  	v58 =	vand.u32 $0x7FFFFFFF, v6  }
0x3c0: {  	v59 =	vsub.f32 $1.000000000e+00, v58;
	_ =	sdelay $0x1  }
0x3c1: {  	v60 =	vshrl.u32 v59, $0x1  }
0x3c2: {  	v9 =	vsub.s32 $0x5F3759DF, v60  }
0x3c3: {  	v61 =	vmul.f32 v9, v59;
	_ =	sdelay $0x1  }
0x3c4: {  	v10 =	vmul.f32 $5.000000000e-01, v61;
	_ =	sdelay $0x1  }
0x3c5: {  	v10 =	vmul.f32 v9, v10;
	_ =	sdelay $0x1  }
0x3c6: {  	v10 =	vsub.f32 $1.500000000e+00, v10;
	_ =	sdelay $0x1  }
0x3c7: {  	v9 =	vmul.f32 v9, v10;
	_ =	sdelay $0x1  }
0x3c8: {  	v10 =	vmul.f32 v9, v59;
	_ =	sdelay $0x1  }
0x3c9: {  	v10 =	vmul.f32 $5.000000000e-01, v10;
	_ =	sdelay $0x1  }
0x3ca: {  	v10 =	vmul.f32 v10, v9;
	_ =	sdelay $0x1  }
0x3cb: {  	v10 =	vsub.f32 $1.500000000e+00, v10;
	_ =	sdelay $0x1  }
0x3cc: {  	v9 =	vmul.f32 v10, v9;
	_ =	sdelay $0x1  }
0x3cd: {  	v62 =	vmul.f32 $-1.872929930e-02, v58;
	v10 =	vmul.f32 v9, v59;
	_ =	sdelay $0x1  }
0x3ce: {  	v12 =	vadd.f32 $7.426100220e-02, v62;
	v10 =	vmul.f32 $5.000000000e-01, v10;
	_ =	sdelay $0x1  }
0x3cf: {  	v12 =	vmul.f32 v12, v58;
	v10 =	vmul.f32 v10, v9;
	_ =	sdelay $0x1  }
0x3d0: {  	v12 =	vadd.f32 $-2.121143940e-01, v12;
	v10 =	vsub.f32 $1.500000000e+00, v10;
	_ =	sdelay $0x1  }
0x3d1: {  	v7 =	vmul.f32 v12, v58;
	v9 =	vmul.f32 v10, v9;
	_ =	sdelay $0x1  }
0x3d2: {  	v7 =	vadd.f32 $1.570728780e+00, v7;
	v8 =	vmul.f32 v9, v59  }
0x3d3: {  	v1 =	vmul.f32 v11, v1  }
0x3d4: {  	v4 =	vmul.f32 v5, v4;
	v63 =	vmul.f32 v8, v7;
	_ =	sdelay $0x1  }
0x3d5: {  	v2 =	vmul.f32 v2, v3;
	v1 =	vadd.f32 v4, v1;
	v3 =	vsub.f32 $3.141592740e+00, v63  }
0x3d6: {  	vm0 =	vge.f32 v6, $0.0e+00  }
0x3d7: {  	v1 =	vadd.f32 v2, v1;
	v2 =	vsel vm0, v63, v3  }
0x3d8: {  	v3 =	vsub.f32 $0.0e+00, v2  }
0x3d9: {  	vm15 =	vgt.f32 v1, $0.0e+00  }
0x3da: {  	s0 =	sadd.s32 $0x10, s0;
	v1 =	vsel vm15, v2, v3  }
.Ltmp20:
0x3db: {  	s31 =	rddreg [dreg:$0x11];
	s1 =	simm.s32 $0x175F0;
	[tilespmem:s0+$0x0] =	vst v1;
	(pc) =	sbr.rel .LBB2_25-.Ltmp20, $4  }
0x3dc: {  	[hbm4b:s31+s4] =	stream.linear.scatter [tilespmem:s1], [sflag:$0x6], $0x80, $0x38;
	[tilespmem:$0x179F0] =	vst v63  }
0x3dd: {  	_ =	swait.ge [sflag:s30], $0x80  }
0x3de: {  	[sflag:s30] =	ssyncset.done $0x0  }
0x3df: {  	s1 =	rddreg [dreg:$0x12];
	[sflag:s30] =	ssyncadd.s32 $0xFFFFFF80  }
.LBB2_26:
0x3e0: {  	_ =	sfence.sel $0x180000  }
0x3e1: {  	[bflag:$0x0] =	sbarrier.arrive $0xFFFF  }
0x3e2: {  	_ =	strace $0x90000047  }
0x3e3: {  	[bflag:$0x2] =	sbarrier.arrive $0xFFFF  }
0x3e4: {  	p0 =	sne.s32 s5, $0x0;
	s0 =	rddreg [dreg:$0x3]  }
0x3e5: {  	s0 =	sadd.s32 @!p0 $0x100000, s0  }
0x3e6: {  	[sflag:s0] =	ssyncadd.tile.s32 @!p0 $0x1;
	_ =	shalt  }
.Lfunc_end2:
_tile_overlayer_lowered:
.L_overlay_start_2:
0x3e7: {  	(tag) =	ssettag $0x2  }
0x3e8: {  	s0 =	rddreg [dreg:$0x0];
	s2 =	stileid.u32  }
0x3e9: {  	s1 =	rddreg [dreg:$0x1];
	p0 =	sne.s32 s2, $0x0  }
0x3ea: {  	s3 =	rddreg [dreg:$0x2];
	[bflag:$0x3] =	sbarrier.arrive $0xFFFF;
	s2 =	simm.s32 @!p0 $0x1C06  }
0x3eb: {  	[timem:s3], [sflag:s2] =	dma.local @!p0 [hbm:s0], s1  }
0x3ec: {  	s0 =	simm.s32 @!p0 $0x6  }
0x3ed: {  	_ =	swait.ge @!p0 [sflag:s0], s1  }
0x3ee: {  	s1 =	ssub.s32 @!p0 $0x0, s1;
	[sflag:s0] =	ssyncset.done @!p0 $0x0  }
0x3ef: {  	[sflag:s0] =	ssyncadd.s32 @!p0 s1  }
0x3f0: {  	[bflag:$0x3] =	sbarrier.arrive $0xFFFF  }
0x3f1: {  	_ =	shalt  }

</sc_bundles>
